<compile_context>
chip_gen: v7x
topology: tpu7x:2x2x1
jax: 0.10.2.dev20260603
libtpu: 0.0.44.dev20260713+nightly
codegen_flags: <defaults>
</compile_context>

<pallas_src>
import functools

import jax
import jax.numpy as jnp
from jax import lax
from jax.experimental import pallas as pl
from jax.experimental.pallas import tpu as pltpu
from jax.experimental.pallas import tpu_sc as plsc


def _table_body(x_ref, nt_ref, wcatt_ref, tcatt_ref, out_ref):
    acc = lax.dot_general(wcatt_ref[...], x_ref[...],
                          (((1,), (1,)), ((), ())),
                          preferred_element_type=jnp.float32,
                          precision=lax.Precision.HIGHEST)
    nt = nt_ref[...].reshape(1, -1)
    b0 = (nt & 1) == 1
    b1 = nt >= 2
    lo = jnp.where(b0, tcatt_ref[:, 1:2], tcatt_ref[:, 0:1])
    hi = jnp.where(b0, tcatt_ref[:, 3:4], tcatt_ref[:, 2:3])
    out_ref[...] = acc + jnp.where(b1, hi, lo)


def _tanh_body(in_ref, out_ref):
    out_ref[...] = jnp.tanh(in_ref[...])


def _make_sc_edge_kernel(n_tab_words, n_edges, n_nodes):
    nc, ns = 2, 16
    nw = nc * ns
    assert n_edges % 128 == 0
    n_blk = n_edges // 128
    blk_lo = n_blk // nw
    n_hi = n_blk - blk_lo * nw
    cb = 16
    ec = cb * 128
    n_chunks = -(-(blk_lo + (1 if n_hi else 0)) // cb)
    assert blk_lo >= cb

    mesh = plsc.VectorSubcoreMesh(core_axis_name="c", subcore_axis_name="s",
                                  num_cores=nc, num_subcores=ns)

    @functools.partial(
        pl.kernel,
        out_type=jax.ShapeDtypeStruct((2, 2, n_edges), jnp.float32),
        mesh=mesh,
        compiler_params=pltpu.CompilerParams(needs_layout_passes=False),
        scratch_types=(
            [pltpu.VMEM((n_tab_words,), jnp.float32)]
            + [pltpu.VMEM((ec,), jnp.int32) for _ in range(4)]
            + [pltpu.VMEM((ec,), jnp.float32) for _ in range(8)]
            + [pltpu.SemaphoreType.DMA for _ in range(4)]
        ),
    )
    def sc_edge_kernel(tab_hbm, ei_hbm, out_hbm, tab_v,
                       s0, s1, d0, d1,
                       o00, o01, o02, o03, o10, o11, o12, o13,
                       semi0, semi1, semo0, semo1):
        w = lax.axis_index("s") * nc + lax.axis_index("c")
        blk0 = w * blk_lo + jnp.minimum(w, n_hi)
        my_blks = blk_lo + jnp.where(w < n_hi, 1, 0)
        semi = (semi0, semi1)
        semo = (semo0, semo1)
        srcs = (s0, s1)
        dsts = (d0, d1)
        obufs = ((o00, o01, o02, o03), (o10, o11, o12, o13))

        def chunk_base(k):
            return (blk0 + jnp.minimum(k * cb, my_blks - cb)) * 128

        def start_idx(k):
            b = k % 2
            e0 = chunk_base(k)
            return (
                pltpu.async_copy(ei_hbm.at[0, pl.ds(e0, ec)], srcs[b],
                                 semi[b]),
                pltpu.async_copy(ei_hbm.at[1, pl.ds(e0, ec)], dsts[b],
                                 semi[b]),
            )

        in_flight = start_idx(0)
        pltpu.sync_copy(tab_hbm, tab_v)
        out_flight = {0: (), 1: ()}

        for k in range(n_chunks):
            b = k % 2
            for cp in in_flight:
                cp.wait()
            if k + 1 < n_chunks:
                in_flight = start_idx(k + 1)
            for cp in out_flight[b]:
                cp.wait()
            out_flight[b] = ()

            sv = srcs[b]
            dv = dsts[b]
            bufs = obufs[b]

            @plsc.parallel_loop(0, ec // 16, unroll=8)
            def group(g):
                s = sv[pl.ds(g * 16, 16)]
                d = dv[pl.ds(g * 16, 16)]
                for c in range(4):
                    a = plsc.load_gather(tab_v, [s + c * n_nodes])
                    bb = plsc.load_gather(tab_v, [d + (4 + c) * n_nodes])
                    bufs[c][pl.ds(g * 16, 16)] = a + bb

            e0 = chunk_base(k)
            out_flight[b] = tuple(
                pltpu.async_copy(bufs[c],
                                 out_hbm.at[c // 2, c % 2, pl.ds(e0, ec)],
                                 semo[b])
                for c in range(4))

        for b in (0, 1):
            for cp in out_flight[b]:
                cp.wait()

    return sc_edge_kernel


def kernel(x, edge_index, edge_types, node_types, W):
    n, d = x.shape
    e = edge_index.shape[1]
    wcatt = jnp.concatenate([W[:d], W[d:2 * d]], axis=1).T
    tcatt = jnp.concatenate([W[2 * d:2 * d + 4],
                             W[2 * d + 4:2 * d + 8]], axis=1).T

    table = pl.pallas_call(
        _table_body,
        out_shape=jax.ShapeDtypeStruct((8, n), jnp.float32),
    )(x, node_types, wcatt, tcatt)

    tab_flat = table.reshape(-1)
    sums = _make_sc_edge_kernel(tab_flat.shape[0], e, n)(tab_flat, edge_index)

    grid = 10
    blk = e // grid
    out = pl.pallas_call(
        _tanh_body,
        grid=(grid,),
        in_specs=[pl.BlockSpec((2, 2, blk), lambda i: (0, 0, i))],
        out_specs=pl.BlockSpec((2, 2, blk), lambda i: (0, 0, i)),
        out_shape=jax.ShapeDtypeStruct((2, 2, e), jnp.float32),
    )(sums)
    return jnp.transpose(out, (2, 0, 1))

# --- scband reference (transcript-rebuilt; emitter-appended) ---
"""Pipeline reference for scband-node-type-concat-sheaf-learner-31842887533254 (READ-ONLY COPY).

The authoritative reference and input builder live on the scoring server;
editing this copy changes nothing except your own understanding.
"""

import jax, jax.numpy as jnp
import numpy as np

N_NODES = 10000
N_EDGES = 320000
D_FEAT = 128
NUM_NODE_TYPES = 4
OUT_SHAPE = (2, 2)
IN_DIM = D_FEAT * 2 + NUM_NODE_TYPES * 2  # 264
OUT_DIM = int(np.prod(OUT_SHAPE))  # 4


def setup_inputs(seed: int = 0) -> dict:
    key = jax.random.key(seed)
    k1, k2, k3, k4, k5 = jax.random.split(key, 5)
    x = jax.random.normal(k1, (N_NODES, D_FEAT), dtype=jnp.float32)
    edge_index = jax.random.randint(k2, (2, N_EDGES), 0, N_NODES, dtype=jnp.int32)
    edge_types = jax.random.randint(k3, (N_EDGES,), 0, 12, dtype=jnp.int32)
    node_types = jax.random.randint(k4, (N_NODES,), 0, NUM_NODE_TYPES, dtype=jnp.int32)
    # Linear(264 -> 4, bias=False); stored as [in, out] for x @ W
    bound = 1.0 / np.sqrt(IN_DIM)
    W = jax.random.uniform(k5, (IN_DIM, OUT_DIM), dtype=jnp.float32, minval=-bound, maxval=bound)
    return {"x": x, "edge_index": edge_index, "edge_types": edge_types, "node_types": node_types, "W": W}


def reference(x, edge_index, edge_types, node_types, W):
    src = edge_index[0]
    dst = edge_index[1]
    x_src = jnp.take(x, src, axis=0)
    x_dst = jnp.take(x, dst, axis=0)
    node_types_one_hot = jax.nn.one_hot(node_types, NUM_NODE_TYPES, dtype=x.dtype)
    src_type = jnp.take(node_types_one_hot, src, axis=0)
    dst_type = jnp.take(node_types_one_hot, dst, axis=0)
    x_cat = jnp.concatenate([x_src, x_dst, src_type, dst_type], axis=1)
    maps = x_cat @ W
    maps = jnp.tanh(maps)
    return maps.reshape(-1, OUT_SHAPE[0], OUT_SHAPE[1])

if __name__ == "__main__":
    import jax
    _d = setup_inputs()
    print(jax.jit(kernel)(*tuple(_d.values())))

</pallas_src>

<mosaic_0001>
#map = affine_map<(d0, d1) -> (0)>
#map1 = affine_map<(d0, d1) -> (0, 0)>
#map2 = affine_map<(d0, d1) -> (0, 0, 0)>
module attributes {stable_mosaic.version = 14 : i64} {
  func.func @sc_edge_kernel(%arg0: i32, %arg1: i32, %arg2: memref<80000xf32, #tpu.memory_space<hbm>>, %arg3: memref<2x320000xi32, #tpu.memory_space<hbm>>, %arg4: memref<2x2x320000xf32, #tpu.memory_space<hbm>>, %arg5: memref<80000xf32, #tpu.memory_space<vmem>>, %arg6: memref<2048xi32, #tpu.memory_space<vmem>>, %arg7: memref<2048xi32, #tpu.memory_space<vmem>>, %arg8: memref<2048xi32, #tpu.memory_space<vmem>>, %arg9: memref<2048xi32, #tpu.memory_space<vmem>>, %arg10: memref<2048xf32, #tpu.memory_space<vmem>>, %arg11: memref<2048xf32, #tpu.memory_space<vmem>>, %arg12: memref<2048xf32, #tpu.memory_space<vmem>>, %arg13: memref<2048xf32, #tpu.memory_space<vmem>>, %arg14: memref<2048xf32, #tpu.memory_space<vmem>>, %arg15: memref<2048xf32, #tpu.memory_space<vmem>>, %arg16: memref<2048xf32, #tpu.memory_space<vmem>>, %arg17: memref<2048xf32, #tpu.memory_space<vmem>>, %arg18: memref<!tpu.dma_semaphore, #tpu.memory_space<semaphore_mem>>, %arg19: memref<!tpu.dma_semaphore, #tpu.memory_space<semaphore_mem>>, %arg20: memref<!tpu.dma_semaphore, #tpu.memory_space<semaphore_mem>>, %arg21: memref<!tpu.dma_semaphore, #tpu.memory_space<semaphore_mem>>) attributes {dimension_semantics = [#tpu.dimension_semantics<core_parallel>, #tpu.dimension_semantics<subcore_parallel>], iteration_bounds = array<i64: 2, 16>, scalar_prefetch = 0 : i64, scratch_operands = 17 : i64, tpu.core_type = #tpu.core_type<sc_vector_subcore>, window_params = [{transform_indices = #map}, {transform_indices = #map1}, {transform_indices = #map2}]} {
    %mul3A = arith.constant 2 : i32
    %mul3A_0 = arith.muli %arg1, %mul3A : i32
    %add3A = arith.addi %mul3A_0, %arg0 : i32
    %mul3A_1 = arith.constant 78 : i32
    %mul3A_2 = arith.muli %add3A, %mul3A_1 : i32
    %min3A = arith.constant 4 : i32
    %min3A_3 = arith.minsi %add3A, %min3A : i32
    %add3A_4 = arith.addi %mul3A_2, %min3A_3 : i32
    %lt3A = arith.constant 4 : i32
    %lt3A_5 = arith.cmpi slt, %add3A, %lt3A : i32
    %jit3A = arith.constant 1 : i32
    %jit3A_6 = arith.constant 0 : i32
    %select_n3A = arith.select %lt3A_5, %jit3A, %jit3A_6 : i32
    %add3A_7 = arith.constant 78 : i32
    %add3A_8 = arith.addi %add3A_7, %select_n3A : i32
    %sub3A = arith.constant 16 : i32
    %sub3A_9 = arith.subi %add3A_8, %sub3A : i32
    %min3A_10 = arith.constant 0 : i32
    %min3A_11 = arith.minsi %min3A_10, %sub3A_9 : i32
    %add3A_12 = arith.addi %add3A_4, %min3A_11 : i32
    %mul3A_13 = arith.constant 128 : i32
    %mul3A_14 = arith.muli %add3A_12, %mul3A_13 : i32
    %dma_start3A = arith.constant 0 : i32
    %dma_start3A_15 = tpu.memref_slice %arg3[%dma_start3A, %mul3A_14] : memref<2x320000xi32, #tpu.memory_space<hbm>> -> memref<1x2048xi32, #tpu.memory_space<hbm>>
    %dma_start3A_16 = tpu.memref_squeeze %dma_start3A_15 : memref<1x2048xi32, #tpu.memory_space<hbm>> -> memref<2048xi32, #tpu.memory_space<hbm>>
    %dma_start3A_17 = tpu.memref_slice %arg3[%dma_start3A, %mul3A_14] : memref<2x320000xi32, #tpu.memory_space<hbm>> -> memref<1x2048xi32, #tpu.memory_space<hbm>>
    %dma_start3A_18 = tpu.memref_squeeze %dma_start3A_17 : memref<1x2048xi32, #tpu.memory_space<hbm>> -> memref<2048xi32, #tpu.memory_space<hbm>>
    tpu.enqueue_dma source(%dma_start3A_18 : memref<2048xi32, #tpu.memory_space<hbm>>) target(%arg6 : memref<2048xi32, #tpu.memory_space<vmem>>) target_semaphore(%arg18 : memref<!tpu.dma_semaphore, #tpu.memory_space<semaphore_mem>>)
    %dma_start3A_19 = arith.constant 1 : i32
    %dma_start3A_20 = tpu.memref_slice %arg3[%dma_start3A_19, %mul3A_14] : memref<2x320000xi32, #tpu.memory_space<hbm>> -> memref<1x2048xi32, #tpu.memory_space<hbm>>
    %dma_start3A_21 = tpu.memref_squeeze %dma_start3A_20 : memref<1x2048xi32, #tpu.memory_space<hbm>> -> memref<2048xi32, #tpu.memory_space<hbm>>
    %dma_start3A_22 = tpu.memref_slice %arg3[%dma_start3A_19, %mul3A_14] : memref<2x320000xi32, #tpu.memory_space<hbm>> -> memref<1x2048xi32, #tpu.memory_space<hbm>>
    %dma_start3A_23 = tpu.memref_squeeze %dma_start3A_22 : memref<1x2048xi32, #tpu.memory_space<hbm>> -> memref<2048xi32, #tpu.memory_space<hbm>>
    tpu.enqueue_dma source(%dma_start3A_23 : memref<2048xi32, #tpu.memory_space<hbm>>) target(%arg8 : memref<2048xi32, #tpu.memory_space<vmem>>) target_semaphore(%arg18 : memref<!tpu.dma_semaphore, #tpu.memory_space<semaphore_mem>>)
    "tpu.region"() ({
      %run_scoped3A = tpu.sem_alloc : memref<!tpu.dma_semaphore, #tpu.memory_space<semaphore_mem>>
      tpu.enqueue_dma source(%arg2 : memref<80000xf32, #tpu.memory_space<hbm>>) target(%arg5 : memref<80000xf32, #tpu.memory_space<vmem>>) target_semaphore(%run_scoped3A : memref<!tpu.dma_semaphore, #tpu.memory_space<semaphore_mem>>)
      tpu.wait_dma2 semaphore(%run_scoped3A : memref<!tpu.dma_semaphore, #tpu.memory_space<semaphore_mem>>) src(%arg2 : memref<80000xf32, #tpu.memory_space<hbm>>) dst(%arg5 : memref<80000xf32, #tpu.memory_space<vmem>>)
      tpu.yield
    }) : () -> ()
    %dma_wait3A = arith.constant 0 : i32
    %dma_wait3A_24 = tpu.memref_slice %arg3[%dma_wait3A, %mul3A_14] : memref<2x320000xi32, #tpu.memory_space<hbm>> -> memref<1x2048xi32, #tpu.memory_space<hbm>>
    %dma_wait3A_25 = tpu.memref_squeeze %dma_wait3A_24 : memref<1x2048xi32, #tpu.memory_space<hbm>> -> memref<2048xi32, #tpu.memory_space<hbm>>
    %dma_wait3A_26 = tpu.memref_slice %arg3[%dma_wait3A, %mul3A_14] : memref<2x320000xi32, #tpu.memory_space<hbm>> -> memref<1x2048xi32, #tpu.memory_space<hbm>>
    %dma_wait3A_27 = tpu.memref_squeeze %dma_wait3A_26 : memref<1x2048xi32, #tpu.memory_space<hbm>> -> memref<2048xi32, #tpu.memory_space<hbm>>
    tpu.wait_dma2 semaphore(%arg18 : memref<!tpu.dma_semaphore, #tpu.memory_space<semaphore_mem>>) src(%dma_wait3A_27 : memref<2048xi32, #tpu.memory_space<hbm>>) dst(%arg6 : memref<2048xi32, #tpu.memory_space<vmem>>)
    %dma_wait3A_28 = arith.constant 1 : i32
    %dma_wait3A_29 = tpu.memref_slice %arg3[%dma_wait3A_28, %mul3A_14] : memref<2x320000xi32, #tpu.memory_space<hbm>> -> memref<1x2048xi32, #tpu.memory_space<hbm>>
    %dma_wait3A_30 = tpu.memref_squeeze %dma_wait3A_29 : memref<1x2048xi32, #tpu.memory_space<hbm>> -> memref<2048xi32, #tpu.memory_space<hbm>>
    %dma_wait3A_31 = tpu.memref_slice %arg3[%dma_wait3A_28, %mul3A_14] : memref<2x320000xi32, #tpu.memory_space<hbm>> -> memref<1x2048xi32, #tpu.memory_space<hbm>>
    %dma_wait3A_32 = tpu.memref_squeeze %dma_wait3A_31 : memref<1x2048xi32, #tpu.memory_space<hbm>> -> memref<2048xi32, #tpu.memory_space<hbm>>
    tpu.wait_dma2 semaphore(%arg18 : memref<!tpu.dma_semaphore, #tpu.memory_space<semaphore_mem>>) src(%dma_wait3A_32 : memref<2048xi32, #tpu.memory_space<hbm>>) dst(%arg8 : memref<2048xi32, #tpu.memory_space<vmem>>)
    %sub3A_33 = arith.constant 16 : i32
    %sub3A_34 = arith.subi %add3A_8, %sub3A_33 : i32
    %min3A_35 = arith.constant 16 : i32
    %min3A_36 = arith.minsi %min3A_35, %sub3A_34 : i32
    %add3A_37 = arith.addi %add3A_4, %min3A_36 : i32
    %mul3A_38 = arith.constant 128 : i32
    %mul3A_39 = arith.muli %add3A_37, %mul3A_38 : i32
    %dma_start3A_40 = arith.constant 0 : i32
    %dma_start3A_41 = tpu.memref_slice %arg3[%dma_start3A_40, %mul3A_39] : memref<2x320000xi32, #tpu.memory_space<hbm>> -> memref<1x2048xi32, #tpu.memory_space<hbm>>
    %dma_start3A_42 = tpu.memref_squeeze %dma_start3A_41 : memref<1x2048xi32, #tpu.memory_space<hbm>> -> memref<2048xi32, #tpu.memory_space<hbm>>
    %dma_start3A_43 = tpu.memref_slice %arg3[%dma_start3A_40, %mul3A_39] : memref<2x320000xi32, #tpu.memory_space<hbm>> -> memref<1x2048xi32, #tpu.memory_space<hbm>>
    %dma_start3A_44 = tpu.memref_squeeze %dma_start3A_43 : memref<1x2048xi32, #tpu.memory_space<hbm>> -> memref<2048xi32, #tpu.memory_space<hbm>>
    tpu.enqueue_dma source(%dma_start3A_44 : memref<2048xi32, #tpu.memory_space<hbm>>) target(%arg7 : memref<2048xi32, #tpu.memory_space<vmem>>) target_semaphore(%arg19 : memref<!tpu.dma_semaphore, #tpu.memory_space<semaphore_mem>>)
    %dma_start3A_45 = arith.constant 1 : i32
    %dma_start3A_46 = tpu.memref_slice %arg3[%dma_start3A_45, %mul3A_39] : memref<2x320000xi32, #tpu.memory_space<hbm>> -> memref<1x2048xi32, #tpu.memory_space<hbm>>
    %dma_start3A_47 = tpu.memref_squeeze %dma_start3A_46 : memref<1x2048xi32, #tpu.memory_space<hbm>> -> memref<2048xi32, #tpu.memory_space<hbm>>
    %dma_start3A_48 = tpu.memref_slice %arg3[%dma_start3A_45, %mul3A_39] : memref<2x320000xi32, #tpu.memory_space<hbm>> -> memref<1x2048xi32, #tpu.memory_space<hbm>>
    %dma_start3A_49 = tpu.memref_squeeze %dma_start3A_48 : memref<1x2048xi32, #tpu.memory_space<hbm>> -> memref<2048xi32, #tpu.memory_space<hbm>>
    tpu.enqueue_dma source(%dma_start3A_49 : memref<2048xi32, #tpu.memory_space<hbm>>) target(%arg9 : memref<2048xi32, #tpu.memory_space<vmem>>) target_semaphore(%arg19 : memref<!tpu.dma_semaphore, #tpu.memory_space<semaphore_mem>>)
    %parallel_loop3A = arith.constant 0 : i32
    %parallel_loop3A_50 = arith.constant 128 : i32
    %parallel_loop3A_51 = arith.constant 1 : i32
    scf.for %parallel_loop3A_430 = %parallel_loop3A to %parallel_loop3A_50 step %parallel_loop3A_51  : i32 {
      %parallel_loop3A_431 = arith.constant 16 : i32
      %parallel_loop3A_432 = arith.muli %parallel_loop3A_430, %parallel_loop3A_431 : i32
      %parallel_loop3A_433 = arith.index_cast %parallel_loop3A_432 : i32 to index
      %parallel_loop3A_434 = tpu.vector_load %arg6[%parallel_loop3A_433] {strides = array<i32>} : memref<2048xi32, #tpu.memory_space<vmem>>, vector<16xi32>,
      %parallel_loop3A_435 = arith.constant 16 : i32
      %parallel_loop3A_436 = arith.muli %parallel_loop3A_430, %parallel_loop3A_435 : i32
      %parallel_loop3A_437 = arith.index_cast %parallel_loop3A_436 : i32 to index
      %parallel_loop3A_438 = tpu.vector_load %arg8[%parallel_loop3A_437] {strides = array<i32>} : memref<2048xi32, #tpu.memory_space<vmem>>, vector<16xi32>,
      %parallel_loop3A_439 = arith.constant 0 : i32
      %parallel_loop3A_440 = vector.broadcast %parallel_loop3A_439 : i32 to vector<16xi32>
      %parallel_loop3A_441 = arith.addi %parallel_loop3A_434, %parallel_loop3A_440 : vector<16xi32>
      %parallel_loop3A_442 = tpu.vector_load_idx %arg5[%parallel_loop3A_441] : memref<80000xf32, #tpu.memory_space<vmem>>[vector<16xi32>], vector<16xf32>,
      %parallel_loop3A_443 = arith.constant 40000 : i32
      %parallel_loop3A_444 = vector.broadcast %parallel_loop3A_443 : i32 to vector<16xi32>
      %parallel_loop3A_445 = arith.addi %parallel_loop3A_438, %parallel_loop3A_444 : vector<16xi32>
      %parallel_loop3A_446 = tpu.vector_load_idx %arg5[%parallel_loop3A_445] : memref<80000xf32, #tpu.memory_space<vmem>>[vector<16xi32>], vector<16xf32>,
      %parallel_loop3A_447 = arith.addf %parallel_loop3A_442, %parallel_loop3A_446 : vector<16xf32>
      %parallel_loop3A_448 = arith.constant 16 : i32
      %parallel_loop3A_449 = arith.muli %parallel_loop3A_430, %parallel_loop3A_448 : i32
      %parallel_loop3A_450 = arith.index_cast %parallel_loop3A_449 : i32 to index
      %parallel_loop3A_451 = tpu.vector_load %arg10[%parallel_loop3A_450] {strides = array<i32>} : memref<2048xf32, #tpu.memory_space<vmem>>, vector<16xf32>,
      tpu.vector_store %arg10[%parallel_loop3A_450], %parallel_loop3A_447 {strides = array<i32>} : memref<2048xf32, #tpu.memory_space<vmem>>, vector<16xf32>,
      %parallel_loop3A_452 = arith.constant 10000 : i32
      %parallel_loop3A_453 = vector.broadcast %parallel_loop3A_452 : i32 to vector<16xi32>
      %parallel_loop3A_454 = arith.addi %parallel_loop3A_434, %parallel_loop3A_453 : vector<16xi32>
      %parallel_loop3A_455 = tpu.vector_load_idx %arg5[%parallel_loop3A_454] : memref<80000xf32, #tpu.memory_space<vmem>>[vector<16xi32>], vector<16xf32>,
      %parallel_loop3A_456 = arith.constant 50000 : i32
      %parallel_loop3A_457 = vector.broadcast %parallel_loop3A_456 : i32 to vector<16xi32>
      %parallel_loop3A_458 = arith.addi %parallel_loop3A_438, %parallel_loop3A_457 : vector<16xi32>
      %parallel_loop3A_459 = tpu.vector_load_idx %arg5[%parallel_loop3A_458] : memref<80000xf32, #tpu.memory_space<vmem>>[vector<16xi32>], vector<16xf32>,
      %parallel_loop3A_460 = arith.addf %parallel_loop3A_455, %parallel_loop3A_459 : vector<16xf32>
      %parallel_loop3A_461 = arith.constant 16 : i32
      %parallel_loop3A_462 = arith.muli %parallel_loop3A_430, %parallel_loop3A_461 : i32
      %parallel_loop3A_463 = arith.index_cast %parallel_loop3A_462 : i32 to index
      %parallel_loop3A_464 = tpu.vector_load %arg11[%parallel_loop3A_463] {strides = array<i32>} : memref<2048xf32, #tpu.memory_space<vmem>>, vector<16xf32>,
      tpu.vector_store %arg11[%parallel_loop3A_463], %parallel_loop3A_460 {strides = array<i32>} : memref<2048xf32, #tpu.memory_space<vmem>>, vector<16xf32>,
      %parallel_loop3A_465 = arith.constant 20000 : i32
      %parallel_loop3A_466 = vector.broadcast %parallel_loop3A_465 : i32 to vector<16xi32>
      %parallel_loop3A_467 = arith.addi %parallel_loop3A_434, %parallel_loop3A_466 : vector<16xi32>
      %parallel_loop3A_468 = tpu.vector_load_idx %arg5[%parallel_loop3A_467] : memref<80000xf32, #tpu.memory_space<vmem>>[vector<16xi32>], vector<16xf32>,
      %parallel_loop3A_469 = arith.constant 60000 : i32
      %parallel_loop3A_470 = vector.broadcast %parallel_loop3A_469 : i32 to vector<16xi32>
      %parallel_loop3A_471 = arith.addi %parallel_loop3A_438, %parallel_loop3A_470 : vector<16xi32>
      %parallel_loop3A_472 = tpu.vector_load_idx %arg5[%parallel_loop3A_471] : memref<80000xf32, #tpu.memory_space<vmem>>[vector<16xi32>], vector<16xf32>,
      %parallel_loop3A_473 = arith.addf %parallel_loop3A_468, %parallel_loop3A_472 : vector<16xf32>
      %parallel_loop3A_474 = arith.constant 16 : i32
      %parallel_loop3A_475 = arith.muli %parallel_loop3A_430, %parallel_loop3A_474 : i32
      %parallel_loop3A_476 = arith.index_cast %parallel_loop3A_475 : i32 to index
      %parallel_loop3A_477 = tpu.vector_load %arg12[%parallel_loop3A_476] {strides = array<i32>} : memref<2048xf32, #tpu.memory_space<vmem>>, vector<16xf32>,
      tpu.vector_store %arg12[%parallel_loop3A_476], %parallel_loop3A_473 {strides = array<i32>} : memref<2048xf32, #tpu.memory_space<vmem>>, vector<16xf32>,
      %parallel_loop3A_478 = arith.constant 30000 : i32
      %parallel_loop3A_479 = vector.broadcast %parallel_loop3A_478 : i32 to vector<16xi32>
      %parallel_loop3A_480 = arith.addi %parallel_loop3A_434, %parallel_loop3A_479 : vector<16xi32>
      %parallel_loop3A_481 = tpu.vector_load_idx %arg5[%parallel_loop3A_480] : memref<80000xf32, #tpu.memory_space<vmem>>[vector<16xi32>], vector<16xf32>,
      %parallel_loop3A_482 = arith.constant 70000 : i32
      %parallel_loop3A_483 = vector.broadcast %parallel_loop3A_482 : i32 to vector<16xi32>
      %parallel_loop3A_484 = arith.addi %parallel_loop3A_438, %parallel_loop3A_483 : vector<16xi32>
      %parallel_loop3A_485 = tpu.vector_load_idx %arg5[%parallel_loop3A_484] : memref<80000xf32, #tpu.memory_space<vmem>>[vector<16xi32>], vector<16xf32>,
      %parallel_loop3A_486 = arith.addf %parallel_loop3A_481, %parallel_loop3A_485 : vector<16xf32>
      %parallel_loop3A_487 = arith.constant 16 : i32
      %parallel_loop3A_488 = arith.muli %parallel_loop3A_430, %parallel_loop3A_487 : i32
      %parallel_loop3A_489 = arith.index_cast %parallel_loop3A_488 : i32 to index
      %parallel_loop3A_490 = tpu.vector_load %arg13[%parallel_loop3A_489] {strides = array<i32>} : memref<2048xf32, #tpu.memory_space<vmem>>, vector<16xf32>,
      tpu.vector_store %arg13[%parallel_loop3A_489], %parallel_loop3A_486 {strides = array<i32>} : memref<2048xf32, #tpu.memory_space<vmem>>, vector<16xf32>,
    } {sc.loop_unroll_factor = 8 : i64, sc.parallel_access}
    %sub3A_52 = arith.constant 16 : i32
    %sub3A_53 = arith.subi %add3A_8, %sub3A_52 : i32
    %min3A_54 = arith.constant 0 : i32
    %min3A_55 = arith.minsi %min3A_54, %sub3A_53 : i32
    %add3A_56 = arith.addi %add3A_4, %min3A_55 : i32
    %mul3A_57 = arith.constant 128 : i32
    %mul3A_58 = arith.muli %add3A_56, %mul3A_57 : i32
    %dma_start3A_59 = arith.constant 0 : i32
    %dma_start3A_60 = arith.constant 0 : i32
    %dma_start3A_61 = tpu.memref_slice %arg4[%dma_start3A_59, %dma_start3A_60, %mul3A_58] : memref<2x2x320000xf32, #tpu.memory_space<hbm>> -> memref<1x1x2048xf32, #tpu.memory_space<hbm>>
    %dma_start3A_62 = tpu.memref_squeeze %dma_start3A_61 : memref<1x1x2048xf32, #tpu.memory_space<hbm>> -> memref<2048xf32, #tpu.memory_space<hbm>>
    %dma_start3A_63 = tpu.memref_slice %arg4[%dma_start3A_59, %dma_start3A_60, %mul3A_58] : memref<2x2x320000xf32, #tpu.memory_space<hbm>> -> memref<1x1x2048xf32, #tpu.memory_space<hbm>>
    %dma_start3A_64 = tpu.memref_squeeze %dma_start3A_63 : memref<1x1x2048xf32, #tpu.memory_space<hbm>> -> memref<2048xf32, #tpu.memory_space<hbm>>
    tpu.enqueue_dma source(%arg10 : memref<2048xf32, #tpu.memory_space<vmem>>) target(%dma_start3A_64 : memref<2048xf32, #tpu.memory_space<hbm>>) target_semaphore(%arg20 : memref<!tpu.dma_semaphore, #tpu.memory_space<semaphore_mem>>)
    %dma_start3A_65 = arith.constant 0 : i32
    %dma_start3A_66 = arith.constant 1 : i32
    %dma_start3A_67 = tpu.memref_slice %arg4[%dma_start3A_65, %dma_start3A_66, %mul3A_58] : memref<2x2x320000xf32, #tpu.memory_space<hbm>> -> memref<1x1x2048xf32, #tpu.memory_space<hbm>>
    %dma_start3A_68 = tpu.memref_squeeze %dma_start3A_67 : memref<1x1x2048xf32, #tpu.memory_space<hbm>> -> memref<2048xf32, #tpu.memory_space<hbm>>
    %dma_start3A_69 = tpu.memref_slice %arg4[%dma_start3A_65, %dma_start3A_66, %mul3A_58] : memref<2x2x320000xf32, #tpu.memory_space<hbm>> -> memref<1x1x2048xf32, #tpu.memory_space<hbm>>
    %dma_start3A_70 = tpu.memref_squeeze %dma_start3A_69 : memref<1x1x2048xf32, #tpu.memory_space<hbm>> -> memref<2048xf32, #tpu.memory_space<hbm>>
    tpu.enqueue_dma source(%arg11 : memref<2048xf32, #tpu.memory_space<vmem>>) target(%dma_start3A_70 : memref<2048xf32, #tpu.memory_space<hbm>>) target_semaphore(%arg20 : memref<!tpu.dma_semaphore, #tpu.memory_space<semaphore_mem>>)
    %dma_start3A_71 = arith.constant 1 : i32
    %dma_start3A_72 = arith.constant 0 : i32
    %dma_start3A_73 = tpu.memref_slice %arg4[%dma_start3A_71, %dma_start3A_72, %mul3A_58] : memref<2x2x320000xf32, #tpu.memory_space<hbm>> -> memref<1x1x2048xf32, #tpu.memory_space<hbm>>
    %dma_start3A_74 = tpu.memref_squeeze %dma_start3A_73 : memref<1x1x2048xf32, #tpu.memory_space<hbm>> -> memref<2048xf32, #tpu.memory_space<hbm>>
    %dma_start3A_75 = tpu.memref_slice %arg4[%dma_start3A_71, %dma_start3A_72, %mul3A_58] : memref<2x2x320000xf32, #tpu.memory_space<hbm>> -> memref<1x1x2048xf32, #tpu.memory_space<hbm>>
    %dma_start3A_76 = tpu.memref_squeeze %dma_start3A_75 : memref<1x1x2048xf32, #tpu.memory_space<hbm>> -> memref<2048xf32, #tpu.memory_space<hbm>>
    tpu.enqueue_dma source(%arg12 : memref<2048xf32, #tpu.memory_space<vmem>>) target(%dma_start3A_76 : memref<2048xf32, #tpu.memory_space<hbm>>) target_semaphore(%arg20 : memref<!tpu.dma_semaphore, #tpu.memory_space<semaphore_mem>>)
    %dma_start3A_77 = arith.constant 1 : i32
    %dma_start3A_78 = arith.constant 1 : i32
    %dma_start3A_79 = tpu.memref_slice %arg4[%dma_start3A_77, %dma_start3A_78, %mul3A_58] : memref<2x2x320000xf32, #tpu.memory_space<hbm>> -> memref<1x1x2048xf32, #tpu.memory_space<hbm>>
    %dma_start3A_80 = tpu.memref_squeeze %dma_start3A_79 : memref<1x1x2048xf32, #tpu.memory_space<hbm>> -> memref<2048xf32, #tpu.memory_space<hbm>>
    %dma_start3A_81 = tpu.memref_slice %arg4[%dma_start3A_77, %dma_start3A_78, %mul3A_58] : memref<2x2x320000xf32, #tpu.memory_space<hbm>> -> memref<1x1x2048xf32, #tpu.memory_space<hbm>>
    %dma_start3A_82 = tpu.memref_squeeze %dma_start3A_81 : memref<1x1x2048xf32, #tpu.memory_space<hbm>> -> memref<2048xf32, #tpu.memory_space<hbm>>
    tpu.enqueue_dma source(%arg13 : memref<2048xf32, #tpu.memory_space<vmem>>) target(%dma_start3A_82 : memref<2048xf32, #tpu.memory_space<hbm>>) target_semaphore(%arg20 : memref<!tpu.dma_semaphore, #tpu.memory_space<semaphore_mem>>)
    %dma_wait3A_83 = arith.constant 0 : i32
    %dma_wait3A_84 = tpu.memref_slice %arg3[%dma_wait3A_83, %mul3A_39] : memref<2x320000xi32, #tpu.memory_space<hbm>> -> memref<1x2048xi32, #tpu.memory_space<hbm>>
    %dma_wait3A_85 = tpu.memref_squeeze %dma_wait3A_84 : memref<1x2048xi32, #tpu.memory_space<hbm>> -> memref<2048xi32, #tpu.memory_space<hbm>>
    %dma_wait3A_86 = tpu.memref_slice %arg3[%dma_wait3A_83, %mul3A_39] : memref<2x320000xi32, #tpu.memory_space<hbm>> -> memref<1x2048xi32, #tpu.memory_space<hbm>>
    %dma_wait3A_87 = tpu.memref_squeeze %dma_wait3A_86 : memref<1x2048xi32, #tpu.memory_space<hbm>> -> memref<2048xi32, #tpu.memory_space<hbm>>
    tpu.wait_dma2 semaphore(%arg19 : memref<!tpu.dma_semaphore, #tpu.memory_space<semaphore_mem>>) src(%dma_wait3A_87 : memref<2048xi32, #tpu.memory_space<hbm>>) dst(%arg7 : memref<2048xi32, #tpu.memory_space<vmem>>)
    %dma_wait3A_88 = arith.constant 1 : i32
    %dma_wait3A_89 = tpu.memref_slice %arg3[%dma_wait3A_88, %mul3A_39] : memref<2x320000xi32, #tpu.memory_space<hbm>> -> memref<1x2048xi32, #tpu.memory_space<hbm>>
    %dma_wait3A_90 = tpu.memref_squeeze %dma_wait3A_89 : memref<1x2048xi32, #tpu.memory_space<hbm>> -> memref<2048xi32, #tpu.memory_space<hbm>>
    %dma_wait3A_91 = tpu.memref_slice %arg3[%dma_wait3A_88, %mul3A_39] : memref<2x320000xi32, #tpu.memory_space<hbm>> -> memref<1x2048xi32, #tpu.memory_space<hbm>>
    %dma_wait3A_92 = tpu.memref_squeeze %dma_wait3A_91 : memref<1x2048xi32, #tpu.memory_space<hbm>> -> memref<2048xi32, #tpu.memory_space<hbm>>
    tpu.wait_dma2 semaphore(%arg19 : memref<!tpu.dma_semaphore, #tpu.memory_space<semaphore_mem>>) src(%dma_wait3A_92 : memref<2048xi32, #tpu.memory_space<hbm>>) dst(%arg9 : memref<2048xi32, #tpu.memory_space<vmem>>)
    %sub3A_93 = arith.constant 16 : i32
    %sub3A_94 = arith.subi %add3A_8, %sub3A_93 : i32
    %min3A_95 = arith.constant 32 : i32
    %min3A_96 = arith.minsi %min3A_95, %sub3A_94 : i32
    %add3A_97 = arith.addi %add3A_4, %min3A_96 : i32
    %mul3A_98 = arith.constant 128 : i32
    %mul3A_99 = arith.muli %add3A_97, %mul3A_98 : i32
    %dma_start3A_100 = arith.constant 0 : i32
    %dma_start3A_101 = tpu.memref_slice %arg3[%dma_start3A_100, %mul3A_99] : memref<2x320000xi32, #tpu.memory_space<hbm>> -> memref<1x2048xi32, #tpu.memory_space<hbm>>
    %dma_start3A_102 = tpu.memref_squeeze %dma_start3A_101 : memref<1x2048xi32, #tpu.memory_space<hbm>> -> memref<2048xi32, #tpu.memory_space<hbm>>
    %dma_start3A_103 = tpu.memref_slice %arg3[%dma_start3A_100, %mul3A_99] : memref<2x320000xi32, #tpu.memory_space<hbm>> -> memref<1x2048xi32, #tpu.memory_space<hbm>>
    %dma_start3A_104 = tpu.memref_squeeze %dma_start3A_103 : memref<1x2048xi32, #tpu.memory_space<hbm>> -> memref<2048xi32, #tpu.memory_space<hbm>>
    tpu.enqueue_dma source(%dma_start3A_104 : memref<2048xi32, #tpu.memory_space<hbm>>) target(%arg6 : memref<2048xi32, #tpu.memory_space<vmem>>) target_semaphore(%arg18 : memref<!tpu.dma_semaphore, #tpu.memory_space<semaphore_mem>>)
    %dma_start3A_105 = arith.constant 1 : i32
    %dma_start3A_106 = tpu.memref_slice %arg3[%dma_start3A_105, %mul3A_99] : memref<2x320000xi32, #tpu.memory_space<hbm>> -> memref<1x2048xi32, #tpu.memory_space<hbm>>
    %dma_start3A_107 = tpu.memref_squeeze %dma_start3A_106 : memref<1x2048xi32, #tpu.memory_space<hbm>> -> memref<2048xi32, #tpu.memory_space<hbm>>
    %dma_start3A_108 = tpu.memref_slice %arg3[%dma_start3A_105, %mul3A_99] : memref<2x320000xi32, #tpu.memory_space<hbm>> -> memref<1x2048xi32, #tpu.memory_space<hbm>>
    %dma_start3A_109 = tpu.memref_squeeze %dma_start3A_108 : memref<1x2048xi32, #tpu.memory_space<hbm>> -> memref<2048xi32, #tpu.memory_space<hbm>>
    tpu.enqueue_dma source(%dma_start3A_109 : memref<2048xi32, #tpu.memory_space<hbm>>) target(%arg8 : memref<2048xi32, #tpu.memory_space<vmem>>) target_semaphore(%arg18 : memref<!tpu.dma_semaphore, #tpu.memory_space<semaphore_mem>>)
    %parallel_loop3A_110 = arith.constant 0 : i32
    %parallel_loop3A_111 = arith.constant 128 : i32
    %parallel_loop3A_112 = arith.constant 1 : i32
    scf.for %parallel_loop3A_430 = %parallel_loop3A_110 to %parallel_loop3A_111 step %parallel_loop3A_112  : i32 {
      %parallel_loop3A_431 = arith.constant 16 : i32
      %parallel_loop3A_432 = arith.muli %parallel_loop3A_430, %parallel_loop3A_431 : i32
      %parallel_loop3A_433 = arith.index_cast %parallel_loop3A_432 : i32 to index
      %parallel_loop3A_434 = tpu.vector_load %arg7[%parallel_loop3A_433] {strides = array<i32>} : memref<2048xi32, #tpu.memory_space<vmem>>, vector<16xi32>,
      %parallel_loop3A_435 = arith.constant 16 : i32
      %parallel_loop3A_436 = arith.muli %parallel_loop3A_430, %parallel_loop3A_435 : i32
      %parallel_loop3A_437 = arith.index_cast %parallel_loop3A_436 : i32 to index
      %parallel_loop3A_438 = tpu.vector_load %arg9[%parallel_loop3A_437] {strides = array<i32>} : memref<2048xi32, #tpu.memory_space<vmem>>, vector<16xi32>,
      %parallel_loop3A_439 = arith.constant 0 : i32
      %parallel_loop3A_440 = vector.broadcast %parallel_loop3A_439 : i32 to vector<16xi32>
      %parallel_loop3A_441 = arith.addi %parallel_loop3A_434, %parallel_loop3A_440 : vector<16xi32>
      %parallel_loop3A_442 = tpu.vector_load_idx %arg5[%parallel_loop3A_441] : memref<80000xf32, #tpu.memory_space<vmem>>[vector<16xi32>], vector<16xf32>,
      %parallel_loop3A_443 = arith.constant 40000 : i32
      %parallel_loop3A_444 = vector.broadcast %parallel_loop3A_443 : i32 to vector<16xi32>
      %parallel_loop3A_445 = arith.addi %parallel_loop3A_438, %parallel_loop3A_444 : vector<16xi32>
      %parallel_loop3A_446 = tpu.vector_load_idx %arg5[%parallel_loop3A_445] : memref<80000xf32, #tpu.memory_space<vmem>>[vector<16xi32>], vector<16xf32>,
      %parallel_loop3A_447 = arith.addf %parallel_loop3A_442, %parallel_loop3A_446 : vector<16xf32>
      %parallel_loop3A_448 = arith.constant 16 : i32
      %parallel_loop3A_449 = arith.muli %parallel_loop3A_430, %parallel_loop3A_448 : i32
      %parallel_loop3A_450 = arith.index_cast %parallel_loop3A_449 : i32 to index
      %parallel_loop3A_451 = tpu.vector_load %arg14[%parallel_loop3A_450] {strides = array<i32>} : memref<2048xf32, #tpu.memory_space<vmem>>, vector<16xf32>,
      tpu.vector_store %arg14[%parallel_loop3A_450], %parallel_loop3A_447 {strides = array<i32>} : memref<2048xf32, #tpu.memory_space<vmem>>, vector<16xf32>,
      %parallel_loop3A_452 = arith.constant 10000 : i32
      %parallel_loop3A_453 = vector.broadcast %parallel_loop3A_452 : i32 to vector<16xi32>
      %parallel_loop3A_454 = arith.addi %parallel_loop3A_434, %parallel_loop3A_453 : vector<16xi32>
      %parallel_loop3A_455 = tpu.vector_load_idx %arg5[%parallel_loop3A_454] : memref<80000xf32, #tpu.memory_space<vmem>>[vector<16xi32>], vector<16xf32>,
      %parallel_loop3A_456 = arith.constant 50000 : i32
      %parallel_loop3A_457 = vector.broadcast %parallel_loop3A_456 : i32 to vector<16xi32>
      %parallel_loop3A_458 = arith.addi %parallel_loop3A_438, %parallel_loop3A_457 : vector<16xi32>
      %parallel_loop3A_459 = tpu.vector_load_idx %arg5[%parallel_loop3A_458] : memref<80000xf32, #tpu.memory_space<vmem>>[vector<16xi32>], vector<16xf32>,
      %parallel_loop3A_460 = arith.addf %parallel_loop3A_455, %parallel_loop3A_459 : vector<16xf32>
      %parallel_loop3A_461 = arith.constant 16 : i32
      %parallel_loop3A_462 = arith.muli %parallel_loop3A_430, %parallel_loop3A_461 : i32
      %parallel_loop3A_463 = arith.index_cast %parallel_loop3A_462 : i32 to index
      %parallel_loop3A_464 = tpu.vector_load %arg15[%parallel_loop3A_463] {strides = array<i32>} : memref<2048xf32, #tpu.memory_space<vmem>>, vector<16xf32>,
      tpu.vector_store %arg15[%parallel_loop3A_463], %parallel_loop3A_460 {strides = array<i32>} : memref<2048xf32, #tpu.memory_space<vmem>>, vector<16xf32>,
      %parallel_loop3A_465 = arith.constant 20000 : i32
      %parallel_loop3A_466 = vector.broadcast %parallel_loop3A_465 : i32 to vector<16xi32>
      %parallel_loop3A_467 = arith.addi %parallel_loop3A_434, %parallel_loop3A_466 : vector<16xi32>
      %parallel_loop3A_468 = tpu.vector_load_idx %arg5[%parallel_loop3A_467] : memref<80000xf32, #tpu.memory_space<vmem>>[vector<16xi32>], vector<16xf32>,
      %parallel_loop3A_469 = arith.constant 60000 : i32
      %parallel_loop3A_470 = vector.broadcast %parallel_loop3A_469 : i32 to vector<16xi32>
      %parallel_loop3A_471 = arith.addi %parallel_loop3A_438, %parallel_loop3A_470 : vector<16xi32>
      %parallel_loop3A_472 = tpu.vector_load_idx %arg5[%parallel_loop3A_471] : memref<80000xf32, #tpu.memory_space<vmem>>[vector<16xi32>], vector<16xf32>,
      %parallel_loop3A_473 = arith.addf %parallel_loop3A_468, %parallel_loop3A_472 : vector<16xf32>
      %parallel_loop3A_474 = arith.constant 16 : i32
      %parallel_loop3A_475 = arith.muli %parallel_loop3A_430, %parallel_loop3A_474 : i32
      %parallel_loop3A_476 = arith.index_cast %parallel_loop3A_475 : i32 to index
      %parallel_loop3A_477 = tpu.vector_load %arg16[%parallel_loop3A_476] {strides = array<i32>} : memref<2048xf32, #tpu.memory_space<vmem>>, vector<16xf32>,
      tpu.vector_store %arg16[%parallel_loop3A_476], %parallel_loop3A_473 {strides = array<i32>} : memref<2048xf32, #tpu.memory_space<vmem>>, vector<16xf32>,
      %parallel_loop3A_478 = arith.constant 30000 : i32
      %parallel_loop3A_479 = vector.broadcast %parallel_loop3A_478 : i32 to vector<16xi32>
      %parallel_loop3A_480 = arith.addi %parallel_loop3A_434, %parallel_loop3A_479 : vector<16xi32>
      %parallel_loop3A_481 = tpu.vector_load_idx %arg5[%parallel_loop3A_480] : memref<80000xf32, #tpu.memory_space<vmem>>[vector<16xi32>], vector<16xf32>,
      %parallel_loop3A_482 = arith.constant 70000 : i32
      %parallel_loop3A_483 = vector.broadcast %parallel_loop3A_482 : i32 to vector<16xi32>
      %parallel_loop3A_484 = arith.addi %parallel_loop3A_438, %parallel_loop3A_483 : vector<16xi32>
      %parallel_loop3A_485 = tpu.vector_load_idx %arg5[%parallel_loop3A_484] : memref<80000xf32, #tpu.memory_space<vmem>>[vector<16xi32>], vector<16xf32>,
      %parallel_loop3A_486 = arith.addf %parallel_loop3A_481, %parallel_loop3A_485 : vector<16xf32>
      %parallel_loop3A_487 = arith.constant 16 : i32
      %parallel_loop3A_488 = arith.muli %parallel_loop3A_430, %parallel_loop3A_487 : i32
      %parallel_loop3A_489 = arith.index_cast %parallel_loop3A_488 : i32 to index
      %parallel_loop3A_490 = tpu.vector_load %arg17[%parallel_loop3A_489] {strides = array<i32>} : memref<2048xf32, #tpu.memory_space<vmem>>, vector<16xf32>,
      tpu.vector_store %arg17[%parallel_loop3A_489], %parallel_loop3A_486 {strides = array<i32>} : memref<2048xf32, #tpu.memory_space<vmem>>, vector<16xf32>,
    } {sc.loop_unroll_factor = 8 : i64, sc.parallel_access}
    %sub3A_113 = arith.constant 16 : i32
    %sub3A_114 = arith.subi %add3A_8, %sub3A_113 : i32
    %min3A_115 = arith.constant 16 : i32
    %min3A_116 = arith.minsi %min3A_115, %sub3A_114 : i32
    %add3A_117 = arith.addi %add3A_4, %min3A_116 : i32
    %mul3A_118 = arith.constant 128 : i32
    %mul3A_119 = arith.muli %add3A_117, %mul3A_118 : i32
    %dma_start3A_120 = arith.constant 0 : i32
    %dma_start3A_121 = arith.constant 0 : i32
    %dma_start3A_122 = tpu.memref_slice %arg4[%dma_start3A_120, %dma_start3A_121, %mul3A_119] : memref<2x2x320000xf32, #tpu.memory_space<hbm>> -> memref<1x1x2048xf32, #tpu.memory_space<hbm>>
    %dma_start3A_123 = tpu.memref_squeeze %dma_start3A_122 : memref<1x1x2048xf32, #tpu.memory_space<hbm>> -> memref<2048xf32, #tpu.memory_space<hbm>>
    %dma_start3A_124 = tpu.memref_slice %arg4[%dma_start3A_120, %dma_start3A_121, %mul3A_119] : memref<2x2x320000xf32, #tpu.memory_space<hbm>> -> memref<1x1x2048xf32, #tpu.memory_space<hbm>>
    %dma_start3A_125 = tpu.memref_squeeze %dma_start3A_124 : memref<1x1x2048xf32, #tpu.memory_space<hbm>> -> memref<2048xf32, #tpu.memory_space<hbm>>
    tpu.enqueue_dma source(%arg14 : memref<2048xf32, #tpu.memory_space<vmem>>) target(%dma_start3A_125 : memref<2048xf32, #tpu.memory_space<hbm>>) target_semaphore(%arg21 : memref<!tpu.dma_semaphore, #tpu.memory_space<semaphore_mem>>)
    %dma_start3A_126 = arith.constant 0 : i32
    %dma_start3A_127 = arith.constant 1 : i32
    %dma_start3A_128 = tpu.memref_slice %arg4[%dma_start3A_126, %dma_start3A_127, %mul3A_119] : memref<2x2x320000xf32, #tpu.memory_space<hbm>> -> memref<1x1x2048xf32, #tpu.memory_space<hbm>>
    %dma_start3A_129 = tpu.memref_squeeze %dma_start3A_128 : memref<1x1x2048xf32, #tpu.memory_space<hbm>> -> memref<2048xf32, #tpu.memory_space<hbm>>
    %dma_start3A_130 = tpu.memref_slice %arg4[%dma_start3A_126, %dma_start3A_127, %mul3A_119] : memref<2x2x320000xf32, #tpu.memory_space<hbm>> -> memref<1x1x2048xf32, #tpu.memory_space<hbm>>
    %dma_start3A_131 = tpu.memref_squeeze %dma_start3A_130 : memref<1x1x2048xf32, #tpu.memory_space<hbm>> -> memref<2048xf32, #tpu.memory_space<hbm>>
    tpu.enqueue_dma source(%arg15 : memref<2048xf32, #tpu.memory_space<vmem>>) target(%dma_start3A_131 : memref<2048xf32, #tpu.memory_space<hbm>>) target_semaphore(%arg21 : memref<!tpu.dma_semaphore, #tpu.memory_space<semaphore_mem>>)
    %dma_start3A_132 = arith.constant 1 : i32
    %dma_start3A_133 = arith.constant 0 : i32
    %dma_start3A_134 = tpu.memref_slice %arg4[%dma_start3A_132, %dma_start3A_133, %mul3A_119] : memref<2x2x320000xf32, #tpu.memory_space<hbm>> -> memref<1x1x2048xf32, #tpu.memory_space<hbm>>
    %dma_start3A_135 = tpu.memref_squeeze %dma_start3A_134 : memref<1x1x2048xf32, #tpu.memory_space<hbm>> -> memref<2048xf32, #tpu.memory_space<hbm>>
    %dma_start3A_136 = tpu.memref_slice %arg4[%dma_start3A_132, %dma_start3A_133, %mul3A_119] : memref<2x2x320000xf32, #tpu.memory_space<hbm>> -> memref<1x1x2048xf32, #tpu.memory_space<hbm>>
    %dma_start3A_137 = tpu.memref_squeeze %dma_start3A_136 : memref<1x1x2048xf32, #tpu.memory_space<hbm>> -> memref<2048xf32, #tpu.memory_space<hbm>>
    tpu.enqueue_dma source(%arg16 : memref<2048xf32, #tpu.memory_space<vmem>>) target(%dma_start3A_137 : memref<2048xf32, #tpu.memory_space<hbm>>) target_semaphore(%arg21 : memref<!tpu.dma_semaphore, #tpu.memory_space<semaphore_mem>>)
    %dma_start3A_138 = arith.constant 1 : i32
    %dma_start3A_139 = arith.constant 1 : i32
    %dma_start3A_140 = tpu.memref_slice %arg4[%dma_start3A_138, %dma_start3A_139, %mul3A_119] : memref<2x2x320000xf32, #tpu.memory_space<hbm>> -> memref<1x1x2048xf32, #tpu.memory_space<hbm>>
    %dma_start3A_141 = tpu.memref_squeeze %dma_start3A_140 : memref<1x1x2048xf32, #tpu.memory_space<hbm>> -> memref<2048xf32, #tpu.memory_space<hbm>>
    %dma_start3A_142 = tpu.memref_slice %arg4[%dma_start3A_138, %dma_start3A_139, %mul3A_119] : memref<2x2x320000xf32, #tpu.memory_space<hbm>> -> memref<1x1x2048xf32, #tpu.memory_space<hbm>>
    %dma_start3A_143 = tpu.memref_squeeze %dma_start3A_142 : memref<1x1x2048xf32, #tpu.memory_space<hbm>> -> memref<2048xf32, #tpu.memory_space<hbm>>
    tpu.enqueue_dma source(%arg17 : memref<2048xf32, #tpu.memory_space<vmem>>) target(%dma_start3A_143 : memref<2048xf32, #tpu.memory_space<hbm>>) target_semaphore(%arg21 : memref<!tpu.dma_semaphore, #tpu.memory_space<semaphore_mem>>)
    %dma_wait3A_144 = arith.constant 0 : i32
    %dma_wait3A_145 = tpu.memref_slice %arg3[%dma_wait3A_144, %mul3A_99] : memref<2x320000xi32, #tpu.memory_space<hbm>> -> memref<1x2048xi32, #tpu.memory_space<hbm>>
    %dma_wait3A_146 = tpu.memref_squeeze %dma_wait3A_145 : memref<1x2048xi32, #tpu.memory_space<hbm>> -> memref<2048xi32, #tpu.memory_space<hbm>>
    %dma_wait3A_147 = tpu.memref_slice %arg3[%dma_wait3A_144, %mul3A_99] : memref<2x320000xi32, #tpu.memory_space<hbm>> -> memref<1x2048xi32, #tpu.memory_space<hbm>>
    %dma_wait3A_148 = tpu.memref_squeeze %dma_wait3A_147 : memref<1x2048xi32, #tpu.memory_space<hbm>> -> memref<2048xi32, #tpu.memory_space<hbm>>
    tpu.wait_dma2 semaphore(%arg18 : memref<!tpu.dma_semaphore, #tpu.memory_space<semaphore_mem>>) src(%dma_wait3A_148 : memref<2048xi32, #tpu.memory_space<hbm>>) dst(%arg6 : memref<2048xi32, #tpu.memory_space<vmem>>)
    %dma_wait3A_149 = arith.constant 1 : i32
    %dma_wait3A_150 = tpu.memref_slice %arg3[%dma_wait3A_149, %mul3A_99] : memref<2x320000xi32, #tpu.memory_space<hbm>> -> memref<1x2048xi32, #tpu.memory_space<hbm>>
    %dma_wait3A_151 = tpu.memref_squeeze %dma_wait3A_150 : memref<1x2048xi32, #tpu.memory_space<hbm>> -> memref<2048xi32, #tpu.memory_space<hbm>>
    %dma_wait3A_152 = tpu.memref_slice %arg3[%dma_wait3A_149, %mul3A_99] : memref<2x320000xi32, #tpu.memory_space<hbm>> -> memref<1x2048xi32, #tpu.memory_space<hbm>>
    %dma_wait3A_153 = tpu.memref_squeeze %dma_wait3A_152 : memref<1x2048xi32, #tpu.memory_space<hbm>> -> memref<2048xi32, #tpu.memory_space<hbm>>
    tpu.wait_dma2 semaphore(%arg18 : memref<!tpu.dma_semaphore, #tpu.memory_space<semaphore_mem>>) src(%dma_wait3A_153 : memref<2048xi32, #tpu.memory_space<hbm>>) dst(%arg8 : memref<2048xi32, #tpu.memory_space<vmem>>)
    %sub3A_154 = arith.constant 16 : i32
    %sub3A_155 = arith.subi %add3A_8, %sub3A_154 : i32
    %min3A_156 = arith.constant 48 : i32
    %min3A_157 = arith.minsi %min3A_156, %sub3A_155 : i32
    %add3A_158 = arith.addi %add3A_4, %min3A_157 : i32
    %mul3A_159 = arith.constant 128 : i32
    %mul3A_160 = arith.muli %add3A_158, %mul3A_159 : i32
    %dma_start3A_161 = arith.constant 0 : i32
    %dma_start3A_162 = tpu.memref_slice %arg3[%dma_start3A_161, %mul3A_160] : memref<2x320000xi32, #tpu.memory_space<hbm>> -> memref<1x2048xi32, #tpu.memory_space<hbm>>
    %dma_start3A_163 = tpu.memref_squeeze %dma_start3A_162 : memref<1x2048xi32, #tpu.memory_space<hbm>> -> memref<2048xi32, #tpu.memory_space<hbm>>
    %dma_start3A_164 = tpu.memref_slice %arg3[%dma_start3A_161, %mul3A_160] : memref<2x320000xi32, #tpu.memory_space<hbm>> -> memref<1x2048xi32, #tpu.memory_space<hbm>>
    %dma_start3A_165 = tpu.memref_squeeze %dma_start3A_164 : memref<1x2048xi32, #tpu.memory_space<hbm>> -> memref<2048xi32, #tpu.memory_space<hbm>>
    tpu.enqueue_dma source(%dma_start3A_165 : memref<2048xi32, #tpu.memory_space<hbm>>) target(%arg7 : memref<2048xi32, #tpu.memory_space<vmem>>) target_semaphore(%arg19 : memref<!tpu.dma_semaphore, #tpu.memory_space<semaphore_mem>>)
    %dma_start3A_166 = arith.constant 1 : i32
    %dma_start3A_167 = tpu.memref_slice %arg3[%dma_start3A_166, %mul3A_160] : memref<2x320000xi32, #tpu.memory_space<hbm>> -> memref<1x2048xi32, #tpu.memory_space<hbm>>
    %dma_start3A_168 = tpu.memref_squeeze %dma_start3A_167 : memref<1x2048xi32, #tpu.memory_space<hbm>> -> memref<2048xi32, #tpu.memory_space<hbm>>
    %dma_start3A_169 = tpu.memref_slice %arg3[%dma_start3A_166, %mul3A_160] : memref<2x320000xi32, #tpu.memory_space<hbm>> -> memref<1x2048xi32, #tpu.memory_space<hbm>>
    %dma_start3A_170 = tpu.memref_squeeze %dma_start3A_169 : memref<1x2048xi32, #tpu.memory_space<hbm>> -> memref<2048xi32, #tpu.memory_space<hbm>>
    tpu.enqueue_dma source(%dma_start3A_170 : memref<2048xi32, #tpu.memory_space<hbm>>) target(%arg9 : memref<2048xi32, #tpu.memory_space<vmem>>) target_semaphore(%arg19 : memref<!tpu.dma_semaphore, #tpu.memory_space<semaphore_mem>>)
    %dma_wait3A_171 = arith.constant 0 : i32
    %dma_wait3A_172 = arith.constant 0 : i32
    %dma_wait3A_173 = tpu.memref_slice %arg4[%dma_wait3A_171, %dma_wait3A_172, %mul3A_58] : memref<2x2x320000xf32, #tpu.memory_space<hbm>> -> memref<1x1x2048xf32, #tpu.memory_space<hbm>>
    %dma_wait3A_174 = tpu.memref_squeeze %dma_wait3A_173 : memref<1x1x2048xf32, #tpu.memory_space<hbm>> -> memref<2048xf32, #tpu.memory_space<hbm>>
    %dma_wait3A_175 = tpu.memref_slice %arg4[%dma_wait3A_171, %dma_wait3A_172, %mul3A_58] : memref<2x2x320000xf32, #tpu.memory_space<hbm>> -> memref<1x1x2048xf32, #tpu.memory_space<hbm>>
    %dma_wait3A_176 = tpu.memref_squeeze %dma_wait3A_175 : memref<1x1x2048xf32, #tpu.memory_space<hbm>> -> memref<2048xf32, #tpu.memory_space<hbm>>
    tpu.wait_dma2 semaphore(%arg20 : memref<!tpu.dma_semaphore, #tpu.memory_space<semaphore_mem>>) src(%arg10 : memref<2048xf32, #tpu.memory_space<vmem>>) dst(%dma_wait3A_176 : memref<2048xf32, #tpu.memory_space<hbm>>)
    %dma_wait3A_177 = arith.constant 0 : i32
    %dma_wait3A_178 = arith.constant 1 : i32
    %dma_wait3A_179 = tpu.memref_slice %arg4[%dma_wait3A_177, %dma_wait3A_178, %mul3A_58] : memref<2x2x320000xf32, #tpu.memory_space<hbm>> -> memref<1x1x2048xf32, #tpu.memory_space<hbm>>
    %dma_wait3A_180 = tpu.memref_squeeze %dma_wait3A_179 : memref<1x1x2048xf32, #tpu.memory_space<hbm>> -> memref<2048xf32, #tpu.memory_space<hbm>>
    %dma_wait3A_181 = tpu.memref_slice %arg4[%dma_wait3A_177, %dma_wait3A_178, %mul3A_58] : memref<2x2x320000xf32, #tpu.memory_space<hbm>> -> memref<1x1x2048xf32, #tpu.memory_space<hbm>>
    %dma_wait3A_182 = tpu.memref_squeeze %dma_wait3A_181 : memref<1x1x2048xf32, #tpu.memory_space<hbm>> -> memref<2048xf32, #tpu.memory_space<hbm>>
    tpu.wait_dma2 semaphore(%arg20 : memref<!tpu.dma_semaphore, #tpu.memory_space<semaphore_mem>>) src(%arg11 : memref<2048xf32, #tpu.memory_space<vmem>>) dst(%dma_wait3A_182 : memref<2048xf32, #tpu.memory_space<hbm>>)
    %dma_wait3A_183 = arith.constant 1 : i32
    %dma_wait3A_184 = arith.constant 0 : i32
    %dma_wait3A_185 = tpu.memref_slice %arg4[%dma_wait3A_183, %dma_wait3A_184, %mul3A_58] : memref<2x2x320000xf32, #tpu.memory_space<hbm>> -> memref<1x1x2048xf32, #tpu.memory_space<hbm>>
    %dma_wait3A_186 = tpu.memref_squeeze %dma_wait3A_185 : memref<1x1x2048xf32, #tpu.memory_space<hbm>> -> memref<2048xf32, #tpu.memory_space<hbm>>
    %dma_wait3A_187 = tpu.memref_slice %arg4[%dma_wait3A_183, %dma_wait3A_184, %mul3A_58] : memref<2x2x320000xf32, #tpu.memory_space<hbm>> -> memref<1x1x2048xf32, #tpu.memory_space<hbm>>
    %dma_wait3A_188 = tpu.memref_squeeze %dma_wait3A_187 : memref<1x1x2048xf32, #tpu.memory_space<hbm>> -> memref<2048xf32, #tpu.memory_space<hbm>>
    tpu.wait_dma2 semaphore(%arg20 : memref<!tpu.dma_semaphore, #tpu.memory_space<semaphore_mem>>) src(%arg12 : memref<2048xf32, #tpu.memory_space<vmem>>) dst(%dma_wait3A_188 : memref<2048xf32, #tpu.memory_space<hbm>>)
    %dma_wait3A_189 = arith.constant 1 : i32
    %dma_wait3A_190 = arith.constant 1 : i32
    %dma_wait3A_191 = tpu.memref_slice %arg4[%dma_wait3A_189, %dma_wait3A_190, %mul3A_58] : memref<2x2x320000xf32, #tpu.memory_space<hbm>> -> memref<1x1x2048xf32, #tpu.memory_space<hbm>>
    %dma_wait3A_192 = tpu.memref_squeeze %dma_wait3A_191 : memref<1x1x2048xf32, #tpu.memory_space<hbm>> -> memref<2048xf32, #tpu.memory_space<hbm>>
    %dma_wait3A_193 = tpu.memref_slice %arg4[%dma_wait3A_189, %dma_wait3A_190, %mul3A_58] : memref<2x2x320000xf32, #tpu.memory_space<hbm>> -> memref<1x1x2048xf32, #tpu.memory_space<hbm>>
    %dma_wait3A_194 = tpu.memref_squeeze %dma_wait3A_193 : memref<1x1x2048xf32, #tpu.memory_space<hbm>> -> memref<2048xf32, #tpu.memory_space<hbm>>
    tpu.wait_dma2 semaphore(%arg20 : memref<!tpu.dma_semaphore, #tpu.memory_space<semaphore_mem>>) src(%arg13 : memref<2048xf32, #tpu.memory_space<vmem>>) dst(%dma_wait3A_194 : memref<2048xf32, #tpu.memory_space<hbm>>)
    %parallel_loop3A_195 = arith.constant 0 : i32
    %parallel_loop3A_196 = arith.constant 128 : i32
    %parallel_loop3A_197 = arith.constant 1 : i32
    scf.for %parallel_loop3A_430 = %parallel_loop3A_195 to %parallel_loop3A_196 step %parallel_loop3A_197  : i32 {
      %parallel_loop3A_431 = arith.constant 16 : i32
      %parallel_loop3A_432 = arith.muli %parallel_loop3A_430, %parallel_loop3A_431 : i32
      %parallel_loop3A_433 = arith.index_cast %parallel_loop3A_432 : i32 to index
      %parallel_loop3A_434 = tpu.vector_load %arg6[%parallel_loop3A_433] {strides = array<i32>} : memref<2048xi32, #tpu.memory_space<vmem>>, vector<16xi32>,
      %parallel_loop3A_435 = arith.constant 16 : i32
      %parallel_loop3A_436 = arith.muli %parallel_loop3A_430, %parallel_loop3A_435 : i32
      %parallel_loop3A_437 = arith.index_cast %parallel_loop3A_436 : i32 to index
      %parallel_loop3A_438 = tpu.vector_load %arg8[%parallel_loop3A_437] {strides = array<i32>} : memref<2048xi32, #tpu.memory_space<vmem>>, vector<16xi32>,
      %parallel_loop3A_439 = arith.constant 0 : i32
      %parallel_loop3A_440 = vector.broadcast %parallel_loop3A_439 : i32 to vector<16xi32>
      %parallel_loop3A_441 = arith.addi %parallel_loop3A_434, %parallel_loop3A_440 : vector<16xi32>
      %parallel_loop3A_442 = tpu.vector_load_idx %arg5[%parallel_loop3A_441] : memref<80000xf32, #tpu.memory_space<vmem>>[vector<16xi32>], vector<16xf32>,
      %parallel_loop3A_443 = arith.constant 40000 : i32
      %parallel_loop3A_444 = vector.broadcast %parallel_loop3A_443 : i32 to vector<16xi32>
      %parallel_loop3A_445 = arith.addi %parallel_loop3A_438, %parallel_loop3A_444 : vector<16xi32>
      %parallel_loop3A_446 = tpu.vector_load_idx %arg5[%parallel_loop3A_445] : memref<80000xf32, #tpu.memory_space<vmem>>[vector<16xi32>], vector<16xf32>,
      %parallel_loop3A_447 = arith.addf %parallel_loop3A_442, %parallel_loop3A_446 : vector<16xf32>
      %parallel_loop3A_448 = arith.constant 16 : i32
      %parallel_loop3A_449 = arith.muli %parallel_loop3A_430, %parallel_loop3A_448 : i32
      %parallel_loop3A_450 = arith.index_cast %parallel_loop3A_449 : i32 to index
      %parallel_loop3A_451 = tpu.vector_load %arg10[%parallel_loop3A_450] {strides = array<i32>} : memref<2048xf32, #tpu.memory_space<vmem>>, vector<16xf32>,
      tpu.vector_store %arg10[%parallel_loop3A_450], %parallel_loop3A_447 {strides = array<i32>} : memref<2048xf32, #tpu.memory_space<vmem>>, vector<16xf32>,
      %parallel_loop3A_452 = arith.constant 10000 : i32
      %parallel_loop3A_453 = vector.broadcast %parallel_loop3A_452 : i32 to vector<16xi32>
      %parallel_loop3A_454 = arith.addi %parallel_loop3A_434, %parallel_loop3A_453 : vector<16xi32>
      %parallel_loop3A_455 = tpu.vector_load_idx %arg5[%parallel_loop3A_454] : memref<80000xf32, #tpu.memory_space<vmem>>[vector<16xi32>], vector<16xf32>,
      %parallel_loop3A_456 = arith.constant 50000 : i32
      %parallel_loop3A_457 = vector.broadcast %parallel_loop3A_456 : i32 to vector<16xi32>
      %parallel_loop3A_458 = arith.addi %parallel_loop3A_438, %parallel_loop3A_457 : vector<16xi32>
      %parallel_loop3A_459 = tpu.vector_load_idx %arg5[%parallel_loop3A_458] : memref<80000xf32, #tpu.memory_space<vmem>>[vector<16xi32>], vector<16xf32>,
      %parallel_loop3A_460 = arith.addf %parallel_loop3A_455, %parallel_loop3A_459 : vector<16xf32>
      %parallel_loop3A_461 = arith.constant 16 : i32
      %parallel_loop3A_462 = arith.muli %parallel_loop3A_430, %parallel_loop3A_461 : i32
      %parallel_loop3A_463 = arith.index_cast %parallel_loop3A_462 : i32 to index
      %parallel_loop3A_464 = tpu.vector_load %arg11[%parallel_loop3A_463] {strides = array<i32>} : memref<2048xf32, #tpu.memory_space<vmem>>, vector<16xf32>,
      tpu.vector_store %arg11[%parallel_loop3A_463], %parallel_loop3A_460 {strides = array<i32>} : memref<2048xf32, #tpu.memory_space<vmem>>, vector<16xf32>,
      %parallel_loop3A_465 = arith.constant 20000 : i32
      %parallel_loop3A_466 = vector.broadcast %parallel_loop3A_465 : i32 to vector<16xi32>
      %parallel_loop3A_467 = arith.addi %parallel_loop3A_434, %parallel_loop3A_466 : vector<16xi32>
      %parallel_loop3A_468 = tpu.vector_load_idx %arg5[%parallel_loop3A_467] : memref<80000xf32, #tpu.memory_space<vmem>>[vector<16xi32>], vector<16xf32>,
      %parallel_loop3A_469 = arith.constant 60000 : i32
      %parallel_loop3A_470 = vector.broadcast %parallel_loop3A_469 : i32 to vector<16xi32>
      %parallel_loop3A_471 = arith.addi %parallel_loop3A_438, %parallel_loop3A_470 : vector<16xi32>
      %parallel_loop3A_472 = tpu.vector_load_idx %arg5[%parallel_loop3A_471] : memref<80000xf32, #tpu.memory_space<vmem>>[vector<16xi32>], vector<16xf32>,
      %parallel_loop3A_473 = arith.addf %parallel_loop3A_468, %parallel_loop3A_472 : vector<16xf32>
      %parallel_loop3A_474 = arith.constant 16 : i32
      %parallel_loop3A_475 = arith.muli %parallel_loop3A_430, %parallel_loop3A_474 : i32
      %parallel_loop3A_476 = arith.index_cast %parallel_loop3A_475 : i32 to index
      %parallel_loop3A_477 = tpu.vector_load %arg12[%parallel_loop3A_476] {strides = array<i32>} : memref<2048xf32, #tpu.memory_space<vmem>>, vector<16xf32>,
      tpu.vector_store %arg12[%parallel_loop3A_476], %parallel_loop3A_473 {strides = array<i32>} : memref<2048xf32, #tpu.memory_space<vmem>>, vector<16xf32>,
      %parallel_loop3A_478 = arith.constant 30000 : i32
      %parallel_loop3A_479 = vector.broadcast %parallel_loop3A_478 : i32 to vector<16xi32>
      %parallel_loop3A_480 = arith.addi %parallel_loop3A_434, %parallel_loop3A_479 : vector<16xi32>
      %parallel_loop3A_481 = tpu.vector_load_idx %arg5[%parallel_loop3A_480] : memref<80000xf32, #tpu.memory_space<vmem>>[vector<16xi32>], vector<16xf32>,
      %parallel_loop3A_482 = arith.constant 70000 : i32
      %parallel_loop3A_483 = vector.broadcast %parallel_loop3A_482 : i32 to vector<16xi32>
      %parallel_loop3A_484 = arith.addi %parallel_loop3A_438, %parallel_loop3A_483 : vector<16xi32>
      %parallel_loop3A_485 = tpu.vector_load_idx %arg5[%parallel_loop3A_484] : memref<80000xf32, #tpu.memory_space<vmem>>[vector<16xi32>], vector<16xf32>,
      %parallel_loop3A_486 = arith.addf %parallel_loop3A_481, %parallel_loop3A_485 : vector<16xf32>
      %parallel_loop3A_487 = arith.constant 16 : i32
      %parallel_loop3A_488 = arith.muli %parallel_loop3A_430, %parallel_loop3A_487 : i32
      %parallel_loop3A_489 = arith.index_cast %parallel_loop3A_488 : i32 to index
      %parallel_loop3A_490 = tpu.vector_load %arg13[%parallel_loop3A_489] {strides = array<i32>} : memref<2048xf32, #tpu.memory_space<vmem>>, vector<16xf32>,
      tpu.vector_store %arg13[%parallel_loop3A_489], %parallel_loop3A_486 {strides = array<i32>} : memref<2048xf32, #tpu.memory_space<vmem>>, vector<16xf32>,
    } {sc.loop_unroll_factor = 8 : i64, sc.parallel_access}
    %sub3A_198 = arith.constant 16 : i32
    %sub3A_199 = arith.subi %add3A_8, %sub3A_198 : i32
    %min3A_200 = arith.constant 32 : i32
    %min3A_201 = arith.minsi %min3A_200, %sub3A_199 : i32
    %add3A_202 = arith.addi %add3A_4, %min3A_201 : i32
    %mul3A_203 = arith.constant 128 : i32
    %mul3A_204 = arith.muli %add3A_202, %mul3A_203 : i32
    %dma_start3A_205 = arith.constant 0 : i32
    %dma_start3A_206 = arith.constant 0 : i32
    %dma_start3A_207 = tpu.memref_slice %arg4[%dma_start3A_205, %dma_start3A_206, %mul3A_204] : memref<2x2x320000xf32, #tpu.memory_space<hbm>> -> memref<1x1x2048xf32, #tpu.memory_space<hbm>>
    %dma_start3A_208 = tpu.memref_squeeze %dma_start3A_207 : memref<1x1x2048xf32, #tpu.memory_space<hbm>> -> memref<2048xf32, #tpu.memory_space<hbm>>
    %dma_start3A_209 = tpu.memref_slice %arg4[%dma_start3A_205, %dma_start3A_206, %mul3A_204] : memref<2x2x320000xf32, #tpu.memory_space<hbm>> -> memref<1x1x2048xf32, #tpu.memory_space<hbm>>
    %dma_start3A_210 = tpu.memref_squeeze %dma_start3A_209 : memref<1x1x2048xf32, #tpu.memory_space<hbm>> -> memref<2048xf32, #tpu.memory_space<hbm>>
    tpu.enqueue_dma source(%arg10 : memref<2048xf32, #tpu.memory_space<vmem>>) target(%dma_start3A_210 : memref<2048xf32, #tpu.memory_space<hbm>>) target_semaphore(%arg20 : memref<!tpu.dma_semaphore, #tpu.memory_space<semaphore_mem>>)
    %dma_start3A_211 = arith.constant 0 : i32
    %dma_start3A_212 = arith.constant 1 : i32
    %dma_start3A_213 = tpu.memref_slice %arg4[%dma_start3A_211, %dma_start3A_212, %mul3A_204] : memref<2x2x320000xf32, #tpu.memory_space<hbm>> -> memref<1x1x2048xf32, #tpu.memory_space<hbm>>
    %dma_start3A_214 = tpu.memref_squeeze %dma_start3A_213 : memref<1x1x2048xf32, #tpu.memory_space<hbm>> -> memref<2048xf32, #tpu.memory_space<hbm>>
    %dma_start3A_215 = tpu.memref_slice %arg4[%dma_start3A_211, %dma_start3A_212, %mul3A_204] : memref<2x2x320000xf32, #tpu.memory_space<hbm>> -> memref<1x1x2048xf32, #tpu.memory_space<hbm>>
    %dma_start3A_216 = tpu.memref_squeeze %dma_start3A_215 : memref<1x1x2048xf32, #tpu.memory_space<hbm>> -> memref<2048xf32, #tpu.memory_space<hbm>>
    tpu.enqueue_dma source(%arg11 : memref<2048xf32, #tpu.memory_space<vmem>>) target(%dma_start3A_216 : memref<2048xf32, #tpu.memory_space<hbm>>) target_semaphore(%arg20 : memref<!tpu.dma_semaphore, #tpu.memory_space<semaphore_mem>>)
    %dma_start3A_217 = arith.constant 1 : i32
    %dma_start3A_218 = arith.constant 0 : i32
    %dma_start3A_219 = tpu.memref_slice %arg4[%dma_start3A_217, %dma_start3A_218, %mul3A_204] : memref<2x2x320000xf32, #tpu.memory_space<hbm>> -> memref<1x1x2048xf32, #tpu.memory_space<hbm>>
    %dma_start3A_220 = tpu.memref_squeeze %dma_start3A_219 : memref<1x1x2048xf32, #tpu.memory_space<hbm>> -> memref<2048xf32, #tpu.memory_space<hbm>>
    %dma_start3A_221 = tpu.memref_slice %arg4[%dma_start3A_217, %dma_start3A_218, %mul3A_204] : memref<2x2x320000xf32, #tpu.memory_space<hbm>> -> memref<1x1x2048xf32, #tpu.memory_space<hbm>>
    %dma_start3A_222 = tpu.memref_squeeze %dma_start3A_221 : memref<1x1x2048xf32, #tpu.memory_space<hbm>> -> memref<2048xf32, #tpu.memory_space<hbm>>
    tpu.enqueue_dma source(%arg12 : memref<2048xf32, #tpu.memory_space<vmem>>) target(%dma_start3A_222 : memref<2048xf32, #tpu.memory_space<hbm>>) target_semaphore(%arg20 : memref<!tpu.dma_semaphore, #tpu.memory_space<semaphore_mem>>)
    %dma_start3A_223 = arith.constant 1 : i32
    %dma_start3A_224 = arith.constant 1 : i32
    %dma_start3A_225 = tpu.memref_slice %arg4[%dma_start3A_223, %dma_start3A_224, %mul3A_204] : memref<2x2x320000xf32, #tpu.memory_space<hbm>> -> memref<1x1x2048xf32, #tpu.memory_space<hbm>>
    %dma_start3A_226 = tpu.memref_squeeze %dma_start3A_225 : memref<1x1x2048xf32, #tpu.memory_space<hbm>> -> memref<2048xf32, #tpu.memory_space<hbm>>
    %dma_start3A_227 = tpu.memref_slice %arg4[%dma_start3A_223, %dma_start3A_224, %mul3A_204] : memref<2x2x320000xf32, #tpu.memory_space<hbm>> -> memref<1x1x2048xf32, #tpu.memory_space<hbm>>
    %dma_start3A_228 = tpu.memref_squeeze %dma_start3A_227 : memref<1x1x2048xf32, #tpu.memory_space<hbm>> -> memref<2048xf32, #tpu.memory_space<hbm>>
    tpu.enqueue_dma source(%arg13 : memref<2048xf32, #tpu.memory_space<vmem>>) target(%dma_start3A_228 : memref<2048xf32, #tpu.memory_space<hbm>>) target_semaphore(%arg20 : memref<!tpu.dma_semaphore, #tpu.memory_space<semaphore_mem>>)
    %dma_wait3A_229 = arith.constant 0 : i32
    %dma_wait3A_230 = tpu.memref_slice %arg3[%dma_wait3A_229, %mul3A_160] : memref<2x320000xi32, #tpu.memory_space<hbm>> -> memref<1x2048xi32, #tpu.memory_space<hbm>>
    %dma_wait3A_231 = tpu.memref_squeeze %dma_wait3A_230 : memref<1x2048xi32, #tpu.memory_space<hbm>> -> memref<2048xi32, #tpu.memory_space<hbm>>
    %dma_wait3A_232 = tpu.memref_slice %arg3[%dma_wait3A_229, %mul3A_160] : memref<2x320000xi32, #tpu.memory_space<hbm>> -> memref<1x2048xi32, #tpu.memory_space<hbm>>
    %dma_wait3A_233 = tpu.memref_squeeze %dma_wait3A_232 : memref<1x2048xi32, #tpu.memory_space<hbm>> -> memref<2048xi32, #tpu.memory_space<hbm>>
    tpu.wait_dma2 semaphore(%arg19 : memref<!tpu.dma_semaphore, #tpu.memory_space<semaphore_mem>>) src(%dma_wait3A_233 : memref<2048xi32, #tpu.memory_space<hbm>>) dst(%arg7 : memref<2048xi32, #tpu.memory_space<vmem>>)
    %dma_wait3A_234 = arith.constant 1 : i32
    %dma_wait3A_235 = tpu.memref_slice %arg3[%dma_wait3A_234, %mul3A_160] : memref<2x320000xi32, #tpu.memory_space<hbm>> -> memref<1x2048xi32, #tpu.memory_space<hbm>>
    %dma_wait3A_236 = tpu.memref_squeeze %dma_wait3A_235 : memref<1x2048xi32, #tpu.memory_space<hbm>> -> memref<2048xi32, #tpu.memory_space<hbm>>
    %dma_wait3A_237 = tpu.memref_slice %arg3[%dma_wait3A_234, %mul3A_160] : memref<2x320000xi32, #tpu.memory_space<hbm>> -> memref<1x2048xi32, #tpu.memory_space<hbm>>
    %dma_wait3A_238 = tpu.memref_squeeze %dma_wait3A_237 : memref<1x2048xi32, #tpu.memory_space<hbm>> -> memref<2048xi32, #tpu.memory_space<hbm>>
    tpu.wait_dma2 semaphore(%arg19 : memref<!tpu.dma_semaphore, #tpu.memory_space<semaphore_mem>>) src(%dma_wait3A_238 : memref<2048xi32, #tpu.memory_space<hbm>>) dst(%arg9 : memref<2048xi32, #tpu.memory_space<vmem>>)
    %sub3A_239 = arith.constant 16 : i32
    %sub3A_240 = arith.subi %add3A_8, %sub3A_239 : i32
    %min3A_241 = arith.constant 64 : i32
    %min3A_242 = arith.minsi %min3A_241, %sub3A_240 : i32
    %add3A_243 = arith.addi %add3A_4, %min3A_242 : i32
    %mul3A_244 = arith.constant 128 : i32
    %mul3A_245 = arith.muli %add3A_243, %mul3A_244 : i32
    %dma_start3A_246 = arith.constant 0 : i32
    %dma_start3A_247 = tpu.memref_slice %arg3[%dma_start3A_246, %mul3A_245] : memref<2x320000xi32, #tpu.memory_space<hbm>> -> memref<1x2048xi32, #tpu.memory_space<hbm>>
    %dma_start3A_248 = tpu.memref_squeeze %dma_start3A_247 : memref<1x2048xi32, #tpu.memory_space<hbm>> -> memref<2048xi32, #tpu.memory_space<hbm>>
    %dma_start3A_249 = tpu.memref_slice %arg3[%dma_start3A_246, %mul3A_245] : memref<2x320000xi32, #tpu.memory_space<hbm>> -> memref<1x2048xi32, #tpu.memory_space<hbm>>
    %dma_start3A_250 = tpu.memref_squeeze %dma_start3A_249 : memref<1x2048xi32, #tpu.memory_space<hbm>> -> memref<2048xi32, #tpu.memory_space<hbm>>
    tpu.enqueue_dma source(%dma_start3A_250 : memref<2048xi32, #tpu.memory_space<hbm>>) target(%arg6 : memref<2048xi32, #tpu.memory_space<vmem>>) target_semaphore(%arg18 : memref<!tpu.dma_semaphore, #tpu.memory_space<semaphore_mem>>)
    %dma_start3A_251 = arith.constant 1 : i32
    %dma_start3A_252 = tpu.memref_slice %arg3[%dma_start3A_251, %mul3A_245] : memref<2x320000xi32, #tpu.memory_space<hbm>> -> memref<1x2048xi32, #tpu.memory_space<hbm>>
    %dma_start3A_253 = tpu.memref_squeeze %dma_start3A_252 : memref<1x2048xi32, #tpu.memory_space<hbm>> -> memref<2048xi32, #tpu.memory_space<hbm>>
    %dma_start3A_254 = tpu.memref_slice %arg3[%dma_start3A_251, %mul3A_245] : memref<2x320000xi32, #tpu.memory_space<hbm>> -> memref<1x2048xi32, #tpu.memory_space<hbm>>
    %dma_start3A_255 = tpu.memref_squeeze %dma_start3A_254 : memref<1x2048xi32, #tpu.memory_space<hbm>> -> memref<2048xi32, #tpu.memory_space<hbm>>
    tpu.enqueue_dma source(%dma_start3A_255 : memref<2048xi32, #tpu.memory_space<hbm>>) target(%arg8 : memref<2048xi32, #tpu.memory_space<vmem>>) target_semaphore(%arg18 : memref<!tpu.dma_semaphore, #tpu.memory_space<semaphore_mem>>)
    %dma_wait3A_256 = arith.constant 0 : i32
    %dma_wait3A_257 = arith.constant 0 : i32
    %dma_wait3A_258 = tpu.memref_slice %arg4[%dma_wait3A_256, %dma_wait3A_257, %mul3A_119] : memref<2x2x320000xf32, #tpu.memory_space<hbm>> -> memref<1x1x2048xf32, #tpu.memory_space<hbm>>
    %dma_wait3A_259 = tpu.memref_squeeze %dma_wait3A_258 : memref<1x1x2048xf32, #tpu.memory_space<hbm>> -> memref<2048xf32, #tpu.memory_space<hbm>>
    %dma_wait3A_260 = tpu.memref_slice %arg4[%dma_wait3A_256, %dma_wait3A_257, %mul3A_119] : memref<2x2x320000xf32, #tpu.memory_space<hbm>> -> memref<1x1x2048xf32, #tpu.memory_space<hbm>>
    %dma_wait3A_261 = tpu.memref_squeeze %dma_wait3A_260 : memref<1x1x2048xf32, #tpu.memory_space<hbm>> -> memref<2048xf32, #tpu.memory_space<hbm>>
    tpu.wait_dma2 semaphore(%arg21 : memref<!tpu.dma_semaphore, #tpu.memory_space<semaphore_mem>>) src(%arg14 : memref<2048xf32, #tpu.memory_space<vmem>>) dst(%dma_wait3A_261 : memref<2048xf32, #tpu.memory_space<hbm>>)
    %dma_wait3A_262 = arith.constant 0 : i32
    %dma_wait3A_263 = arith.constant 1 : i32
    %dma_wait3A_264 = tpu.memref_slice %arg4[%dma_wait3A_262, %dma_wait3A_263, %mul3A_119] : memref<2x2x320000xf32, #tpu.memory_space<hbm>> -> memref<1x1x2048xf32, #tpu.memory_space<hbm>>
    %dma_wait3A_265 = tpu.memref_squeeze %dma_wait3A_264 : memref<1x1x2048xf32, #tpu.memory_space<hbm>> -> memref<2048xf32, #tpu.memory_space<hbm>>
    %dma_wait3A_266 = tpu.memref_slice %arg4[%dma_wait3A_262, %dma_wait3A_263, %mul3A_119] : memref<2x2x320000xf32, #tpu.memory_space<hbm>> -> memref<1x1x2048xf32, #tpu.memory_space<hbm>>
    %dma_wait3A_267 = tpu.memref_squeeze %dma_wait3A_266 : memref<1x1x2048xf32, #tpu.memory_space<hbm>> -> memref<2048xf32, #tpu.memory_space<hbm>>
    tpu.wait_dma2 semaphore(%arg21 : memref<!tpu.dma_semaphore, #tpu.memory_space<semaphore_mem>>) src(%arg15 : memref<2048xf32, #tpu.memory_space<vmem>>) dst(%dma_wait3A_267 : memref<2048xf32, #tpu.memory_space<hbm>>)
    %dma_wait3A_268 = arith.constant 1 : i32
    %dma_wait3A_269 = arith.constant 0 : i32
    %dma_wait3A_270 = tpu.memref_slice %arg4[%dma_wait3A_268, %dma_wait3A_269, %mul3A_119] : memref<2x2x320000xf32, #tpu.memory_space<hbm>> -> memref<1x1x2048xf32, #tpu.memory_space<hbm>>
    %dma_wait3A_271 = tpu.memref_squeeze %dma_wait3A_270 : memref<1x1x2048xf32, #tpu.memory_space<hbm>> -> memref<2048xf32, #tpu.memory_space<hbm>>
    %dma_wait3A_272 = tpu.memref_slice %arg4[%dma_wait3A_268, %dma_wait3A_269, %mul3A_119] : memref<2x2x320000xf32, #tpu.memory_space<hbm>> -> memref<1x1x2048xf32, #tpu.memory_space<hbm>>
    %dma_wait3A_273 = tpu.memref_squeeze %dma_wait3A_272 : memref<1x1x2048xf32, #tpu.memory_space<hbm>> -> memref<2048xf32, #tpu.memory_space<hbm>>
    tpu.wait_dma2 semaphore(%arg21 : memref<!tpu.dma_semaphore, #tpu.memory_space<semaphore_mem>>) src(%arg16 : memref<2048xf32, #tpu.memory_space<vmem>>) dst(%dma_wait3A_273 : memref<2048xf32, #tpu.memory_space<hbm>>)
    %dma_wait3A_274 = arith.constant 1 : i32
    %dma_wait3A_275 = arith.constant 1 : i32
    %dma_wait3A_276 = tpu.memref_slice %arg4[%dma_wait3A_274, %dma_wait3A_275, %mul3A_119] : memref<2x2x320000xf32, #tpu.memory_space<hbm>> -> memref<1x1x2048xf32, #tpu.memory_space<hbm>>
    %dma_wait3A_277 = tpu.memref_squeeze %dma_wait3A_276 : memref<1x1x2048xf32, #tpu.memory_space<hbm>> -> memref<2048xf32, #tpu.memory_space<hbm>>
    %dma_wait3A_278 = tpu.memref_slice %arg4[%dma_wait3A_274, %dma_wait3A_275, %mul3A_119] : memref<2x2x320000xf32, #tpu.memory_space<hbm>> -> memref<1x1x2048xf32, #tpu.memory_space<hbm>>
    %dma_wait3A_279 = tpu.memref_squeeze %dma_wait3A_278 : memref<1x1x2048xf32, #tpu.memory_space<hbm>> -> memref<2048xf32, #tpu.memory_space<hbm>>
    tpu.wait_dma2 semaphore(%arg21 : memref<!tpu.dma_semaphore, #tpu.memory_space<semaphore_mem>>) src(%arg17 : memref<2048xf32, #tpu.memory_space<vmem>>) dst(%dma_wait3A_279 : memref<2048xf32, #tpu.memory_space<hbm>>)
    %parallel_loop3A_280 = arith.constant 0 : i32
    %parallel_loop3A_281 = arith.constant 128 : i32
    %parallel_loop3A_282 = arith.constant 1 : i32
    scf.for %parallel_loop3A_430 = %parallel_loop3A_280 to %parallel_loop3A_281 step %parallel_loop3A_282  : i32 {
      %parallel_loop3A_431 = arith.constant 16 : i32
      %parallel_loop3A_432 = arith.muli %parallel_loop3A_430, %parallel_loop3A_431 : i32
      %parallel_loop3A_433 = arith.index_cast %parallel_loop3A_432 : i32 to index
      %parallel_loop3A_434 = tpu.vector_load %arg7[%parallel_loop3A_433] {strides = array<i32>} : memref<2048xi32, #tpu.memory_space<vmem>>, vector<16xi32>,
      %parallel_loop3A_435 = arith.constant 16 : i32
      %parallel_loop3A_436 = arith.muli %parallel_loop3A_430, %parallel_loop3A_435 : i32
      %parallel_loop3A_437 = arith.index_cast %parallel_loop3A_436 : i32 to index
      %parallel_loop3A_438 = tpu.vector_load %arg9[%parallel_loop3A_437] {strides = array<i32>} : memref<2048xi32, #tpu.memory_space<vmem>>, vector<16xi32>,
      %parallel_loop3A_439 = arith.constant 0 : i32
      %parallel_loop3A_440 = vector.broadcast %parallel_loop3A_439 : i32 to vector<16xi32>
      %parallel_loop3A_441 = arith.addi %parallel_loop3A_434, %parallel_loop3A_440 : vector<16xi32>
      %parallel_loop3A_442 = tpu.vector_load_idx %arg5[%parallel_loop3A_441] : memref<80000xf32, #tpu.memory_space<vmem>>[vector<16xi32>], vector<16xf32>,
      %parallel_loop3A_443 = arith.constant 40000 : i32
      %parallel_loop3A_444 = vector.broadcast %parallel_loop3A_443 : i32 to vector<16xi32>
      %parallel_loop3A_445 = arith.addi %parallel_loop3A_438, %parallel_loop3A_444 : vector<16xi32>
      %parallel_loop3A_446 = tpu.vector_load_idx %arg5[%parallel_loop3A_445] : memref<80000xf32, #tpu.memory_space<vmem>>[vector<16xi32>], vector<16xf32>,
      %parallel_loop3A_447 = arith.addf %parallel_loop3A_442, %parallel_loop3A_446 : vector<16xf32>
      %parallel_loop3A_448 = arith.constant 16 : i32
      %parallel_loop3A_449 = arith.muli %parallel_loop3A_430, %parallel_loop3A_448 : i32
      %parallel_loop3A_450 = arith.index_cast %parallel_loop3A_449 : i32 to index
      %parallel_loop3A_451 = tpu.vector_load %arg14[%parallel_loop3A_450] {strides = array<i32>} : memref<2048xf32, #tpu.memory_space<vmem>>, vector<16xf32>,
      tpu.vector_store %arg14[%parallel_loop3A_450], %parallel_loop3A_447 {strides = array<i32>} : memref<2048xf32, #tpu.memory_space<vmem>>, vector<16xf32>,
      %parallel_loop3A_452 = arith.constant 10000 : i32
      %parallel_loop3A_453 = vector.broadcast %parallel_loop3A_452 : i32 to vector<16xi32>
      %parallel_loop3A_454 = arith.addi %parallel_loop3A_434, %parallel_loop3A_453 : vector<16xi32>
      %parallel_loop3A_455 = tpu.vector_load_idx %arg5[%parallel_loop3A_454] : memref<80000xf32, #tpu.memory_space<vmem>>[vector<16xi32>], vector<16xf32>,
      %parallel_loop3A_456 = arith.constant 50000 : i32
      %parallel_loop3A_457 = vector.broadcast %parallel_loop3A_456 : i32 to vector<16xi32>
      %parallel_loop3A_458 = arith.addi %parallel_loop3A_438, %parallel_loop3A_457 : vector<16xi32>
      %parallel_loop3A_459 = tpu.vector_load_idx %arg5[%parallel_loop3A_458] : memref<80000xf32, #tpu.memory_space<vmem>>[vector<16xi32>], vector<16xf32>,
      %parallel_loop3A_460 = arith.addf %parallel_loop3A_455, %parallel_loop3A_459 : vector<16xf32>
      %parallel_loop3A_461 = arith.constant 16 : i32
      %parallel_loop3A_462 = arith.muli %parallel_loop3A_430, %parallel_loop3A_461 : i32
      %parallel_loop3A_463 = arith.index_cast %parallel_loop3A_462 : i32 to index
      %parallel_loop3A_464 = tpu.vector_load %arg15[%parallel_loop3A_463] {strides = array<i32>} : memref<2048xf32, #tpu.memory_space<vmem>>, vector<16xf32>,
      tpu.vector_store %arg15[%parallel_loop3A_463], %parallel_loop3A_460 {strides = array<i32>} : memref<2048xf32, #tpu.memory_space<vmem>>, vector<16xf32>,
      %parallel_loop3A_465 = arith.constant 20000 : i32
      %parallel_loop3A_466 = vector.broadcast %parallel_loop3A_465 : i32 to vector<16xi32>
      %parallel_loop3A_467 = arith.addi %parallel_loop3A_434, %parallel_loop3A_466 : vector<16xi32>
      %parallel_loop3A_468 = tpu.vector_load_idx %arg5[%parallel_loop3A_467] : memref<80000xf32, #tpu.memory_space<vmem>>[vector<16xi32>], vector<16xf32>,
      %parallel_loop3A_469 = arith.constant 60000 : i32
      %parallel_loop3A_470 = vector.broadcast %parallel_loop3A_469 : i32 to vector<16xi32>
      %parallel_loop3A_471 = arith.addi %parallel_loop3A_438, %parallel_loop3A_470 : vector<16xi32>
      %parallel_loop3A_472 = tpu.vector_load_idx %arg5[%parallel_loop3A_471] : memref<80000xf32, #tpu.memory_space<vmem>>[vector<16xi32>], vector<16xf32>,
      %parallel_loop3A_473 = arith.addf %parallel_loop3A_468, %parallel_loop3A_472 : vector<16xf32>
      %parallel_loop3A_474 = arith.constant 16 : i32
      %parallel_loop3A_475 = arith.muli %parallel_loop3A_430, %parallel_loop3A_474 : i32
      %parallel_loop3A_476 = arith.index_cast %parallel_loop3A_475 : i32 to index
      %parallel_loop3A_477 = tpu.vector_load %arg16[%parallel_loop3A_476] {strides = array<i32>} : memref<2048xf32, #tpu.memory_space<vmem>>, vector<16xf32>,
      tpu.vector_store %arg16[%parallel_loop3A_476], %parallel_loop3A_473 {strides = array<i32>} : memref<2048xf32, #tpu.memory_space<vmem>>, vector<16xf32>,
      %parallel_loop3A_478 = arith.constant 30000 : i32
      %parallel_loop3A_479 = vector.broadcast %parallel_loop3A_478 : i32 to vector<16xi32>
      %parallel_loop3A_480 = arith.addi %parallel_loop3A_434, %parallel_loop3A_479 : vector<16xi32>
      %parallel_loop3A_481 = tpu.vector_load_idx %arg5[%parallel_loop3A_480] : memref<80000xf32, #tpu.memory_space<vmem>>[vector<16xi32>], vector<16xf32>,
      %parallel_loop3A_482 = arith.constant 70000 : i32
      %parallel_loop3A_483 = vector.broadcast %parallel_loop3A_482 : i32 to vector<16xi32>
      %parallel_loop3A_484 = arith.addi %parallel_loop3A_438, %parallel_loop3A_483 : vector<16xi32>
      %parallel_loop3A_485 = tpu.vector_load_idx %arg5[%parallel_loop3A_484] : memref<80000xf32, #tpu.memory_space<vmem>>[vector<16xi32>], vector<16xf32>,
      %parallel_loop3A_486 = arith.addf %parallel_loop3A_481, %parallel_loop3A_485 : vector<16xf32>
      %parallel_loop3A_487 = arith.constant 16 : i32
      %parallel_loop3A_488 = arith.muli %parallel_loop3A_430, %parallel_loop3A_487 : i32
      %parallel_loop3A_489 = arith.index_cast %parallel_loop3A_488 : i32 to index
      %parallel_loop3A_490 = tpu.vector_load %arg17[%parallel_loop3A_489] {strides = array<i32>} : memref<2048xf32, #tpu.memory_space<vmem>>, vector<16xf32>,
      tpu.vector_store %arg17[%parallel_loop3A_489], %parallel_loop3A_486 {strides = array<i32>} : memref<2048xf32, #tpu.memory_space<vmem>>, vector<16xf32>,
    } {sc.loop_unroll_factor = 8 : i64, sc.parallel_access}
    %sub3A_283 = arith.constant 16 : i32
    %sub3A_284 = arith.subi %add3A_8, %sub3A_283 : i32
    %min3A_285 = arith.constant 48 : i32
    %min3A_286 = arith.minsi %min3A_285, %sub3A_284 : i32
    %add3A_287 = arith.addi %add3A_4, %min3A_286 : i32
    %mul3A_288 = arith.constant 128 : i32
    %mul3A_289 = arith.muli %add3A_287, %mul3A_288 : i32
    %dma_start3A_290 = arith.constant 0 : i32
    %dma_start3A_291 = arith.constant 0 : i32
    %dma_start3A_292 = tpu.memref_slice %arg4[%dma_start3A_290, %dma_start3A_291, %mul3A_289] : memref<2x2x320000xf32, #tpu.memory_space<hbm>> -> memref<1x1x2048xf32, #tpu.memory_space<hbm>>
    %dma_start3A_293 = tpu.memref_squeeze %dma_start3A_292 : memref<1x1x2048xf32, #tpu.memory_space<hbm>> -> memref<2048xf32, #tpu.memory_space<hbm>>
    %dma_start3A_294 = tpu.memref_slice %arg4[%dma_start3A_290, %dma_start3A_291, %mul3A_289] : memref<2x2x320000xf32, #tpu.memory_space<hbm>> -> memref<1x1x2048xf32, #tpu.memory_space<hbm>>
    %dma_start3A_295 = tpu.memref_squeeze %dma_start3A_294 : memref<1x1x2048xf32, #tpu.memory_space<hbm>> -> memref<2048xf32, #tpu.memory_space<hbm>>
    tpu.enqueue_dma source(%arg14 : memref<2048xf32, #tpu.memory_space<vmem>>) target(%dma_start3A_295 : memref<2048xf32, #tpu.memory_space<hbm>>) target_semaphore(%arg21 : memref<!tpu.dma_semaphore, #tpu.memory_space<semaphore_mem>>)
    %dma_start3A_296 = arith.constant 0 : i32
    %dma_start3A_297 = arith.constant 1 : i32
    %dma_start3A_298 = tpu.memref_slice %arg4[%dma_start3A_296, %dma_start3A_297, %mul3A_289] : memref<2x2x320000xf32, #tpu.memory_space<hbm>> -> memref<1x1x2048xf32, #tpu.memory_space<hbm>>
    %dma_start3A_299 = tpu.memref_squeeze %dma_start3A_298 : memref<1x1x2048xf32, #tpu.memory_space<hbm>> -> memref<2048xf32, #tpu.memory_space<hbm>>
    %dma_start3A_300 = tpu.memref_slice %arg4[%dma_start3A_296, %dma_start3A_297, %mul3A_289] : memref<2x2x320000xf32, #tpu.memory_space<hbm>> -> memref<1x1x2048xf32, #tpu.memory_space<hbm>>
    %dma_start3A_301 = tpu.memref_squeeze %dma_start3A_300 : memref<1x1x2048xf32, #tpu.memory_space<hbm>> -> memref<2048xf32, #tpu.memory_space<hbm>>
    tpu.enqueue_dma source(%arg15 : memref<2048xf32, #tpu.memory_space<vmem>>) target(%dma_start3A_301 : memref<2048xf32, #tpu.memory_space<hbm>>) target_semaphore(%arg21 : memref<!tpu.dma_semaphore, #tpu.memory_space<semaphore_mem>>)
    %dma_start3A_302 = arith.constant 1 : i32
    %dma_start3A_303 = arith.constant 0 : i32
    %dma_start3A_304 = tpu.memref_slice %arg4[%dma_start3A_302, %dma_start3A_303, %mul3A_289] : memref<2x2x320000xf32, #tpu.memory_space<hbm>> -> memref<1x1x2048xf32, #tpu.memory_space<hbm>>
    %dma_start3A_305 = tpu.memref_squeeze %dma_start3A_304 : memref<1x1x2048xf32, #tpu.memory_space<hbm>> -> memref<2048xf32, #tpu.memory_space<hbm>>
    %dma_start3A_306 = tpu.memref_slice %arg4[%dma_start3A_302, %dma_start3A_303, %mul3A_289] : memref<2x2x320000xf32, #tpu.memory_space<hbm>> -> memref<1x1x2048xf32, #tpu.memory_space<hbm>>
    %dma_start3A_307 = tpu.memref_squeeze %dma_start3A_306 : memref<1x1x2048xf32, #tpu.memory_space<hbm>> -> memref<2048xf32, #tpu.memory_space<hbm>>
    tpu.enqueue_dma source(%arg16 : memref<2048xf32, #tpu.memory_space<vmem>>) target(%dma_start3A_307 : memref<2048xf32, #tpu.memory_space<hbm>>) target_semaphore(%arg21 : memref<!tpu.dma_semaphore, #tpu.memory_space<semaphore_mem>>)
    %dma_start3A_308 = arith.constant 1 : i32
    %dma_start3A_309 = arith.constant 1 : i32
    %dma_start3A_310 = tpu.memref_slice %arg4[%dma_start3A_308, %dma_start3A_309, %mul3A_289] : memref<2x2x320000xf32, #tpu.memory_space<hbm>> -> memref<1x1x2048xf32, #tpu.memory_space<hbm>>
    %dma_start3A_311 = tpu.memref_squeeze %dma_start3A_310 : memref<1x1x2048xf32, #tpu.memory_space<hbm>> -> memref<2048xf32, #tpu.memory_space<hbm>>
    %dma_start3A_312 = tpu.memref_slice %arg4[%dma_start3A_308, %dma_start3A_309, %mul3A_289] : memref<2x2x320000xf32, #tpu.memory_space<hbm>> -> memref<1x1x2048xf32, #tpu.memory_space<hbm>>
    %dma_start3A_313 = tpu.memref_squeeze %dma_start3A_312 : memref<1x1x2048xf32, #tpu.memory_space<hbm>> -> memref<2048xf32, #tpu.memory_space<hbm>>
    tpu.enqueue_dma source(%arg17 : memref<2048xf32, #tpu.memory_space<vmem>>) target(%dma_start3A_313 : memref<2048xf32, #tpu.memory_space<hbm>>) target_semaphore(%arg21 : memref<!tpu.dma_semaphore, #tpu.memory_space<semaphore_mem>>)
    %dma_wait3A_314 = arith.constant 0 : i32
    %dma_wait3A_315 = tpu.memref_slice %arg3[%dma_wait3A_314, %mul3A_245] : memref<2x320000xi32, #tpu.memory_space<hbm>> -> memref<1x2048xi32, #tpu.memory_space<hbm>>
    %dma_wait3A_316 = tpu.memref_squeeze %dma_wait3A_315 : memref<1x2048xi32, #tpu.memory_space<hbm>> -> memref<2048xi32, #tpu.memory_space<hbm>>
    %dma_wait3A_317 = tpu.memref_slice %arg3[%dma_wait3A_314, %mul3A_245] : memref<2x320000xi32, #tpu.memory_space<hbm>> -> memref<1x2048xi32, #tpu.memory_space<hbm>>
    %dma_wait3A_318 = tpu.memref_squeeze %dma_wait3A_317 : memref<1x2048xi32, #tpu.memory_space<hbm>> -> memref<2048xi32, #tpu.memory_space<hbm>>
    tpu.wait_dma2 semaphore(%arg18 : memref<!tpu.dma_semaphore, #tpu.memory_space<semaphore_mem>>) src(%dma_wait3A_318 : memref<2048xi32, #tpu.memory_space<hbm>>) dst(%arg6 : memref<2048xi32, #tpu.memory_space<vmem>>)
    %dma_wait3A_319 = arith.constant 1 : i32
    %dma_wait3A_320 = tpu.memref_slice %arg3[%dma_wait3A_319, %mul3A_245] : memref<2x320000xi32, #tpu.memory_space<hbm>> -> memref<1x2048xi32, #tpu.memory_space<hbm>>
    %dma_wait3A_321 = tpu.memref_squeeze %dma_wait3A_320 : memref<1x2048xi32, #tpu.memory_space<hbm>> -> memref<2048xi32, #tpu.memory_space<hbm>>
    %dma_wait3A_322 = tpu.memref_slice %arg3[%dma_wait3A_319, %mul3A_245] : memref<2x320000xi32, #tpu.memory_space<hbm>> -> memref<1x2048xi32, #tpu.memory_space<hbm>>
    %dma_wait3A_323 = tpu.memref_squeeze %dma_wait3A_322 : memref<1x2048xi32, #tpu.memory_space<hbm>> -> memref<2048xi32, #tpu.memory_space<hbm>>
    tpu.wait_dma2 semaphore(%arg18 : memref<!tpu.dma_semaphore, #tpu.memory_space<semaphore_mem>>) src(%dma_wait3A_323 : memref<2048xi32, #tpu.memory_space<hbm>>) dst(%arg8 : memref<2048xi32, #tpu.memory_space<vmem>>)
    %dma_wait3A_324 = arith.constant 0 : i32
    %dma_wait3A_325 = arith.constant 0 : i32
    %dma_wait3A_326 = tpu.memref_slice %arg4[%dma_wait3A_324, %dma_wait3A_325, %mul3A_204] : memref<2x2x320000xf32, #tpu.memory_space<hbm>> -> memref<1x1x2048xf32, #tpu.memory_space<hbm>>
    %dma_wait3A_327 = tpu.memref_squeeze %dma_wait3A_326 : memref<1x1x2048xf32, #tpu.memory_space<hbm>> -> memref<2048xf32, #tpu.memory_space<hbm>>
    %dma_wait3A_328 = tpu.memref_slice %arg4[%dma_wait3A_324, %dma_wait3A_325, %mul3A_204] : memref<2x2x320000xf32, #tpu.memory_space<hbm>> -> memref<1x1x2048xf32, #tpu.memory_space<hbm>>
    %dma_wait3A_329 = tpu.memref_squeeze %dma_wait3A_328 : memref<1x1x2048xf32, #tpu.memory_space<hbm>> -> memref<2048xf32, #tpu.memory_space<hbm>>
    tpu.wait_dma2 semaphore(%arg20 : memref<!tpu.dma_semaphore, #tpu.memory_space<semaphore_mem>>) src(%arg10 : memref<2048xf32, #tpu.memory_space<vmem>>) dst(%dma_wait3A_329 : memref<2048xf32, #tpu.memory_space<hbm>>)
    %dma_wait3A_330 = arith.constant 0 : i32
    %dma_wait3A_331 = arith.constant 1 : i32
    %dma_wait3A_332 = tpu.memref_slice %arg4[%dma_wait3A_330, %dma_wait3A_331, %mul3A_204] : memref<2x2x320000xf32, #tpu.memory_space<hbm>> -> memref<1x1x2048xf32, #tpu.memory_space<hbm>>
    %dma_wait3A_333 = tpu.memref_squeeze %dma_wait3A_332 : memref<1x1x2048xf32, #tpu.memory_space<hbm>> -> memref<2048xf32, #tpu.memory_space<hbm>>
    %dma_wait3A_334 = tpu.memref_slice %arg4[%dma_wait3A_330, %dma_wait3A_331, %mul3A_204] : memref<2x2x320000xf32, #tpu.memory_space<hbm>> -> memref<1x1x2048xf32, #tpu.memory_space<hbm>>
    %dma_wait3A_335 = tpu.memref_squeeze %dma_wait3A_334 : memref<1x1x2048xf32, #tpu.memory_space<hbm>> -> memref<2048xf32, #tpu.memory_space<hbm>>
    tpu.wait_dma2 semaphore(%arg20 : memref<!tpu.dma_semaphore, #tpu.memory_space<semaphore_mem>>) src(%arg11 : memref<2048xf32, #tpu.memory_space<vmem>>) dst(%dma_wait3A_335 : memref<2048xf32, #tpu.memory_space<hbm>>)
    %dma_wait3A_336 = arith.constant 1 : i32
    %dma_wait3A_337 = arith.constant 0 : i32
    %dma_wait3A_338 = tpu.memref_slice %arg4[%dma_wait3A_336, %dma_wait3A_337, %mul3A_204] : memref<2x2x320000xf32, #tpu.memory_space<hbm>> -> memref<1x1x2048xf32, #tpu.memory_space<hbm>>
    %dma_wait3A_339 = tpu.memref_squeeze %dma_wait3A_338 : memref<1x1x2048xf32, #tpu.memory_space<hbm>> -> memref<2048xf32, #tpu.memory_space<hbm>>
    %dma_wait3A_340 = tpu.memref_slice %arg4[%dma_wait3A_336, %dma_wait3A_337, %mul3A_204] : memref<2x2x320000xf32, #tpu.memory_space<hbm>> -> memref<1x1x2048xf32, #tpu.memory_space<hbm>>
    %dma_wait3A_341 = tpu.memref_squeeze %dma_wait3A_340 : memref<1x1x2048xf32, #tpu.memory_space<hbm>> -> memref<2048xf32, #tpu.memory_space<hbm>>
    tpu.wait_dma2 semaphore(%arg20 : memref<!tpu.dma_semaphore, #tpu.memory_space<semaphore_mem>>) src(%arg12 : memref<2048xf32, #tpu.memory_space<vmem>>) dst(%dma_wait3A_341 : memref<2048xf32, #tpu.memory_space<hbm>>)
    %dma_wait3A_342 = arith.constant 1 : i32
    %dma_wait3A_343 = arith.constant 1 : i32
    %dma_wait3A_344 = tpu.memref_slice %arg4[%dma_wait3A_342, %dma_wait3A_343, %mul3A_204] : memref<2x2x320000xf32, #tpu.memory_space<hbm>> -> memref<1x1x2048xf32, #tpu.memory_space<hbm>>
    %dma_wait3A_345 = tpu.memref_squeeze %dma_wait3A_344 : memref<1x1x2048xf32, #tpu.memory_space<hbm>> -> memref<2048xf32, #tpu.memory_space<hbm>>
    %dma_wait3A_346 = tpu.memref_slice %arg4[%dma_wait3A_342, %dma_wait3A_343, %mul3A_204] : memref<2x2x320000xf32, #tpu.memory_space<hbm>> -> memref<1x1x2048xf32, #tpu.memory_space<hbm>>
    %dma_wait3A_347 = tpu.memref_squeeze %dma_wait3A_346 : memref<1x1x2048xf32, #tpu.memory_space<hbm>> -> memref<2048xf32, #tpu.memory_space<hbm>>
    tpu.wait_dma2 semaphore(%arg20 : memref<!tpu.dma_semaphore, #tpu.memory_space<semaphore_mem>>) src(%arg13 : memref<2048xf32, #tpu.memory_space<vmem>>) dst(%dma_wait3A_347 : memref<2048xf32, #tpu.memory_space<hbm>>)
    %parallel_loop3A_348 = arith.constant 0 : i32
    %parallel_loop3A_349 = arith.constant 128 : i32
    %parallel_loop3A_350 = arith.constant 1 : i32
    scf.for %parallel_loop3A_430 = %parallel_loop3A_348 to %parallel_loop3A_349 step %parallel_loop3A_350  : i32 {
      %parallel_loop3A_431 = arith.constant 16 : i32
      %parallel_loop3A_432 = arith.muli %parallel_loop3A_430, %parallel_loop3A_431 : i32
      %parallel_loop3A_433 = arith.index_cast %parallel_loop3A_432 : i32 to index
      %parallel_loop3A_434 = tpu.vector_load %arg6[%parallel_loop3A_433] {strides = array<i32>} : memref<2048xi32, #tpu.memory_space<vmem>>, vector<16xi32>,
      %parallel_loop3A_435 = arith.constant 16 : i32
      %parallel_loop3A_436 = arith.muli %parallel_loop3A_430, %parallel_loop3A_435 : i32
      %parallel_loop3A_437 = arith.index_cast %parallel_loop3A_436 : i32 to index
      %parallel_loop3A_438 = tpu.vector_load %arg8[%parallel_loop3A_437] {strides = array<i32>} : memref<2048xi32, #tpu.memory_space<vmem>>, vector<16xi32>,
      %parallel_loop3A_439 = arith.constant 0 : i32
      %parallel_loop3A_440 = vector.broadcast %parallel_loop3A_439 : i32 to vector<16xi32>
      %parallel_loop3A_441 = arith.addi %parallel_loop3A_434, %parallel_loop3A_440 : vector<16xi32>
      %parallel_loop3A_442 = tpu.vector_load_idx %arg5[%parallel_loop3A_441] : memref<80000xf32, #tpu.memory_space<vmem>>[vector<16xi32>], vector<16xf32>,
      %parallel_loop3A_443 = arith.constant 40000 : i32
      %parallel_loop3A_444 = vector.broadcast %parallel_loop3A_443 : i32 to vector<16xi32>
      %parallel_loop3A_445 = arith.addi %parallel_loop3A_438, %parallel_loop3A_444 : vector<16xi32>
      %parallel_loop3A_446 = tpu.vector_load_idx %arg5[%parallel_loop3A_445] : memref<80000xf32, #tpu.memory_space<vmem>>[vector<16xi32>], vector<16xf32>,
      %parallel_loop3A_447 = arith.addf %parallel_loop3A_442, %parallel_loop3A_446 : vector<16xf32>
      %parallel_loop3A_448 = arith.constant 16 : i32
      %parallel_loop3A_449 = arith.muli %parallel_loop3A_430, %parallel_loop3A_448 : i32
      %parallel_loop3A_450 = arith.index_cast %parallel_loop3A_449 : i32 to index
      %parallel_loop3A_451 = tpu.vector_load %arg10[%parallel_loop3A_450] {strides = array<i32>} : memref<2048xf32, #tpu.memory_space<vmem>>, vector<16xf32>,
      tpu.vector_store %arg10[%parallel_loop3A_450], %parallel_loop3A_447 {strides = array<i32>} : memref<2048xf32, #tpu.memory_space<vmem>>, vector<16xf32>,
      %parallel_loop3A_452 = arith.constant 10000 : i32
      %parallel_loop3A_453 = vector.broadcast %parallel_loop3A_452 : i32 to vector<16xi32>
      %parallel_loop3A_454 = arith.addi %parallel_loop3A_434, %parallel_loop3A_453 : vector<16xi32>
      %parallel_loop3A_455 = tpu.vector_load_idx %arg5[%parallel_loop3A_454] : memref<80000xf32, #tpu.memory_space<vmem>>[vector<16xi32>], vector<16xf32>,
      %parallel_loop3A_456 = arith.constant 50000 : i32
      %parallel_loop3A_457 = vector.broadcast %parallel_loop3A_456 : i32 to vector<16xi32>
      %parallel_loop3A_458 = arith.addi %parallel_loop3A_438, %parallel_loop3A_457 : vector<16xi32>
      %parallel_loop3A_459 = tpu.vector_load_idx %arg5[%parallel_loop3A_458] : memref<80000xf32, #tpu.memory_space<vmem>>[vector<16xi32>], vector<16xf32>,
      %parallel_loop3A_460 = arith.addf %parallel_loop3A_455, %parallel_loop3A_459 : vector<16xf32>
      %parallel_loop3A_461 = arith.constant 16 : i32
      %parallel_loop3A_462 = arith.muli %parallel_loop3A_430, %parallel_loop3A_461 : i32
      %parallel_loop3A_463 = arith.index_cast %parallel_loop3A_462 : i32 to index
      %parallel_loop3A_464 = tpu.vector_load %arg11[%parallel_loop3A_463] {strides = array<i32>} : memref<2048xf32, #tpu.memory_space<vmem>>, vector<16xf32>,
      tpu.vector_store %arg11[%parallel_loop3A_463], %parallel_loop3A_460 {strides = array<i32>} : memref<2048xf32, #tpu.memory_space<vmem>>, vector<16xf32>,
      %parallel_loop3A_465 = arith.constant 20000 : i32
      %parallel_loop3A_466 = vector.broadcast %parallel_loop3A_465 : i32 to vector<16xi32>
      %parallel_loop3A_467 = arith.addi %parallel_loop3A_434, %parallel_loop3A_466 : vector<16xi32>
      %parallel_loop3A_468 = tpu.vector_load_idx %arg5[%parallel_loop3A_467] : memref<80000xf32, #tpu.memory_space<vmem>>[vector<16xi32>], vector<16xf32>,
      %parallel_loop3A_469 = arith.constant 60000 : i32
      %parallel_loop3A_470 = vector.broadcast %parallel_loop3A_469 : i32 to vector<16xi32>
      %parallel_loop3A_471 = arith.addi %parallel_loop3A_438, %parallel_loop3A_470 : vector<16xi32>
      %parallel_loop3A_472 = tpu.vector_load_idx %arg5[%parallel_loop3A_471] : memref<80000xf32, #tpu.memory_space<vmem>>[vector<16xi32>], vector<16xf32>,
      %parallel_loop3A_473 = arith.addf %parallel_loop3A_468, %parallel_loop3A_472 : vector<16xf32>
      %parallel_loop3A_474 = arith.constant 16 : i32
      %parallel_loop3A_475 = arith.muli %parallel_loop3A_430, %parallel_loop3A_474 : i32
      %parallel_loop3A_476 = arith.index_cast %parallel_loop3A_475 : i32 to index
      %parallel_loop3A_477 = tpu.vector_load %arg12[%parallel_loop3A_476] {strides = array<i32>} : memref<2048xf32, #tpu.memory_space<vmem>>, vector<16xf32>,
      tpu.vector_store %arg12[%parallel_loop3A_476], %parallel_loop3A_473 {strides = array<i32>} : memref<2048xf32, #tpu.memory_space<vmem>>, vector<16xf32>,
      %parallel_loop3A_478 = arith.constant 30000 : i32
      %parallel_loop3A_479 = vector.broadcast %parallel_loop3A_478 : i32 to vector<16xi32>
      %parallel_loop3A_480 = arith.addi %parallel_loop3A_434, %parallel_loop3A_479 : vector<16xi32>
      %parallel_loop3A_481 = tpu.vector_load_idx %arg5[%parallel_loop3A_480] : memref<80000xf32, #tpu.memory_space<vmem>>[vector<16xi32>], vector<16xf32>,
      %parallel_loop3A_482 = arith.constant 70000 : i32
      %parallel_loop3A_483 = vector.broadcast %parallel_loop3A_482 : i32 to vector<16xi32>
      %parallel_loop3A_484 = arith.addi %parallel_loop3A_438, %parallel_loop3A_483 : vector<16xi32>
      %parallel_loop3A_485 = tpu.vector_load_idx %arg5[%parallel_loop3A_484] : memref<80000xf32, #tpu.memory_space<vmem>>[vector<16xi32>], vector<16xf32>,
      %parallel_loop3A_486 = arith.addf %parallel_loop3A_481, %parallel_loop3A_485 : vector<16xf32>
      %parallel_loop3A_487 = arith.constant 16 : i32
      %parallel_loop3A_488 = arith.muli %parallel_loop3A_430, %parallel_loop3A_487 : i32
      %parallel_loop3A_489 = arith.index_cast %parallel_loop3A_488 : i32 to index
      %parallel_loop3A_490 = tpu.vector_load %arg13[%parallel_loop3A_489] {strides = array<i32>} : memref<2048xf32, #tpu.memory_space<vmem>>, vector<16xf32>,
      tpu.vector_store %arg13[%parallel_loop3A_489], %parallel_loop3A_486 {strides = array<i32>} : memref<2048xf32, #tpu.memory_space<vmem>>, vector<16xf32>,
    } {sc.loop_unroll_factor = 8 : i64, sc.parallel_access}
    %sub3A_351 = arith.constant 16 : i32
    %sub3A_352 = arith.subi %add3A_8, %sub3A_351 : i32
    %min3A_353 = arith.constant 64 : i32
    %min3A_354 = arith.minsi %min3A_353, %sub3A_352 : i32
    %add3A_355 = arith.addi %add3A_4, %min3A_354 : i32
    %mul3A_356 = arith.constant 128 : i32
    %mul3A_357 = arith.muli %add3A_355, %mul3A_356 : i32
    %dma_start3A_358 = arith.constant 0 : i32
    %dma_start3A_359 = arith.constant 0 : i32
    %dma_start3A_360 = tpu.memref_slice %arg4[%dma_start3A_358, %dma_start3A_359, %mul3A_357] : memref<2x2x320000xf32, #tpu.memory_space<hbm>> -> memref<1x1x2048xf32, #tpu.memory_space<hbm>>
    %dma_start3A_361 = tpu.memref_squeeze %dma_start3A_360 : memref<1x1x2048xf32, #tpu.memory_space<hbm>> -> memref<2048xf32, #tpu.memory_space<hbm>>
    %dma_start3A_362 = tpu.memref_slice %arg4[%dma_start3A_358, %dma_start3A_359, %mul3A_357] : memref<2x2x320000xf32, #tpu.memory_space<hbm>> -> memref<1x1x2048xf32, #tpu.memory_space<hbm>>
    %dma_start3A_363 = tpu.memref_squeeze %dma_start3A_362 : memref<1x1x2048xf32, #tpu.memory_space<hbm>> -> memref<2048xf32, #tpu.memory_space<hbm>>
    tpu.enqueue_dma source(%arg10 : memref<2048xf32, #tpu.memory_space<vmem>>) target(%dma_start3A_363 : memref<2048xf32, #tpu.memory_space<hbm>>) target_semaphore(%arg20 : memref<!tpu.dma_semaphore, #tpu.memory_space<semaphore_mem>>)
    %dma_start3A_364 = arith.constant 0 : i32
    %dma_start3A_365 = arith.constant 1 : i32
    %dma_start3A_366 = tpu.memref_slice %arg4[%dma_start3A_364, %dma_start3A_365, %mul3A_357] : memref<2x2x320000xf32, #tpu.memory_space<hbm>> -> memref<1x1x2048xf32, #tpu.memory_space<hbm>>
    %dma_start3A_367 = tpu.memref_squeeze %dma_start3A_366 : memref<1x1x2048xf32, #tpu.memory_space<hbm>> -> memref<2048xf32, #tpu.memory_space<hbm>>
    %dma_start3A_368 = tpu.memref_slice %arg4[%dma_start3A_364, %dma_start3A_365, %mul3A_357] : memref<2x2x320000xf32, #tpu.memory_space<hbm>> -> memref<1x1x2048xf32, #tpu.memory_space<hbm>>
    %dma_start3A_369 = tpu.memref_squeeze %dma_start3A_368 : memref<1x1x2048xf32, #tpu.memory_space<hbm>> -> memref<2048xf32, #tpu.memory_space<hbm>>
    tpu.enqueue_dma source(%arg11 : memref<2048xf32, #tpu.memory_space<vmem>>) target(%dma_start3A_369 : memref<2048xf32, #tpu.memory_space<hbm>>) target_semaphore(%arg20 : memref<!tpu.dma_semaphore, #tpu.memory_space<semaphore_mem>>)
    %dma_start3A_370 = arith.constant 1 : i32
    %dma_start3A_371 = arith.constant 0 : i32
    %dma_start3A_372 = tpu.memref_slice %arg4[%dma_start3A_370, %dma_start3A_371, %mul3A_357] : memref<2x2x320000xf32, #tpu.memory_space<hbm>> -> memref<1x1x2048xf32, #tpu.memory_space<hbm>>
    %dma_start3A_373 = tpu.memref_squeeze %dma_start3A_372 : memref<1x1x2048xf32, #tpu.memory_space<hbm>> -> memref<2048xf32, #tpu.memory_space<hbm>>
    %dma_start3A_374 = tpu.memref_slice %arg4[%dma_start3A_370, %dma_start3A_371, %mul3A_357] : memref<2x2x320000xf32, #tpu.memory_space<hbm>> -> memref<1x1x2048xf32, #tpu.memory_space<hbm>>
    %dma_start3A_375 = tpu.memref_squeeze %dma_start3A_374 : memref<1x1x2048xf32, #tpu.memory_space<hbm>> -> memref<2048xf32, #tpu.memory_space<hbm>>
    tpu.enqueue_dma source(%arg12 : memref<2048xf32, #tpu.memory_space<vmem>>) target(%dma_start3A_375 : memref<2048xf32, #tpu.memory_space<hbm>>) target_semaphore(%arg20 : memref<!tpu.dma_semaphore, #tpu.memory_space<semaphore_mem>>)
    %dma_start3A_376 = arith.constant 1 : i32
    %dma_start3A_377 = arith.constant 1 : i32
    %dma_start3A_378 = tpu.memref_slice %arg4[%dma_start3A_376, %dma_start3A_377, %mul3A_357] : memref<2x2x320000xf32, #tpu.memory_space<hbm>> -> memref<1x1x2048xf32, #tpu.memory_space<hbm>>
    %dma_start3A_379 = tpu.memref_squeeze %dma_start3A_378 : memref<1x1x2048xf32, #tpu.memory_space<hbm>> -> memref<2048xf32, #tpu.memory_space<hbm>>
    %dma_start3A_380 = tpu.memref_slice %arg4[%dma_start3A_376, %dma_start3A_377, %mul3A_357] : memref<2x2x320000xf32, #tpu.memory_space<hbm>> -> memref<1x1x2048xf32, #tpu.memory_space<hbm>>
    %dma_start3A_381 = tpu.memref_squeeze %dma_start3A_380 : memref<1x1x2048xf32, #tpu.memory_space<hbm>> -> memref<2048xf32, #tpu.memory_space<hbm>>
    tpu.enqueue_dma source(%arg13 : memref<2048xf32, #tpu.memory_space<vmem>>) target(%dma_start3A_381 : memref<2048xf32, #tpu.memory_space<hbm>>) target_semaphore(%arg20 : memref<!tpu.dma_semaphore, #tpu.memory_space<semaphore_mem>>)
    %dma_wait3A_382 = arith.constant 0 : i32
    %dma_wait3A_383 = arith.constant 0 : i32
    %dma_wait3A_384 = tpu.memref_slice %arg4[%dma_wait3A_382, %dma_wait3A_383, %mul3A_357] : memref<2x2x320000xf32, #tpu.memory_space<hbm>> -> memref<1x1x2048xf32, #tpu.memory_space<hbm>>
    %dma_wait3A_385 = tpu.memref_squeeze %dma_wait3A_384 : memref<1x1x2048xf32, #tpu.memory_space<hbm>> -> memref<2048xf32, #tpu.memory_space<hbm>>
    %dma_wait3A_386 = tpu.memref_slice %arg4[%dma_wait3A_382, %dma_wait3A_383, %mul3A_357] : memref<2x2x320000xf32, #tpu.memory_space<hbm>> -> memref<1x1x2048xf32, #tpu.memory_space<hbm>>
    %dma_wait3A_387 = tpu.memref_squeeze %dma_wait3A_386 : memref<1x1x2048xf32, #tpu.memory_space<hbm>> -> memref<2048xf32, #tpu.memory_space<hbm>>
    tpu.wait_dma2 semaphore(%arg20 : memref<!tpu.dma_semaphore, #tpu.memory_space<semaphore_mem>>) src(%arg10 : memref<2048xf32, #tpu.memory_space<vmem>>) dst(%dma_wait3A_387 : memref<2048xf32, #tpu.memory_space<hbm>>)
    %dma_wait3A_388 = arith.constant 0 : i32
    %dma_wait3A_389 = arith.constant 1 : i32
    %dma_wait3A_390 = tpu.memref_slice %arg4[%dma_wait3A_388, %dma_wait3A_389, %mul3A_357] : memref<2x2x320000xf32, #tpu.memory_space<hbm>> -> memref<1x1x2048xf32, #tpu.memory_space<hbm>>
    %dma_wait3A_391 = tpu.memref_squeeze %dma_wait3A_390 : memref<1x1x2048xf32, #tpu.memory_space<hbm>> -> memref<2048xf32, #tpu.memory_space<hbm>>
    %dma_wait3A_392 = tpu.memref_slice %arg4[%dma_wait3A_388, %dma_wait3A_389, %mul3A_357] : memref<2x2x320000xf32, #tpu.memory_space<hbm>> -> memref<1x1x2048xf32, #tpu.memory_space<hbm>>
    %dma_wait3A_393 = tpu.memref_squeeze %dma_wait3A_392 : memref<1x1x2048xf32, #tpu.memory_space<hbm>> -> memref<2048xf32, #tpu.memory_space<hbm>>
    tpu.wait_dma2 semaphore(%arg20 : memref<!tpu.dma_semaphore, #tpu.memory_space<semaphore_mem>>) src(%arg11 : memref<2048xf32, #tpu.memory_space<vmem>>) dst(%dma_wait3A_393 : memref<2048xf32, #tpu.memory_space<hbm>>)
    %dma_wait3A_394 = arith.constant 1 : i32
    %dma_wait3A_395 = arith.constant 0 : i32
    %dma_wait3A_396 = tpu.memref_slice %arg4[%dma_wait3A_394, %dma_wait3A_395, %mul3A_357] : memref<2x2x320000xf32, #tpu.memory_space<hbm>> -> memref<1x1x2048xf32, #tpu.memory_space<hbm>>
    %dma_wait3A_397 = tpu.memref_squeeze %dma_wait3A_396 : memref<1x1x2048xf32, #tpu.memory_space<hbm>> -> memref<2048xf32, #tpu.memory_space<hbm>>
    %dma_wait3A_398 = tpu.memref_slice %arg4[%dma_wait3A_394, %dma_wait3A_395, %mul3A_357] : memref<2x2x320000xf32, #tpu.memory_space<hbm>> -> memref<1x1x2048xf32, #tpu.memory_space<hbm>>
    %dma_wait3A_399 = tpu.memref_squeeze %dma_wait3A_398 : memref<1x1x2048xf32, #tpu.memory_space<hbm>> -> memref<2048xf32, #tpu.memory_space<hbm>>
    tpu.wait_dma2 semaphore(%arg20 : memref<!tpu.dma_semaphore, #tpu.memory_space<semaphore_mem>>) src(%arg12 : memref<2048xf32, #tpu.memory_space<vmem>>) dst(%dma_wait3A_399 : memref<2048xf32, #tpu.memory_space<hbm>>)
    %dma_wait3A_400 = arith.constant 1 : i32
    %dma_wait3A_401 = arith.constant 1 : i32
    %dma_wait3A_402 = tpu.memref_slice %arg4[%dma_wait3A_400, %dma_wait3A_401, %mul3A_357] : memref<2x2x320000xf32, #tpu.memory_space<hbm>> -> memref<1x1x2048xf32, #tpu.memory_space<hbm>>
    %dma_wait3A_403 = tpu.memref_squeeze %dma_wait3A_402 : memref<1x1x2048xf32, #tpu.memory_space<hbm>> -> memref<2048xf32, #tpu.memory_space<hbm>>
    %dma_wait3A_404 = tpu.memref_slice %arg4[%dma_wait3A_400, %dma_wait3A_401, %mul3A_357] : memref<2x2x320000xf32, #tpu.memory_space<hbm>> -> memref<1x1x2048xf32, #tpu.memory_space<hbm>>
    %dma_wait3A_405 = tpu.memref_squeeze %dma_wait3A_404 : memref<1x1x2048xf32, #tpu.memory_space<hbm>> -> memref<2048xf32, #tpu.memory_space<hbm>>
    tpu.wait_dma2 semaphore(%arg20 : memref<!tpu.dma_semaphore, #tpu.memory_space<semaphore_mem>>) src(%arg13 : memref<2048xf32, #tpu.memory_space<vmem>>) dst(%dma_wait3A_405 : memref<2048xf32, #tpu.memory_space<hbm>>)
    %dma_wait3A_406 = arith.constant 0 : i32
    %dma_wait3A_407 = arith.constant 0 : i32
    %dma_wait3A_408 = tpu.memref_slice %arg4[%dma_wait3A_406, %dma_wait3A_407, %mul3A_289] : memref<2x2x320000xf32, #tpu.memory_space<hbm>> -> memref<1x1x2048xf32, #tpu.memory_space<hbm>>
    %dma_wait3A_409 = tpu.memref_squeeze %dma_wait3A_408 : memref<1x1x2048xf32, #tpu.memory_space<hbm>> -> memref<2048xf32, #tpu.memory_space<hbm>>
    %dma_wait3A_410 = tpu.memref_slice %arg4[%dma_wait3A_406, %dma_wait3A_407, %mul3A_289] : memref<2x2x320000xf32, #tpu.memory_space<hbm>> -> memref<1x1x2048xf32, #tpu.memory_space<hbm>>
    %dma_wait3A_411 = tpu.memref_squeeze %dma_wait3A_410 : memref<1x1x2048xf32, #tpu.memory_space<hbm>> -> memref<2048xf32, #tpu.memory_space<hbm>>
    tpu.wait_dma2 semaphore(%arg21 : memref<!tpu.dma_semaphore, #tpu.memory_space<semaphore_mem>>) src(%arg14 : memref<2048xf32, #tpu.memory_space<vmem>>) dst(%dma_wait3A_411 : memref<2048xf32, #tpu.memory_space<hbm>>)
    %dma_wait3A_412 = arith.constant 0 : i32
    %dma_wait3A_413 = arith.constant 1 : i32
    %dma_wait3A_414 = tpu.memref_slice %arg4[%dma_wait3A_412, %dma_wait3A_413, %mul3A_289] : memref<2x2x320000xf32, #tpu.memory_space<hbm>> -> memref<1x1x2048xf32, #tpu.memory_space<hbm>>
    %dma_wait3A_415 = tpu.memref_squeeze %dma_wait3A_414 : memref<1x1x2048xf32, #tpu.memory_space<hbm>> -> memref<2048xf32, #tpu.memory_space<hbm>>
    %dma_wait3A_416 = tpu.memref_slice %arg4[%dma_wait3A_412, %dma_wait3A_413, %mul3A_289] : memref<2x2x320000xf32, #tpu.memory_space<hbm>> -> memref<1x1x2048xf32, #tpu.memory_space<hbm>>
    %dma_wait3A_417 = tpu.memref_squeeze %dma_wait3A_416 : memref<1x1x2048xf32, #tpu.memory_space<hbm>> -> memref<2048xf32, #tpu.memory_space<hbm>>
    tpu.wait_dma2 semaphore(%arg21 : memref<!tpu.dma_semaphore, #tpu.memory_space<semaphore_mem>>) src(%arg15 : memref<2048xf32, #tpu.memory_space<vmem>>) dst(%dma_wait3A_417 : memref<2048xf32, #tpu.memory_space<hbm>>)
    %dma_wait3A_418 = arith.constant 1 : i32
    %dma_wait3A_419 = arith.constant 0 : i32
    %dma_wait3A_420 = tpu.memref_slice %arg4[%dma_wait3A_418, %dma_wait3A_419, %mul3A_289] : memref<2x2x320000xf32, #tpu.memory_space<hbm>> -> memref<1x1x2048xf32, #tpu.memory_space<hbm>>
    %dma_wait3A_421 = tpu.memref_squeeze %dma_wait3A_420 : memref<1x1x2048xf32, #tpu.memory_space<hbm>> -> memref<2048xf32, #tpu.memory_space<hbm>>
    %dma_wait3A_422 = tpu.memref_slice %arg4[%dma_wait3A_418, %dma_wait3A_419, %mul3A_289] : memref<2x2x320000xf32, #tpu.memory_space<hbm>> -> memref<1x1x2048xf32, #tpu.memory_space<hbm>>
    %dma_wait3A_423 = tpu.memref_squeeze %dma_wait3A_422 : memref<1x1x2048xf32, #tpu.memory_space<hbm>> -> memref<2048xf32, #tpu.memory_space<hbm>>
    tpu.wait_dma2 semaphore(%arg21 : memref<!tpu.dma_semaphore, #tpu.memory_space<semaphore_mem>>) src(%arg16 : memref<2048xf32, #tpu.memory_space<vmem>>) dst(%dma_wait3A_423 : memref<2048xf32, #tpu.memory_space<hbm>>)
    %dma_wait3A_424 = arith.constant 1 : i32
    %dma_wait3A_425 = arith.constant 1 : i32
    %dma_wait3A_426 = tpu.memref_slice %arg4[%dma_wait3A_424, %dma_wait3A_425, %mul3A_289] : memref<2x2x320000xf32, #tpu.memory_space<hbm>> -> memref<1x1x2048xf32, #tpu.memory_space<hbm>>
    %dma_wait3A_427 = tpu.memref_squeeze %dma_wait3A_426 : memref<1x1x2048xf32, #tpu.memory_space<hbm>> -> memref<2048xf32, #tpu.memory_space<hbm>>
    %dma_wait3A_428 = tpu.memref_slice %arg4[%dma_wait3A_424, %dma_wait3A_425, %mul3A_289] : memref<2x2x320000xf32, #tpu.memory_space<hbm>> -> memref<1x1x2048xf32, #tpu.memory_space<hbm>>
    %dma_wait3A_429 = tpu.memref_squeeze %dma_wait3A_428 : memref<1x1x2048xf32, #tpu.memory_space<hbm>> -> memref<2048xf32, #tpu.memory_space<hbm>>
    tpu.wait_dma2 semaphore(%arg21 : memref<!tpu.dma_semaphore, #tpu.memory_space<semaphore_mem>>) src(%arg17 : memref<2048xf32, #tpu.memory_space<vmem>>) dst(%dma_wait3A_429 : memref<2048xf32, #tpu.memory_space<hbm>>)
    return
  }
}

module attributes {stable_mosaic.version = 14 : i64} {
  func.func @_tanh_body(%arg0: i32, %arg1: memref<2x2x32000xf32, #tpu.memory_space<vmem>>, %arg2: memref<2x2x32000xf32, #tpu.memory_space<vmem>>) attributes {dimension_semantics = [#tpu.dimension_semantics<arbitrary>], iteration_bounds = array<i64: 10>, scalar_prefetch = 0 : i64, scratch_operands = 0 : i64, tpu.core_type = #tpu.core_type<tc>, window_params = [{transform_indices = @transform_0, window_bounds = array<i64: 2, 2, 32000>}, {transform_indices = @transform_1, window_bounds = array<i64: 2, 2, 32000>}]} {
    %get3A = arith.constant 0 : index
    %get3A_0 = arith.constant 0 : index
    %get3A_1 = arith.constant 0 : index
    %get3A_2 = vector.load %arg1[%get3A, %get3A_0, %get3A_1] : memref<2x2x32000xf32, #tpu.memory_space<vmem>>, vector<2x2x32000xf32>
    %tanh3A = math.tanh %get3A_2 : vector<2x2x32000xf32>
    %swap3A = arith.constant 0 : index
    %swap3A_3 = arith.constant 0 : index
    %swap3A_4 = arith.constant 0 : index
    %swap3A_5 = vector.load %arg2[%swap3A, %swap3A_3, %swap3A_4] : memref<2x2x32000xf32, #tpu.memory_space<vmem>>, vector<2x2x32000xf32>
    tpu.vector_store %arg2[%swap3A, %swap3A_3, %swap3A_4], %tanh3A {strides = array<i32>} : memref<2x2x32000xf32, #tpu.memory_space<vmem>>, vector<2x2x32000xf32>,
    return
  }
  func.func @transform_0(%arg0: i32) -> (i32, i32, i32) {
    %c0_i32 = arith.constant 0 : i32
    %c0_i32_0 = arith.constant 0 : i32
    %c0_i32_1 = arith.constant 0 : i32
    return %c0_i32, %c0_i32_0, %arg0 : i32, i32, i32
  }
  func.func @transform_1(%arg0: i32) -> (i32, i32, i32) {
    %c0_i32 = arith.constant 0 : i32
    %c0_i32_0 = arith.constant 0 : i32
    %c0_i32_1 = arith.constant 0 : i32
    return %c0_i32, %c0_i32_0, %arg0 : i32, i32, i32
  }
}

module attributes {stable_mosaic.version = 14 : i64} {
  func.func @_table_body(%arg0: memref<10000x128xf32, #tpu.memory_space<vmem>>, %arg1: memref<10000xi32, #tpu.memory_space<vmem>>, %arg2: memref<8x128xf32, #tpu.memory_space<vmem>>, %arg3: memref<8x4xf32, #tpu.memory_space<vmem>>, %arg4: memref<8x10000xf32, #tpu.memory_space<vmem>>) attributes {dimension_semantics = [], scalar_prefetch = 0 : i64, scratch_operands = 0 : i64, tpu.core_type = #tpu.core_type<tc>} {
    %get3A = arith.constant 0 : index
    %get3A_0 = arith.constant 0 : index
    %get3A_1 = vector.load %arg2[%get3A, %get3A_0] : memref<8x128xf32, #tpu.memory_space<vmem>>, vector<8x128xf32>
    %get3A_2 = arith.constant 0 : index
    %get3A_3 = arith.constant 0 : index
    %get3A_4 = vector.load %arg0[%get3A_2, %get3A_3] : memref<10000x128xf32, #tpu.memory_space<vmem>>, vector<10000x128xf32>
    %dot_general3A = arith.constant dense<0.000000e+00> : vector<8x10000xf32>
    %dot_general3A_5 = tpu.matmul %get3A_1, %get3A_4, %dot_general3A {dimension_numbers = #tpu.dot_dimension_numbers<[1], [1], [0], [0], [0, 0, 1, 0], [], []>, precision = #tpu.contract_precision<fp32>, transpose_lhs_hint = false} : vector<8x128xf32>, vector<10000x128xf32>, vector<8x10000xf32> -> vector<8x10000xf32>
    %get3A_6 = arith.constant 0 : index
    %get3A_7 = vector.load %arg1[%get3A_6] : memref<10000xi32, #tpu.memory_space<vmem>>, vector<10000xi32>
    %reshape3A = vector.shape_cast %get3A_7 : vector<10000xi32> to vector<1x10000xi32>
    %and3A = arith.constant 1 : i32
    %and3A_8 = vector.broadcast %and3A : i32 to vector<1x10000xi32>
    %and3A_9 = arith.andi %reshape3A, %and3A_8 : vector<1x10000xi32>
    %eq3A = arith.constant 1 : i32
    %eq3A_10 = vector.broadcast %eq3A : i32 to vector<1x10000xi32>
    %eq3A_11 = arith.cmpi eq, %and3A_9, %eq3A_10 : vector<1x10000xi32>
    %ge3A = arith.constant 2 : i32
    %ge3A_12 = vector.broadcast %ge3A : i32 to vector<1x10000xi32>
    %ge3A_13 = arith.cmpi sge, %reshape3A, %ge3A_12 : vector<1x10000xi32>
    %get3A_14 = arith.constant 0 : index
    %get3A_15 = arith.constant 1 : index
    %get3A_16 = vector.load %arg3[%get3A_14, %get3A_15] : memref<8x4xf32, #tpu.memory_space<vmem>>, vector<8x1xf32>
    %get3A_17 = arith.constant 0 : index
    %get3A_18 = arith.constant 0 : index
    %get3A_19 = vector.load %arg3[%get3A_17, %get3A_18] : memref<8x4xf32, #tpu.memory_space<vmem>>, vector<8x1xf32>
    %broadcast_in_dim3A = vector.shape_cast %eq3A_11 : vector<1x10000xi1> to vector<1x10000xi1>
    %broadcast_in_dim3A_20 = vector.broadcast %broadcast_in_dim3A : vector<1x10000xi1> to vector<8x10000xi1>
    %broadcast_in_dim3A_21 = vector.shape_cast %get3A_16 : vector<8x1xf32> to vector<8x1xf32>
    %broadcast_in_dim3A_22 = vector.broadcast %broadcast_in_dim3A_21 : vector<8x1xf32> to vector<8x10000xf32>
    %broadcast_in_dim3A_23 = vector.shape_cast %get3A_19 : vector<8x1xf32> to vector<8x1xf32>
    %broadcast_in_dim3A_24 = vector.broadcast %broadcast_in_dim3A_23 : vector<8x1xf32> to vector<8x10000xf32>
    %select_n3A = arith.select %broadcast_in_dim3A_20, %broadcast_in_dim3A_22, %broadcast_in_dim3A_24 : vector<8x10000xi1>, vector<8x10000xf32>
    %get3A_25 = arith.constant 0 : index
    %get3A_26 = arith.constant 3 : index
    %get3A_27 = vector.load %arg3[%get3A_25, %get3A_26] : memref<8x4xf32, #tpu.memory_space<vmem>>, vector<8x1xf32>
    %get3A_28 = arith.constant 0 : index
    %get3A_29 = arith.constant 2 : index
    %get3A_30 = vector.load %arg3[%get3A_28, %get3A_29] : memref<8x4xf32, #tpu.memory_space<vmem>>, vector<8x1xf32>
    %broadcast_in_dim3A_31 = vector.shape_cast %eq3A_11 : vector<1x10000xi1> to vector<1x10000xi1>
    %broadcast_in_dim3A_32 = vector.broadcast %broadcast_in_dim3A_31 : vector<1x10000xi1> to vector<8x10000xi1>
    %broadcast_in_dim3A_33 = vector.shape_cast %get3A_27 : vector<8x1xf32> to vector<8x1xf32>
    %broadcast_in_dim3A_34 = vector.broadcast %broadcast_in_dim3A_33 : vector<8x1xf32> to vector<8x10000xf32>
    %broadcast_in_dim3A_35 = vector.shape_cast %get3A_30 : vector<8x1xf32> to vector<8x1xf32>
    %broadcast_in_dim3A_36 = vector.broadcast %broadcast_in_dim3A_35 : vector<8x1xf32> to vector<8x10000xf32>
    %select_n3A_37 = arith.select %broadcast_in_dim3A_32, %broadcast_in_dim3A_34, %broadcast_in_dim3A_36 : vector<8x10000xi1>, vector<8x10000xf32>
    %broadcast_in_dim3A_38 = vector.shape_cast %ge3A_13 : vector<1x10000xi1> to vector<1x10000xi1>
    %broadcast_in_dim3A_39 = vector.broadcast %broadcast_in_dim3A_38 : vector<1x10000xi1> to vector<8x10000xi1>
    %select_n3A_40 = arith.select %broadcast_in_dim3A_39, %select_n3A_37, %select_n3A : vector<8x10000xi1>, vector<8x10000xf32>
    %add3A = arith.addf %dot_general3A_5, %select_n3A_40 : vector<8x10000xf32>
    %swap3A = arith.constant 0 : index
    %swap3A_41 = arith.constant 0 : index
    %swap3A_42 = vector.load %arg4[%swap3A, %swap3A_41] : memref<8x10000xf32, #tpu.memory_space<vmem>>, vector<8x10000xf32>
    tpu.vector_store %arg4[%swap3A, %swap3A_41], %add3A {strides = array<i32>} : memref<8x10000xf32, #tpu.memory_space<vmem>>, vector<8x10000xf32>,
    return
  }
}

</mosaic_0001>

<sc_bundles>
// kernel: kernel.5.cloned.1.call-start
scs
__scs_entry_jumppad:
0x0: {  	(pc) =	sbr.rel $0x88, $3  }
0x1: {  	(tag) =	ssettag $0x0;
	lr =	simm.s32 $0x1  }
0x2: {  	[smem:$0x3F9D] =	sst lr;
	_ =	strace $0xD0000000  }
0x3: {  	_ = 	snop  }
0x4: {  	_ = 	snop  }
0x5: {  	_ = 	snop  }
0x6: {  	_ = 	snop  }
0x7: {  	_ = 	snop  }
__scs_overlays_trampoline_lowered:
0x8: {  	[smem:$0x3FAC] =	sst s0  }
0x9: {  	[smem:$0x3FAD] =	sst s1  }
0xa: {  	[smem:$0x3FAE] =	sst s2  }
0xb: {  	[smem:$0x3FAF] =	sst s3  }
0xc: {  	[smem:$0x3FB0] =	sst s4  }
0xd: {  	[smem:$0x3FB1] =	sst s5  }
0xe: {  	[smem:$0x3FB2] =	sst s6  }
0xf: {  	[smem:$0x3FB3] =	sst s7  }
0x10: {  	[smem:$0x3FB4] =	sst s8  }
0x11: {  	[smem:$0x3FB5] =	sst s9;
	s0 =	simm.s32 @!p0 $0x0  }
0x12: {  	s1 =	sld [smem:$0x3F9B];
	s0 =	simm.s32 @p0 $0x1  }
0x13: {  	[smem:$0x3FB6] =	sst s0;
	s0 =	simm.s32 @!p1 $0x0  }
0x14: {  	s2 =	sld [smem:$0x3F9A];
	s0 =	simm.s32 @p1 $0x1  }
0x15: {  	[smem:$0x3FB7] =	sst s0;
	s0 =	simm.s32 @!p2 $0x0  }
0x16: {  	s3 =	sld [smem:$0x3FDB];
	s0 =	simm.s32 @p2 $0x1  }
0x17: {  	s4 =	simm.s32 $0x1BF5;
	[smem:$0x3FB9] =	sst s0  }
0x18: {  	s0 =	sld [smem:$0x3F9C];
	_ =	swait.ge [sflag:s4], $0x0  }
0x19: {  	s7 =	sld [smem:$0x3F9D]  }
0x1a: {  	s8 =	sadd.s32 $0xFFFFE003, lr  }
0x1b: {  	s9 =	sadd.s32 $0xFFFFFEF7, lr;
	s5 =	simm.s32 $0xFFFFFFFF;
	p2 =	slt.u32 s8, $0xFFFFF086  }
0x1c: {  	p1 =	slt.u32 s9, $0xF7A;
	s5 =	simm.s32 @!p2 $0x0  }
0x1d: {  	s5 =	simm.s32 @p1 $0x1;
	p0 =	seq.s32 s7, s2  }
0x1e: {  	s7 =	smul.u32 @!p0 $0xF7A, s2;
	p2 =	seq.s32 @!p0 s5, $0x0  }
0x1f: {  	s9 =	smul.u32 $0xF7A, s1;
	s8 =	simm.s32 @!p0 $0x1BF5;
	p2 =	por !p2, p0  }
0x20: {  	[sflag:s8] =	ssyncset.s32 @!p0 $0xFFFFF086;
	s6 =	sadd.s32 @!p0 s3, s7;
	s7 =	simm.s32 @!p0 $0x108  }
0x21: {  	s3 =	sadd.s32 s3, s9;
	s6 =	sadd.s32 @!p0 $0x88, s6;
	s7 =	simm.s32 @p2 $0x1082  }
0x22: {  	[simem:s7], [sflag:s8] =	dma.local @!p0 [hbm:s6], $0xF7A  }
0x23: {  	s9 =	sor.u32 $0xD0000000, s2;
	s6 =	simm.s32 $0x108;
	_ =	swait.ge @!p0 [sflag:s8], $0x0  }
0x24: {  	s3 =	sadd.s32 $0x88, s3;
	s6 =	simm.s32 @!p1 $0x1082;
	[sflag:s4] =	ssyncset.s32 $0xFFFFF086  }
0x25: {  	[simem:s6], [sflag:s4] =	dma.local [hbm:s3], $0xF7A  }
0x26: {  	[smem:$0x3F9D] =	sst s1;
	(tag) =	ssettag s2;
	_ =	strace s9  }
0x27: {  	s1 =	sld [smem:$0x3FAD]  }
0x28: {  	s2 =	sld [smem:$0x3FAE]  }
0x29: {  	s4 =	sld [smem:$0x3FB0]  }
0x2a: {  	p0 =	seq.s32 s5, $0x0;
	s5 =	sld [smem:$0x3FB1]  }
0x2b: {  	s6 =	sld [smem:$0x3FB2]  }
0x2c: {  	s7 =	sld [smem:$0x3FB3]  }
0x2d: {  	s3 =	simm.s32 $0x108;
	s8 =	sld [smem:$0x3FB4]  }
0x2e: {  	s3 =	simm.s32 @!p0 $0x1082;
	s9 =	sld [smem:$0x3FB5]  }
0x2f: {  	lr =	sadd.s32 s0, s3;
	s0 =	sld [smem:$0x3FAC]  }
0x30: {  	s3 =	sld [smem:$0x3FAF]  }
0x31: {  	[smem:$0x3FB8] =	sst s10  }
0x32: {  	s10 =	sld [smem:$0x3FB6];
	_ =	sdelay $0x3  }
0x33: {  	p0 =	seq.s32 s10, $0x1;
	s10 =	sld [smem:$0x3FB8];
	_ =	sdelay $0x3  }
0x34: {  	[smem:$0x3FB8] =	sst s10  }
0x35: {  	s10 =	sld [smem:$0x3FB7];
	_ =	sdelay $0x3  }
0x36: {  	p1 =	seq.s32 s10, $0x1;
	s10 =	sld [smem:$0x3FB8];
	_ =	sdelay $0x3  }
0x37: {  	[smem:$0x3FB8] =	sst s10  }
0x38: {  	s10 =	sld [smem:$0x3FB9]  }
0x39: {  	_ = 	snop;
	(pc) =	sbr.ind lr, $3  }
0x3a: {  	_ = 	snop  }
0x3b: {  	_ = 	snop  }
0x3c: {  	p2 =	seq.s32 s10, $0x1;
	s10 =	sld [smem:$0x3FB8]  }
0x3d: {  	_ =	shalt  }
0x3e: {  	_ =	shalt  }
0x3f: {  	_ =	shalt  }
0x40: {  	_ =	shalt  }
0x41: {  	_ =	shalt  }
0x42: {  	_ =	shalt  }
0x43: {  	_ =	shalt  }
0x44: {  	_ =	shalt  }
0x45: {  	_ =	shalt  }
0x46: {  	_ =	shalt  }
0x47: {  	_ =	shalt  }
0x48: {  	_ =	shalt  }
0x49: {  	_ =	shalt  }
0x4a: {  	_ =	shalt  }
0x4b: {  	_ =	shalt  }
0x4c: {  	_ =	shalt  }
0x4d: {  	_ =	shalt  }
0x4e: {  	_ =	shalt  }
0x4f: {  	_ =	shalt  }
0x50: {  	_ =	shalt  }
0x51: {  	_ =	shalt  }
0x52: {  	_ =	shalt  }
0x53: {  	_ =	shalt  }
0x54: {  	_ =	shalt  }
0x55: {  	_ =	shalt  }
0x56: {  	_ =	shalt  }
0x57: {  	_ =	shalt  }
0x58: {  	_ =	shalt  }
0x59: {  	_ =	shalt  }
0x5a: {  	_ =	shalt  }
0x5b: {  	_ =	shalt  }
0x5c: {  	_ =	shalt  }
0x5d: {  	_ =	shalt  }
0x5e: {  	_ =	shalt  }
0x5f: {  	_ =	shalt  }
0x60: {  	_ =	shalt  }
0x61: {  	_ =	shalt  }
0x62: {  	_ =	shalt  }
0x63: {  	_ =	shalt  }
0x64: {  	_ =	shalt  }
0x65: {  	_ =	shalt  }
0x66: {  	_ =	shalt  }
0x67: {  	_ =	shalt  }
0x68: {  	_ =	shalt  }
0x69: {  	_ =	shalt  }
0x6a: {  	_ =	shalt  }
0x6b: {  	_ =	shalt  }
0x6c: {  	_ =	shalt  }
0x6d: {  	_ =	shalt  }
0x6e: {  	_ =	shalt  }
0x6f: {  	_ =	shalt  }
0x70: {  	_ =	shalt  }
0x71: {  	_ =	shalt  }
0x72: {  	_ =	shalt  }
0x73: {  	_ =	shalt  }
0x74: {  	_ =	shalt  }
0x75: {  	_ =	shalt  }
0x76: {  	_ =	shalt  }
0x77: {  	_ =	shalt  }
0x78: {  	_ =	shalt  }
0x79: {  	_ =	shalt  }
0x7a: {  	_ =	shalt  }
0x7b: {  	_ =	shalt  }
0x7c: {  	_ =	shalt  }
0x7d: {  	_ =	shalt  }
0x7e: {  	_ =	shalt  }
0x7f: {  	_ =	shalt  }
0x80: {  	_ =	shalt  }
0x81: {  	_ =	shalt  }
0x82: {  	_ =	shalt  }
0x83: {  	_ =	shalt  }
0x84: {  	_ =	shalt  }
0x85: {  	_ =	shalt  }
0x86: {  	_ =	shalt  }
0x87: {  	_ =	shalt  }
.Lfunc_end0:
.L_simem_size_0:
called_computation_lowered:
.L_overlay_start_0:
0x88: {  	s2 =	sld [smem:$0x3FD9]  }
0x89: {  	s3 =	sld [smem:$0x3FFE];
	_ =	sdelay $0x1  }
0x8a: {  	s1 =	srdreg.scid  }
0x8b: {  	s0 =	sand.u32 $0x1, s1  }
0x8c: {  	s17 =	sshll.u32 s0, $0xA;
	s2 =	sadd.s32 s3, s2  }
0x8d: {  	s2 =	sadd.s32 s2, s17  }
0x8e: {  	[smem:$0x3FC4] =	sst s2  }
0x8f: {  	_ = 	snop  }
0x90: {  	s2 =	sld [smem:$0x3FC8]  }
0x91: {  	s18 =	sld [smem:$0x3FD0];
	(tm) =	ssettm $0x1  }
0x92: {  	s4 =	sld [smem:$0x3FFB];
	_ =	sdelay $0x3  }
0x93: {  	_ =	strace s4  }
0x94: {  	s4 =	sld [smem:$0x3FFC];
	_ =	sdelay $0x3  }
0x95: {  	_ =	strace s4  }
0x96: {  	s4 =	sld [smem:$0x3FFD];
	_ =	sdelay $0x3  }
0x97: {  	_ =	strace s4  }
0x98: {  	_ =	strace $0x8FFFFFFF  }
0x99: {  	s19 =	sld [smem:$0x3FDB];
	_ =	sdelay $0x1  }
0x9a: {  	s5 =	simm.s32 $_scs_section_size  }
0x9b: {  	s6 =	simm.s32 $_size__tile_overlayer_lowered;
	s7 =	simm.s32 $_tile_overlayer_lowered  }
0x9c: {  	s22 =	simm.s32 $0x1BFF;
	s21 =	sshll.u32 s7, $0x1;
	s4 =	sadd.s32 s5, s19  }
0x9d: {  	s8 =	simm.s32 $0x0;
	s20 =	sshll.u32 s6, $0x1;
	s6 =	sadd.s32 s21, s4  }
0x9e: {  	[timem:s8], [sflag:s22] =	dma.local [hbm:s6], s20  }
0x9f: {  	_ =	swait.ge [sflag:s22], s20  }
0xa0: {  	s5 =	ssub.s32 $0x0, s20;
	[sflag:s22] =	ssyncset.done $0x0  }
0xa1: {  	[sflag:s22] =	ssyncadd.s32 s5;
	_ =	sdelay $0x1  }
0xa2: {  	s23 =	simm.s32 $0x1B8B  }
0xa3: {  	_ =	swait.ge [sflag:s23], $0x1  }
0xa4: {  	[sflag:s23] =	ssyncset.done $0x0  }
0xa5: {  	s25 =	simm.s32 $0x1B8E;
	s24 =	sld [smem:$0x3FFE];
	[sflag:s23] =	ssyncadd.s32 $0xFFFFFFFF  }
0xa6: {  	s26 =	simm.s32 $execute0_lowered;
	[smem:$0x3FD2] =	sst s25  }
0xa7: {  	s6 =	sshll.u32 s26, $0x1;
	_ =	strace $0x80000046;
	[dreg:$0x1] =	wrdreg $0xFFFFFFFF  }
0xa8: {  	s28 =	simm.s32 $_size_execute0_lowered;
	s4 =	sadd.s32 s4, s6;
	[dreg:$0x0] =	wrdreg $0x0  }
0xa9: {  	s6 =	sshll.u32 s28, $0x1;
	[dreg:$0x2] =	wrdreg s4  }
0xaa: {  	[dreg:$0x3] =	wrdreg s6  }
0xab: {  	[dreg:$0x4] =	wrdreg $0xC0  }
0xac: {  	_ =	task [dreg:s8], $0x5FFFF  }
0xad: {  	[dreg:$0x1] =	wrdreg $0xFFFFFFFF  }
0xae: {  	[dreg:$0x0] =	wrdreg $0x60  }
0xaf: {  	[dreg:$0x2] =	wrdreg s24  }
0xb0: {  	[dreg:$0x3] =	wrdreg s2  }
0xb1: {  	[dreg:$0x4] =	wrdreg s18  }
0xb2: {  	[dreg:$0x5] =	wrdreg $0x9  }
0xb3: {  	_ =	task.clear_ibuf [dreg:s8], $0x6FFFF;
	_ =	strace $0x90000046  }
0xb4: {  	s29 =	simm.s32 $0x9;
	_ =	strace $0x80000048  }
0xb5: {  	_ =	swait.ge [sflag:s29], $0x1  }
0xb6: {  	[sflag:s29] =	ssyncadd.s32 $0xFFFFFFFF  }
0xb7: {  	_ =	strace $0x90000048  }
0xb8: {  	_ =	sfence  }
0xb9: {  	s30 =	sld [smem:$0x0];
	_ =	sdelay $0x2  }
0xba: {  	s31 =	sshll.u32 s1, $0xD;
	s1 =	sshrl.u32 s1, $0x2  }
0xbb: {  	s3 =	sand.u32 $0x4000, s31;
	s1 =	sadd.s32 s1, s30  }
0xbc: {  	s0 =	sor.u32 s3, s0;
	s1 =	sshll.u32 s1, $0x11  }
0xbd: {  	s0 =	sor.u32 s1, s0  }
0xbe: {  	s0 =	sadd.s32 $0x8F2B, s0  }
0xbf: {  	[sflag:s0] =	ssyncadd.remote.s32 $0x1  }
0xc0: {  	_ =	sfence.sel $0xFFFF  }
0xc1: {  	[dreg:$0x0] =	wrdreg $0xFFFFFFFF;
	(pc) =	sbr.abs _section_cstart, $3  }
0xc2: {  	[dreg:$0x1] =	wrdreg $0xFFFFFFFF  }
0xc3: {  	_ =	task.clear_ibuf [dreg:s8], $0x2FFFF;
	_ =	strace $0x9FFFFFFF  }
0xc4: {  	(tm) =	ssettm $0x7FFFFFFF  }
0xc5: {  	_ =	shalt  }
tec
execute0_lowered:
.L_overlay_start_1:
0x0: {  	(tag) =	ssettag $0x1  }
0x1: {  	s0 =	srdreg.scid;
	s7 =	stileid.u32  }
0x2: {  	s2 =	rddreg [dreg:$0x0];
	s0 =	sand.u32 $0x1, s0;
	s1 =	sshll.u32 s7, $0x1  }
0x3: {  	s3 =	rddreg [dreg:$0x1];
	s1 =	sor.u32 s0, s1  }
0x4: {  	s5 =	rddreg [dreg:$0x2];
	s4 =	smul.u32 $0x4E, s1  }
0x5: {  	p0 =	slt.u32 s7, $0x2;
	s0 =	ssub.s32 $0x2, s0;
	s1 =	smin.u32 s1, $0x4  }
0x6: {  	s2 =	sadd.s32 $0xE00, s2;
	s6 =	sshrl.u32 s0, $0x1;
	s1 =	sadd.s32 s1, s4  }
0x7: {  	s0 =	ssub.s32 s0, s6;
	s4 =	simm.s32 $0x3F;
	s20 =	sshll.u32 s1, $0x5  }
0x8: {  	s0 =	smax.u32 s0, $0x1;
	s4 =	simm.s32 @!p0 $0x3E;
	s21 =	sadd.s32 s3, s20  }
0x9: {  	s8 =	sor.u32 $0x10, s20;
	s9 =	sadd.s32 $0x200, s20;
	s10 =	sadd.s32 $0x210, s20  }
0xa: {  	s6 =	sadd.s32 s5, s20;
	s11 =	sadd.s32 $0x400, s20;
	s12 =	sadd.s32 $0x410, s20  }
0xb: {  	s14 =	sadd.s32 $0x600, s20;
	[dreg:$0x4] =	wrdreg s21;
	s22 =	sadd.s32 s3, s8  }
0xc: {  	s7 =	sadd.s32 $0x610, s20;
	s23 =	sadd.s32 s3, s9;
	[dreg:$0x5] =	wrdreg s22  }
0xd: {  	s1 =	sadd.s32 s4, s1;
	s24 =	sadd.s32 s3, s10;
	[dreg:$0x6] =	wrdreg s23  }
0xe: {  	s4 =	simm.s32 $0x80;
	s8 =	sadd.s32 s5, s8;
	[dreg:$0x7] =	wrdreg s24  }
0xf: {  	s25 =	sadd.s32 s3, s11;
	s26 =	sadd.s32 s3, s12;
	[dreg:$0x8] =	wrdreg s8  }
0x10: {  	s9 =	sadd.s32 s5, s9;
	s13 =	sadd.s32 s5, s10;
	[dreg:$0x9] =	wrdreg s25  }
0x11: {  	s15 =	sadd.s32 s3, s14;
	s16 =	sadd.s32 s3, s7;
	[dreg:$0xa] =	wrdreg s26  }
0x12: {  	s17 =	sadd.s32 s5, s11;
	s1 =	sshll.u32 s1, $0x5;
	[dreg:$0xb] =	wrdreg s9  }
0x13: {  	s18 =	sadd.s32 s5, s12;
	s21 =	simm.s32 $0x0;
	[dreg:$0xc] =	wrdreg s13  }
0x14: {  	s28 =	sadd.s32 $0x13880, s6;
	s29 =	sadd.s32 $0x13890, s6;
	[dreg:$0xd] =	wrdreg s15  }
0x15: {  	s30 =	sadd.s32 $0x13A80, s6;
	s31 =	sadd.s32 $0x13A90, s6;
	[dreg:$0xe] =	wrdreg s16  }
0x16: {  	s10 =	simm.s32 $0x1;
	s11 =	simm.s32 $0x15880;
	[dreg:$0xf] =	wrdreg s17  }
0x17: {  	s12 =	simm.s32 $0x16080;
	[dreg:$0x10] =	wrdreg s18;
	s19 =	sadd.s32 s3, s1  }
0x18: {  	s20 =	sor.u32 $0x10, s1;
	s22 =	sadd.s32 s5, s14;
	[smem:$0x7FF] =	sst s21  }
0x19: {  	s23 =	sadd.s32 s5, s7;
	s24 =	sadd.s32 s5, s1;
	[dreg:$0x11] =	wrdreg s19  }
0x1a: {  	s1 =	sand.u32 $0x1FFFFFE0, s1;
	s7 =	simm.s32 $0x13880;
	[dreg:$0x13] =	wrdreg s22  }
0x1b: {  	s8 =	simm.s32 $0x14880;
	s9 =	simm.s32 $0x5;
	[dreg:$0x14] =	wrdreg s23  }
0x1c: {  	s13 =	simm.s32 $0x16880;
	s3 =	sadd.s32 s3, s20;
	[dreg:$0x15] =	wrdreg s24  }
0x1d: {  	s14 =	simm.s32 $0x17080;
	s25 =	sadd.s32 s5, s20;
	[dreg:$0x12] =	wrdreg s3  }
0x1e: {  	s15 =	simm.s32 $0x2;
	s1 =	sadd.s32 s5, s1;
	[dreg:$0x16] =	wrdreg s25  }
0x1f: {  	s26 =	sadd.s32 $0x13880, s1;
	_ =	strace $0x80000047;
	[dreg:$0x17] =	wrdreg s2  }
0x20: {  	s16 =	simm.s32 $0x3;
	s1 =	sadd.s32 $0x13890, s1;
	[dreg:$0x18] =	wrdreg s26  }
0x21: {  	s17 =	simm.s32 $0x4;
	s18 =	simm.s32 $0x0;
	[dreg:$0x19] =	wrdreg s1  }
0x22: {  	s5 =	simm.s32 $0x100;
	s3 =	sadd.s32 $0x13E90, s6;
	[dreg:$0x1a] =	wrdreg s0  }
0x23: {  	s1 =	sadd.s32 $0x13C80, s6;
	s0 =	sadd.s32 $0x13C90, s6;
	s2 =	sadd.s32 $0x13E80, s6  }
.LBB2_1:
0x24: {  	s19 =	rddreg [dreg:$0x4]  }
0x25: {  	[tilespmem:s7], [sflag:$0x1] =	stream.strided.gather [hbm4b:s19+s4], $0x800, s5, s4, $0x38;
	[tilespmem:$0x19880] =	vst v63  }
0x26: {  	s20 =	rddreg [dreg:$0x5]  }
0x27: {  	[tilespmem:s8], [sflag:$0x1] =	stream.strided.gather [hbm4b:s20+s4], $0x800, s5, s4, $0x38;
	[tilespmem:$0x19880] =	vst v63  }
0x28: {  	s22 =	rddreg [dreg:$0x17]  }
0x29: {  	[tilespmem:s21], [sflag:$0x5] =	stream.linear.gather [hbm4b:s22+s21], $0x13880, $0x38;
	[tilespmem:$0x19880] =	vst v63  }
0x2a: {  	_ =	swait.ge [sflag:s9], $0x13880  }
0x2b: {  	[sflag:s9] =	ssyncset.done $0x0  }
0x2c: {  	[sflag:s9] =	ssyncadd.s32 $0xFFFEC780  }
0x2d: {  	_ =	swait.ge [sflag:s10], $0x800  }
0x2e: {  	[sflag:s10] =	ssyncset.done $0x0  }
0x2f: {  	[sflag:s10] =	ssyncadd.s32 $0xFFFFF800  }
0x30: {  	_ =	swait.ge [sflag:s10], $0x800  }
0x31: {  	[sflag:s10] =	ssyncset.done $0x0  }
0x32: {  	s20 =	simm.s32 $0x14080;
	s23 =	rddreg [dreg:$0x6];
	[sflag:s10] =	ssyncadd.s32 $0xFFFFF800  }
0x33: {  	[tilespmem:s20], [sflag:$0x2] =	stream.strided.gather [hbm4b:s23+s4], $0x800, s5, s4, $0x38;
	[tilespmem:$0x19880] =	vst v63  }
0x34: {  	s25 =	simm.s32 $0x15080;
	s26 =	simm.s32 $0x148C0;
	s24 =	rddreg [dreg:$0x7]  }
0x35: {  	[tilespmem:s25], [sflag:$0x2] =	stream.strided.gather [hbm4b:s24+s4], $0x800, s5, s4, $0x38;
	[tilespmem:$0x19880] =	vst v63  }
0x36: {  	s19 =	simm.s32 $0x138C0;
	v13 =	vld [tilespmem:s26+$0x30]  }
0x37: {  	v14 =	vld [tilespmem:s19+$0x30]  }
0x38: {  	v10 =	vld [tilespmem:s26+$0xFFFFFFC0]  }
0x39: {  	v8 =	vld [tilespmem:s26+$0xFFFFFFD0]  }
0x3a: {  	v5 =	vld [tilespmem:s26+$0xFFFFFFE0]  }
0x3b: {  	v3 =	vld [tilespmem:s26+$0xFFFFFFF0]  }
0x3c: {  	v2 =	vld [tilespmem:s26+$0x0]  }
0x3d: {  	v1 =	vld [tilespmem:s26+$0x10]  }
0x3e: {  	v21 =	vld [tilespmem:s19+$0xFFFFFFC0]  }
0x3f: {  	v12 =	vld [tilespmem:s19+$0xFFFFFFD0]  }
0x40: {  	v11 =	vld [tilespmem:s19+$0xFFFFFFE0]  }
0x41: {  	v9 =	vld [tilespmem:s19+$0xFFFFFFF0]  }
0x42: {  	v7 =	vld [tilespmem:s19+$0x0]  }
0x43: {  	v6 =	vld [tilespmem:s19+$0x10]  }
0x44: {  	v0 =	vld [tilespmem:s26+$0x20]  }
0x45: {  	v15 =	vld.idx.msk [tilespmem:v14+s21+$0x0], $0xffff  }
0x46: {  	v57 =	vld.idx.msk [tilespmem:v21+s21+$0x0], $0xffff  }
0x47: {  	v4 =	vadd.s32 $0x9C40, v13;
	v27 =	vld.idx.msk [tilespmem:v12+s21+$0x0], $0xffff  }
0x48: {  	v28 =	vld.idx.msk [tilespmem:v11+s21+$0x0], $0xffff  }
0x49: {  	v17 =	vadd.s32 $0x9C40, v10;
	v30 =	vld.idx.msk [tilespmem:v9+s21+$0x0], $0xffff  }
0x4a: {  	v20 =	vadd.s32 $0x9C40, v8;
	v60 =	vld.idx.msk [tilespmem:v7+s21+$0x0], $0xffff  }
0x4b: {  	v22 =	vadd.s32 $0x9C40, v3;
	v32 =	vld.idx.msk [tilespmem:v6+s21+$0x0], $0xffff  }
0x4c: {  	v23 =	vadd.s32 $0x9C40, v1;
	v16 =	vld.idx.msk [tilespmem:v4+s21+$0x0], $0xffff  }
0x4d: {  	v24 =	vadd.s32 $0x9C40, v0;
	v4 =	vld [tilespmem:s19+$0x20]  }
0x4e: {  	v55 =	vadd.s32 $0x9C40, v5;
	v17 =	vld.idx.msk [tilespmem:v17+s21+$0x0], $0xffff  }
0x4f: {  	v56 =	vadd.s32 $0x9C40, v2;
	v20 =	vld.idx.msk [tilespmem:v20+s21+$0x0], $0xffff  }
0x50: {  	v18 =	vadd.s32 $0x2710, v14;
	v22 =	vld.idx.msk [tilespmem:v22+s21+$0x0], $0xffff  }
0x51: {  	v19 =	vadd.s32 $0xC350, v13;
	v23 =	vld.idx.msk [tilespmem:v23+s21+$0x0], $0xffff  }
0x52: {  	v24 =	vld.idx.msk [tilespmem:v24+s21+$0x0], $0xffff;
	v15 =	vadd.f32 v16, v15  }
0x53: {  	s20 =	simm.s32 $0x158C0;
	v29 =	vadd.s32 $0xC350, v10;
	v16 =	vld.idx.msk [tilespmem:v55+s21+$0x0], $0xffff  }
0x54: {  	v31 =	vadd.s32 $0x2710, v12;
	[tilespmem:s20+$0x30] =	vst v15;
	v15 =	vld.idx.msk [tilespmem:v56+s21+$0x0], $0xffff  }
0x55: {  	v62 =	vadd.s32 $0xC350, v8;
	v17 =	vadd.f32 v17, v57;
	v18 =	vld.idx.msk [tilespmem:v18+s21+$0x0], $0xffff  }
0x56: {  	v39 =	vadd.s32 $0xC350, v3;
	v20 =	vadd.f32 v20, v27;
	v19 =	vld.idx.msk [tilespmem:v19+s21+$0x0], $0xffff  }
0x57: {  	v42 =	vadd.s32 $0x2710, v6;
	[tilespmem:s20+$0xFFFFFFC0] =	vst v17;
	v61 =	vld.idx.msk [tilespmem:v4+s21+$0x0], $0xffff  }
0x58: {  	v44 =	vadd.s32 $0xC350, v1;
	v22 =	vadd.f32 v22, v30;
	[tilespmem:s20+$0xFFFFFFD0] =	vst v20;
	v36 =	vld.idx.msk [tilespmem:v29+s21+$0x0], $0xffff  }
0x59: {  	v37 =	vadd.s32 $0xC350, v5;
	v23 =	vadd.f32 v23, v32;
	v31 =	vld.idx.msk [tilespmem:v31+s21+$0x0], $0xffff  }
0x5a: {  	v33 =	vadd.s32 $0x2710, v7;
	[tilespmem:s20+$0xFFFFFFF0] =	vst v22;
	v40 =	vld.idx.msk [tilespmem:v62+s21+$0x0], $0xffff  }
0x5b: {  	v41 =	vadd.s32 $0xC350, v2;
	[tilespmem:s20+$0x10] =	vst v23;
	v46 =	vld.idx.msk [tilespmem:v39+s21+$0x0], $0xffff;
	v16 =	vadd.f32 v16, v28  }
0x5c: {  	v25 =	vadd.s32 $0x4E20, v14;
	v52 =	vld.idx.msk [tilespmem:v42+s21+$0x0], $0xffff;
	v15 =	vadd.f32 v15, v60  }
0x5d: {  	v26 =	vadd.s32 $0xEA60, v13;
	v54 =	vld.idx.msk [tilespmem:v44+s21+$0x0], $0xffff;
	[tilespmem:s20+$0xFFFFFFE0] =	vst v16  }
0x5e: {  	v59 =	vadd.s32 $0x2710, v21;
	v18 =	vadd.f32 v19, v18;
	v43 =	vld.idx.msk [tilespmem:v37+s21+$0x0], $0xffff;
	[tilespmem:s20+$0x0] =	vst v15  }
0x5f: {  	s22 =	simm.s32 $0x160C0;
	v63 =	vadd.s32 $0x2710, v11;
	v48 =	vld.idx.msk [tilespmem:v33+s21+$0x0], $0xffff  }
0x60: {  	v45 =	vadd.s32 $0x2710, v4;
	[tilespmem:s22+$0x30] =	vst v18;
	v50 =	vld.idx.msk [tilespmem:v41+s21+$0x0], $0xffff  }
0x61: {  	v53 =	vadd.s32 $0x4E20, v12;
	v18 =	vld.idx.msk [tilespmem:v25+s21+$0x0], $0xffff  }
0x62: {  	v55 =	vadd.s32 $0xEA60, v8;
	v17 =	vadd.f32 v24, v61;
	v58 =	vld.idx.msk [tilespmem:v26+s21+$0x0], $0xffff  }
0x63: {  	v47 =	vadd.s32 $0xC350, v0;
	v16 =	vadd.f32 v40, v31;
	v26 =	vld.idx.msk [tilespmem:v59+s21+$0x0], $0xffff  }
0x64: {  	v38 =	vadd.s32 $0x2710, v9;
	[tilespmem:s20+$0x20] =	vst v17;
	v25 =	vld.idx.msk [tilespmem:v63+s21+$0x0], $0xffff  }
0x65: {  	v14 =	vadd.s32 $0x7530, v14;
	[tilespmem:s22+$0xFFFFFFD0] =	vst v16;
	v56 =	vld.idx.msk [tilespmem:v45+s21+$0x0], $0xffff  }
0x66: {  	v13 =	vadd.s32 $0x11170, v13;
	v37 =	vld.idx.msk [tilespmem:v53+s21+$0x0], $0xffff  }
0x67: {  	v49 =	vadd.s32 $0x4E20, v21;
	v39 =	vld.idx.msk [tilespmem:v55+s21+$0x0], $0xffff;
	v18 =	vadd.f32 v58, v18  }
0x68: {  	s23 =	simm.s32 $0x168C0;
	v51 =	vadd.s32 $0xEA60, v10;
	v58 =	vld.idx.msk [tilespmem:v47+s21+$0x0], $0xffff  }
0x69: {  	v57 =	vadd.s32 $0x4E20, v11;
	v20 =	vadd.f32 v36, v26;
	[tilespmem:s23+$0x30] =	vst v18;
	v18 =	vld.idx.msk [tilespmem:v38+s21+$0x0], $0xffff  }
0x6a: {  	v59 =	vadd.s32 $0xEA60, v5;
	v14 =	vld.idx.msk [tilespmem:v14+s21+$0x0], $0xffff  }
0x6b: {  	v42 =	vadd.s32 $0x4E20, v6;
	v62 =	vadd.f32 v43, v25;
	[tilespmem:s22+$0xFFFFFFC0] =	vst v20;
	v13 =	vld.idx.msk [tilespmem:v13+s21+$0x0], $0xffff  }
0x6c: {  	v45 =	vadd.s32 $0xEA60, v1;
	v60 =	vld.idx.msk [tilespmem:v49+s21+$0x0], $0xffff  }
0x6d: {  	v12 =	vadd.s32 $0x7530, v12;
	v43 =	vadd.f32 v50, v48;
	v48 =	vadd.f32 v54, v52;
	[tilespmem:s22+$0xFFFFFFE0] =	vst v62;
	v63 =	vld.idx.msk [tilespmem:v51+s21+$0x0], $0xffff  }
0x6e: {  	v8 =	vadd.s32 $0x11170, v8;
	v41 =	vld.idx.msk [tilespmem:v57+s21+$0x0], $0xffff  }
0x6f: {  	v16 =	vadd.f32 v39, v37;
	v38 =	vadd.s32 $0x4E20, v7;
	[tilespmem:s22+$0x10] =	vst v48;
	v44 =	vld.idx.msk [tilespmem:v59+s21+$0x0], $0xffff  }
0x70: {  	v40 =	vadd.s32 $0xEA60, v2;
	v53 =	vld.idx.msk [tilespmem:v42+s21+$0x0], $0xffff  }
0x71: {  	v61 =	vadd.s32 $0x4E20, v9;
	[tilespmem:s23+$0xFFFFFFD0] =	vst v16;
	v54 =	vld.idx.msk [tilespmem:v45+s21+$0x0], $0xffff  }
0x72: {  	v36 =	vadd.s32 $0xEA60, v3;
	v12 =	vld.idx.msk [tilespmem:v12+s21+$0x0], $0xffff  }
0x73: {  	v47 =	vadd.s32 $0x4E20, v4;
	[tilespmem:s22+$0x0] =	vst v43;
	v8 =	vld.idx.msk [tilespmem:v8+s21+$0x0], $0xffff;
	v15 =	vadd.f32 v46, v18  }
0x74: {  	v50 =	vadd.s32 $0xEA60, v0;
	v51 =	vld.idx.msk [tilespmem:v38+s21+$0x0], $0xffff  }
0x75: {  	v21 =	vadd.s32 $0x7530, v21;
	v52 =	vadd.f32 v58, v56;
	v18 =	vld.idx.msk [tilespmem:v40+s21+$0x0], $0xffff;
	[tilespmem:s22+$0xFFFFFFF0] =	vst v15  }
0x76: {  	v10 =	vadd.s32 $0x11170, v10;
	v46 =	vld.idx.msk [tilespmem:v61+s21+$0x0], $0xffff  }
0x77: {  	v11 =	vadd.s32 $0x7530, v11;
	[tilespmem:s22+$0x20] =	vst v52;
	v19 =	vadd.f32 v63, v60;
	v49 =	vld.idx.msk [tilespmem:v36+s21+$0x0], $0xffff  }
0x78: {  	v5 =	vadd.s32 $0x11170, v5;
	v55 =	vld.idx.msk [tilespmem:v47+s21+$0x0], $0xffff  }
0x79: {  	v7 =	vadd.s32 $0x7530, v7;
	v56 =	vld.idx.msk [tilespmem:v50+s21+$0x0], $0xffff;
	v57 =	vadd.f32 v44, v41;
	[tilespmem:s23+$0xFFFFFFC0] =	vst v19  }
0x7a: {  	v9 =	vadd.s32 $0x7530, v9;
	v21 =	vld.idx.msk [tilespmem:v21+s21+$0x0], $0xffff  }
0x7b: {  	v3 =	vadd.s32 $0x11170, v3;
	[tilespmem:s23+$0xFFFFFFE0] =	vst v57;
	v10 =	vld.idx.msk [tilespmem:v10+s21+$0x0], $0xffff;
	v59 =	vadd.f32 v18, v51  }
0x7c: {  	v6 =	vadd.s32 $0x7530, v6;
	v11 =	vld.idx.msk [tilespmem:v11+s21+$0x0], $0xffff;
	v58 =	vadd.f32 v49, v46  }
0x7d: {  	v2 =	vadd.s32 $0x11170, v2;
	v60 =	vadd.s32 $0x11170, v1;
	v1 =	vadd.f32 v13, v14;
	v5 =	vld.idx.msk [tilespmem:v5+s21+$0x0], $0xffff;
	[tilespmem:s23+$0x0] =	vst v59  }
0x7e: {  	s24 =	simm.s32 $0x170C0;
	v63 =	vadd.s32 $0x11170, v0;
	v61 =	vadd.s32 $0x7530, v4;
	v4 =	vadd.f32 v54, v53;
	v0 =	vld.idx.msk [tilespmem:v7+s21+$0x0], $0xffff;
	[tilespmem:s23+$0xFFFFFFF0] =	vst v58  }
0x7f: {  	[tilespmem:s24+$0x30] =	vst v1;
	v1 =	vadd.f32 v56, v55;
	v9 =	vld.idx.msk [tilespmem:v9+s21+$0x0], $0xffff  }
0x80: {  	[tilespmem:s23+$0x10] =	vst v4;
	v62 =	vld.idx.msk [tilespmem:v3+s21+$0x0], $0xffff  }
0x81: {  	[tilespmem:s23+$0x20] =	vst v1;
	v1 =	vld.idx.msk [tilespmem:v6+s21+$0x0], $0xffff;
	v4 =	vadd.f32 v10, v21  }
0x82: {  	v5 =	vadd.f32 v5, v11;
	v3 =	vld.idx.msk [tilespmem:v2+s21+$0x0], $0xffff  }
0x83: {  	v2 =	vadd.f32 v8, v12;
	[tilespmem:s24+$0xFFFFFFC0] =	vst v4;
	v4 =	vld.idx.msk [tilespmem:v60+s21+$0x0], $0xffff  }
0x84: {  	[tilespmem:s24+$0xFFFFFFE0] =	vst v5;
	v5 =	vld.idx.msk [tilespmem:v63+s21+$0x0], $0xffff  }
0x85: {  	s25 =	simm.s32 $0x0;
	s26 =	simm.s32 $0x14940;
	[tilespmem:s24+$0xFFFFFFD0] =	vst v2;
	v2 =	vld.idx.msk [tilespmem:v61+s21+$0x0], $0xffff;
	v6 =	vadd.f32 v62, v9  }
.LBB2_2:
0x86: {  	v20 =	vld [tilespmem:s26+$0x30];
	s19 =	sadd.s32 $0x80, s19  }
0x87: {  	v0 =	vadd.f32 v3, v0;
	v31 =	vld [tilespmem:s19+$0x30];
	[tilespmem:s24+$0xFFFFFFF0] =	vst v6  }
0x88: {  	v3 =	vld [tilespmem:s26+$0xFFFFFFC0]  }
0x89: {  	s25 =	sadd.s32 $0x8, s25;
	v11 =	vld [tilespmem:s26+$0xFFFFFFD0];
	[tilespmem:s24+$0x0] =	vst v0;
	v0 =	vadd.f32 v4, v1  }
0x8a: {  	p0 =	slt.u32 s25, $0x78;
	v1 =	vld [tilespmem:s26+$0xFFFFFFE0]  }
0x8b: {  	v12 =	vld [tilespmem:s26+$0xFFFFFFF0];
	v4 =	vadd.s32 $0x9C40, v20;
	[tilespmem:s24+$0x10] =	vst v0;
	v0 =	vadd.f32 v5, v2  }
0x8c: {  	v15 =	vld [tilespmem:s26+$0x0]  }
0x8d: {  	v14 =	vadd.s32 $0x9C40, v3;
	v35 =	vadd.s32 $0xC350, v3;
	v9 =	vadd.s32 $0xEA60, v3;
	v16 =	vld [tilespmem:s26+$0x10];
	[tilespmem:s24+$0x20] =	vst v0  }
0x8e: {  	v17 =	vadd.s32 $0x9C40, v11;
	v34 =	vadd.s32 $0xC350, v11;
	v10 =	vadd.s32 $0xEA60, v11;
	v36 =	vld [tilespmem:s26+$0x20]  }
0x8f: {  	v18 =	vadd.s32 $0x9C40, v1;
	v26 =	vadd.s32 $0xC350, v1;
	v8 =	vadd.s32 $0xEA60, v1;
	v13 =	vld.idx.msk [tilespmem:v31+s21+$0x0], $0xffff  }
0x90: {  	v19 =	vadd.s32 $0x9C40, v12;
	v24 =	vadd.s32 $0xC350, v12;
	v7 =	vadd.s32 $0xEA60, v12;
	v23 =	vld.idx.msk [tilespmem:v4+s21+$0x0], $0xffff  }
0x91: {  	v37 =	vld [tilespmem:s19+$0xFFFFFFD0];
	v38 =	vadd.s32 $0x9C40, v15;
	v25 =	vadd.s32 $0xC350, v15;
	v6 =	vadd.s32 $0xEA60, v15  }
0x92: {  	v39 =	vld [tilespmem:s19+$0xFFFFFFE0];
	v40 =	vadd.s32 $0x9C40, v16;
	v22 =	vadd.s32 $0xC350, v16;
	v5 =	vadd.s32 $0xEA60, v16  }
0x93: {  	v41 =	vld [tilespmem:s19+$0xFFFFFFF0];
	v42 =	vadd.s32 $0x9C40, v36;
	v21 =	vadd.s32 $0xC350, v36;
	v4 =	vadd.s32 $0xEA60, v36  }
0x94: {  	v3 =	vadd.s32 $0x11170, v3;
	v2 =	vadd.s32 $0x11170, v11;
	v11 =	vadd.s32 $0x2710, v31;
	v43 =	vld [tilespmem:s19+$0x0]  }
0x95: {  	v28 =	vadd.s32 $0xC350, v20;
	v1 =	vadd.s32 $0x11170, v1;
	v0 =	vadd.s32 $0x11170, v12;
	v44 =	vld [tilespmem:s19+$0x10]  }
0x96: {  	v12 =	vadd.f32 v23, v13;
	v45 =	vadd.s32 $0x2710, v37;
	v29 =	vadd.s32 $0x4E20, v37;
	v46 =	vld [tilespmem:s19+$0x20]  }
0x97: {  	s20 =	sadd.s32 $0x80, s20;
	v13 =	vadd.s32 $0x7530, v37;
	v47 =	vld [tilespmem:s19+$0xFFFFFFC0];
	v48 =	vadd.s32 $0x2710, v39;
	v32 =	vadd.s32 $0x4E20, v39  }
0x98: {  	v49 =	vld.idx.msk [tilespmem:v14+s21+$0x0], $0xffff;
	v14 =	vadd.s32 $0x7530, v39;
	v50 =	vadd.s32 $0x2710, v41;
	v33 =	vadd.s32 $0x4E20, v41;
	[tilespmem:s20+$0x30] =	vst v12  }
0x99: {  	v12 =	vadd.s32 $0x7530, v41;
	v51 =	vadd.s32 $0x2710, v43;
	v30 =	vadd.s32 $0x4E20, v43;
	v52 =	vld.idx.msk [tilespmem:v11+s21+$0x0], $0xffff  }
0x9a: {  	v11 =	vadd.s32 $0x7530, v43;
	v53 =	vadd.s32 $0x2710, v44;
	v27 =	vadd.s32 $0x4E20, v44;
	v54 =	vld.idx.msk [tilespmem:v28+s21+$0x0], $0xffff  }
0x9b: {  	v15 =	vadd.s32 $0x11170, v15;
	v55 =	vld.idx.msk [tilespmem:v17+s21+$0x0], $0xffff;
	v56 =	vadd.s32 $0x2710, v46;
	v28 =	vadd.s32 $0x4E20, v46  }
0x9c: {  	v57 =	vadd.s32 $0x2710, v47;
	v58 =	vadd.s32 $0x4E20, v47;
	v23 =	vadd.s32 $0x7530, v47;
	v59 =	vld.idx.msk [tilespmem:v18+s21+$0x0], $0xffff  }
0x9d: {  	v17 =	vadd.s32 $0x7530, v46;
	v18 =	vadd.s32 $0x11170, v16;
	v60 =	vld.idx.msk [tilespmem:v19+s21+$0x0], $0xffff;
	v19 =	vadd.s32 $0x7530, v44  }
0x9e: {  	v16 =	vadd.s32 $0x11170, v36;
	v36 =	vadd.s32 $0x4E20, v31;
	v38 =	vld.idx.msk [tilespmem:v38+s21+$0x0], $0xffff  }
0x9f: {  	v61 =	vadd.s32 $0xEA60, v20;
	v40 =	vld.idx.msk [tilespmem:v40+s21+$0x0], $0xffff  }
0xa0: {  	v52 =	vadd.f32 v54, v52;
	v42 =	vld.idx.msk [tilespmem:v42+s21+$0x0], $0xffff  }
0xa1: {  	s22 =	sadd.s32 $0x80, s22;
	v47 =	vld.idx.msk [tilespmem:v47+s21+$0x0], $0xffff  }
0xa2: {  	v37 =	vld.idx.msk [tilespmem:v37+s21+$0x0], $0xffff;
	[tilespmem:s22+$0x30] =	vst v52  }
0xa3: {  	v36 =	vld.idx.msk [tilespmem:v36+s21+$0x0], $0xffff  }
0xa4: {  	v52 =	vld.idx.msk [tilespmem:v61+s21+$0x0], $0xffff  }
0xa5: {  	v39 =	vld.idx.msk [tilespmem:v39+s21+$0x0], $0xffff  }
0xa6: {  	v41 =	vld.idx.msk [tilespmem:v41+s21+$0x0], $0xffff  }
0xa7: {  	v47 =	vadd.f32 v49, v47;
	v43 =	vld.idx.msk [tilespmem:v43+s21+$0x0], $0xffff  }
0xa8: {  	v31 =	vadd.s32 $0x7530, v31;
	v37 =	vadd.f32 v55, v37;
	v44 =	vld.idx.msk [tilespmem:v44+s21+$0x0], $0xffff  }
0xa9: {  	v20 =	vadd.s32 $0x11170, v20;
	[tilespmem:s20+$0xFFFFFFC0] =	vst v47;
	v46 =	vld.idx.msk [tilespmem:v46+s21+$0x0], $0xffff  }
0xaa: {  	v36 =	vadd.f32 v52, v36;
	v47 =	vld.idx.msk [tilespmem:v57+s21+$0x0], $0xffff;
	[tilespmem:s20+$0xFFFFFFD0] =	vst v37  }
0xab: {  	s23 =	sadd.s32 $0x80, s23;
	v37 =	vadd.f32 v59, v39;
	v35 =	vld.idx.msk [tilespmem:v35+s21+$0x0], $0xffff  }
0xac: {  	v41 =	vadd.f32 v60, v41;
	v39 =	vld.idx.msk [tilespmem:v45+s21+$0x0], $0xffff;
	[tilespmem:s23+$0x30] =	vst v36  }
0xad: {  	v36 =	vadd.f32 v38, v43;
	[tilespmem:s20+$0xFFFFFFE0] =	vst v37;
	v31 =	vld.idx.msk [tilespmem:v31+s21+$0x0], $0xffff  }
0xae: {  	v37 =	vadd.f32 v40, v44;
	[tilespmem:s20+$0xFFFFFFF0] =	vst v41;
	v20 =	vld.idx.msk [tilespmem:v20+s21+$0x0], $0xffff  }
0xaf: {  	v34 =	vld.idx.msk [tilespmem:v34+s21+$0x0], $0xffff;
	[tilespmem:s20+$0x0] =	vst v36;
	v36 =	vadd.f32 v42, v46  }
0xb0: {  	v38 =	vld.idx.msk [tilespmem:v48+s21+$0x0], $0xffff;
	[tilespmem:s20+$0x10] =	vst v37  }
0xb1: {  	v35 =	vadd.f32 v35, v47;
	v26 =	vld.idx.msk [tilespmem:v26+s21+$0x0], $0xffff;
	[tilespmem:s20+$0x20] =	vst v36  }
0xb2: {  	v36 =	vld.idx.msk [tilespmem:v50+s21+$0x0], $0xffff  }
0xb3: {  	[tilespmem:s22+$0xFFFFFFC0] =	vst v35;
	v24 =	vld.idx.msk [tilespmem:v24+s21+$0x0], $0xffff  }
0xb4: {  	v20 =	vadd.f32 v20, v31;
	v35 =	vld.idx.msk [tilespmem:v51+s21+$0x0], $0xffff  }
0xb5: {  	s24 =	sadd.s32 $0x80, s24;
	v31 =	vadd.f32 v34, v39;
	v25 =	vld.idx.msk [tilespmem:v25+s21+$0x0], $0xffff  }
0xb6: {  	v34 =	vld.idx.msk [tilespmem:v53+s21+$0x0], $0xffff;
	[tilespmem:s24+$0x30] =	vst v20  }
0xb7: {  	v20 =	vadd.f32 v26, v38;
	[tilespmem:s22+$0xFFFFFFD0] =	vst v31;
	v22 =	vld.idx.msk [tilespmem:v22+s21+$0x0], $0xffff  }
0xb8: {  	v26 =	vld.idx.msk [tilespmem:v56+s21+$0x0], $0xffff  }
0xb9: {  	[tilespmem:s22+$0xFFFFFFE0] =	vst v20;
	v20 =	vadd.f32 v24, v36;
	v21 =	vld.idx.msk [tilespmem:v21+s21+$0x0], $0xffff  }
0xba: {  	v24 =	vld.idx.msk [tilespmem:v58+s21+$0x0], $0xffff  }
0xbb: {  	v9 =	vld.idx.msk [tilespmem:v9+s21+$0x0], $0xffff;
	[tilespmem:s22+$0xFFFFFFF0] =	vst v20;
	v20 =	vadd.f32 v25, v35  }
0xbc: {  	v25 =	vld.idx.msk [tilespmem:v29+s21+$0x0], $0xffff  }
0xbd: {  	v10 =	vld.idx.msk [tilespmem:v10+s21+$0x0], $0xffff;
	[tilespmem:s22+$0x0] =	vst v20;
	v20 =	vadd.f32 v22, v34  }
0xbe: {  	v22 =	vld.idx.msk [tilespmem:v32+s21+$0x0], $0xffff  }
0xbf: {  	v8 =	vld.idx.msk [tilespmem:v8+s21+$0x0], $0xffff;
	[tilespmem:s22+$0x10] =	vst v20;
	v20 =	vadd.f32 v21, v26  }
0xc0: {  	v21 =	vld.idx.msk [tilespmem:v33+s21+$0x0], $0xffff  }
0xc1: {  	v9 =	vadd.f32 v9, v24;
	v7 =	vld.idx.msk [tilespmem:v7+s21+$0x0], $0xffff;
	[tilespmem:s22+$0x20] =	vst v20  }
0xc2: {  	v20 =	vld.idx.msk [tilespmem:v30+s21+$0x0], $0xffff  }
0xc3: {  	[tilespmem:s23+$0xFFFFFFC0] =	vst v9;
	v9 =	vadd.f32 v10, v25;
	v6 =	vld.idx.msk [tilespmem:v6+s21+$0x0], $0xffff  }
0xc4: {  	v10 =	vld.idx.msk [tilespmem:v27+s21+$0x0], $0xffff  }
0xc5: {  	v8 =	vadd.f32 v8, v22;
	[tilespmem:s23+$0xFFFFFFD0] =	vst v9;
	v5 =	vld.idx.msk [tilespmem:v5+s21+$0x0], $0xffff  }
0xc6: {  	v9 =	vld.idx.msk [tilespmem:v28+s21+$0x0], $0xffff  }
0xc7: {  	v7 =	vadd.f32 v7, v21;
	[tilespmem:s23+$0xFFFFFFE0] =	vst v8;
	v4 =	vld.idx.msk [tilespmem:v4+s21+$0x0], $0xffff  }
0xc8: {  	v8 =	vld.idx.msk [tilespmem:v23+s21+$0x0], $0xffff  }
0xc9: {  	v6 =	vadd.f32 v6, v20;
	v3 =	vld.idx.msk [tilespmem:v3+s21+$0x0], $0xffff;
	[tilespmem:s23+$0xFFFFFFF0] =	vst v7  }
0xca: {  	v7 =	vld.idx.msk [tilespmem:v13+s21+$0x0], $0xffff  }
0xcb: {  	v5 =	vadd.f32 v5, v10;
	v2 =	vld.idx.msk [tilespmem:v2+s21+$0x0], $0xffff;
	[tilespmem:s23+$0x0] =	vst v6  }
0xcc: {  	v6 =	vld.idx.msk [tilespmem:v14+s21+$0x0], $0xffff  }
0xcd: {  	v10 =	vld.idx.msk [tilespmem:v1+s21+$0x0], $0xffff;
	[tilespmem:s23+$0x10] =	vst v5;
	v1 =	vadd.f32 v4, v9  }
0xce: {  	v5 =	vld.idx.msk [tilespmem:v12+s21+$0x0], $0xffff  }
0xcf: {  	v3 =	vadd.f32 v3, v8;
	v8 =	vld.idx.msk [tilespmem:v0+s21+$0x0], $0xffff;
	[tilespmem:s23+$0x20] =	vst v1  }
0xd0: {  	v0 =	vld.idx.msk [tilespmem:v11+s21+$0x0], $0xffff  }
.Ltmp0:
0xd1: {  	v2 =	vadd.f32 v2, v7;
	[tilespmem:s24+$0xFFFFFFC0] =	vst v3;
	v3 =	vld.idx.msk [tilespmem:v15+s21+$0x0], $0xffff;
	(pc) =	sbr.rel @p0 .LBB2_2-.Ltmp0, $4  }
0xd2: {  	v1 =	vld.idx.msk [tilespmem:v19+s21+$0x0], $0xffff  }
0xd3: {  	v6 =	vadd.f32 v10, v6;
	[tilespmem:s24+$0xFFFFFFD0] =	vst v2;
	v4 =	vld.idx.msk [tilespmem:v18+s21+$0x0], $0xffff  }
0xd4: {  	v2 =	vld.idx.msk [tilespmem:v17+s21+$0x0], $0xffff  }
0xd5: {  	s26 =	sadd.s32 $0x80, s26;
	[tilespmem:s24+$0xFFFFFFE0] =	vst v6;
	v6 =	vadd.f32 v8, v5;
	v5 =	vld.idx.msk [tilespmem:v16+s21+$0x0], $0xffff  }
0xd6: {  	_ =	sdelay $0x1  }
0xd7: {  	v0 =	vadd.f32 v3, v0  }
0xd8: {  	[tilespmem:s24+$0xFFFFFFF0] =	vst v6;
	v1 =	vadd.f32 v4, v1  }
0xd9: {  	[tilespmem:s24+$0x0] =	vst v0;
	v0 =	vadd.f32 v5, v2  }
0xda: {  	[tilespmem:s24+$0x10] =	vst v1  }
0xdb: {  	[tilespmem:s24+$0x20] =	vst v0  }
0xdc: {  	[hbm4b:s6+s4] =	stream.strided.scatter [tilespmem:s11], [sflag:$0x3], $0x800, s5, s4, $0x38;
	[tilespmem:$0x19880] =	vst v63  }
0xdd: {  	s19 =	rddreg [dreg:$0x8]  }
0xde: {  	[hbm4b:s19+s4] =	stream.strided.scatter [tilespmem:s12], [sflag:$0x3], $0x800, s5, s4, $0x38;
	[tilespmem:$0x19880] =	vst v63  }
0xdf: {  	_ = 	snop  }
0xe0: {  	[hbm4b:s28+s4] =	stream.strided.scatter [tilespmem:s13], [sflag:$0x3], $0x800, s5, s4, $0x38;
	[tilespmem:$0x19880] =	vst v63  }
0xe1: {  	_ = 	snop  }
0xe2: {  	[hbm4b:s29+s4] =	stream.strided.scatter [tilespmem:s14], [sflag:$0x3], $0x800, s5, s4, $0x38;
	[tilespmem:$0x19880] =	vst v63  }
0xe3: {  	_ =	swait.ge [sflag:s15], $0x800  }
0xe4: {  	[sflag:s15] =	ssyncset.done $0x0  }
0xe5: {  	[sflag:s15] =	ssyncadd.s32 $0xFFFFF800  }
0xe6: {  	_ =	swait.ge [sflag:s15], $0x800  }
0xe7: {  	[sflag:s15] =	ssyncset.done $0x0  }
0xe8: {  	s25 =	rddreg [dreg:$0x9];
	[sflag:s15] =	ssyncadd.s32 $0xFFFFF800  }
0xe9: {  	[tilespmem:s7], [sflag:$0x1] =	stream.strided.gather [hbm4b:s25+s4], $0x800, s5, s4, $0x38;
	[tilespmem:$0x19880] =	vst v63  }
0xea: {  	s20 =	simm.s32 $0x150C0;
	s26 =	rddreg [dreg:$0xa]  }
0xeb: {  	[tilespmem:s8], [sflag:$0x1] =	stream.strided.gather [hbm4b:s26+s4], $0x800, s5, s4, $0x38;
	[tilespmem:$0x19880] =	vst v63  }
0xec: {  	s19 =	simm.s32 $0x140C0;
	v13 =	vld [tilespmem:s20+$0x30]  }
0xed: {  	v14 =	vld [tilespmem:s19+$0x30]  }
0xee: {  	v10 =	vld [tilespmem:s20+$0xFFFFFFC0]  }
0xef: {  	v8 =	vld [tilespmem:s20+$0xFFFFFFD0]  }
0xf0: {  	v5 =	vld [tilespmem:s20+$0xFFFFFFE0]  }
0xf1: {  	v3 =	vld [tilespmem:s20+$0xFFFFFFF0]  }
0xf2: {  	v2 =	vld [tilespmem:s20+$0x0]  }
0xf3: {  	v1 =	vld [tilespmem:s20+$0x10]  }
0xf4: {  	v21 =	vld [tilespmem:s19+$0xFFFFFFC0]  }
0xf5: {  	v12 =	vld [tilespmem:s19+$0xFFFFFFD0]  }
0xf6: {  	v11 =	vld [tilespmem:s19+$0xFFFFFFE0]  }
0xf7: {  	v9 =	vld [tilespmem:s19+$0xFFFFFFF0]  }
0xf8: {  	v7 =	vld [tilespmem:s19+$0x0]  }
0xf9: {  	v6 =	vld [tilespmem:s19+$0x10]  }
0xfa: {  	v0 =	vld [tilespmem:s20+$0x20]  }
0xfb: {  	v15 =	vld.idx.msk [tilespmem:v14+s21+$0x0], $0xffff  }
0xfc: {  	v57 =	vld.idx.msk [tilespmem:v21+s21+$0x0], $0xffff  }
0xfd: {  	v4 =	vadd.s32 $0x9C40, v13;
	v27 =	vld.idx.msk [tilespmem:v12+s21+$0x0], $0xffff  }
0xfe: {  	v28 =	vld.idx.msk [tilespmem:v11+s21+$0x0], $0xffff  }
0xff: {  	v17 =	vadd.s32 $0x9C40, v10;
	v30 =	vld.idx.msk [tilespmem:v9+s21+$0x0], $0xffff  }
0x100: {  	v20 =	vadd.s32 $0x9C40, v8;
	v60 =	vld.idx.msk [tilespmem:v7+s21+$0x0], $0xffff  }
0x101: {  	v22 =	vadd.s32 $0x9C40, v3;
	v32 =	vld.idx.msk [tilespmem:v6+s21+$0x0], $0xffff  }
0x102: {  	v23 =	vadd.s32 $0x9C40, v1;
	v16 =	vld.idx.msk [tilespmem:v4+s21+$0x0], $0xffff  }
0x103: {  	v24 =	vadd.s32 $0x9C40, v0;
	v4 =	vld [tilespmem:s19+$0x20]  }
0x104: {  	v55 =	vadd.s32 $0x9C40, v5;
	v17 =	vld.idx.msk [tilespmem:v17+s21+$0x0], $0xffff  }
0x105: {  	v56 =	vadd.s32 $0x9C40, v2;
	v20 =	vld.idx.msk [tilespmem:v20+s21+$0x0], $0xffff  }
0x106: {  	v18 =	vadd.s32 $0x2710, v14;
	v22 =	vld.idx.msk [tilespmem:v22+s21+$0x0], $0xffff  }
0x107: {  	v19 =	vadd.s32 $0xC350, v13;
	v23 =	vld.idx.msk [tilespmem:v23+s21+$0x0], $0xffff  }
0x108: {  	v24 =	vld.idx.msk [tilespmem:v24+s21+$0x0], $0xffff;
	v15 =	vadd.f32 v16, v15  }
0x109: {  	s20 =	simm.s32 $0x178C0;
	v29 =	vadd.s32 $0xC350, v10;
	v16 =	vld.idx.msk [tilespmem:v55+s21+$0x0], $0xffff  }
0x10a: {  	v31 =	vadd.s32 $0x2710, v12;
	[tilespmem:s20+$0x30] =	vst v15;
	v15 =	vld.idx.msk [tilespmem:v56+s21+$0x0], $0xffff  }
0x10b: {  	v62 =	vadd.s32 $0xC350, v8;
	v17 =	vadd.f32 v17, v57;
	v18 =	vld.idx.msk [tilespmem:v18+s21+$0x0], $0xffff  }
0x10c: {  	v39 =	vadd.s32 $0xC350, v3;
	v20 =	vadd.f32 v20, v27;
	v19 =	vld.idx.msk [tilespmem:v19+s21+$0x0], $0xffff  }
0x10d: {  	v42 =	vadd.s32 $0x2710, v6;
	[tilespmem:s20+$0xFFFFFFC0] =	vst v17;
	v61 =	vld.idx.msk [tilespmem:v4+s21+$0x0], $0xffff  }
0x10e: {  	v44 =	vadd.s32 $0xC350, v1;
	v22 =	vadd.f32 v22, v30;
	[tilespmem:s20+$0xFFFFFFD0] =	vst v20;
	v36 =	vld.idx.msk [tilespmem:v29+s21+$0x0], $0xffff  }
0x10f: {  	v37 =	vadd.s32 $0xC350, v5;
	v23 =	vadd.f32 v23, v32;
	v31 =	vld.idx.msk [tilespmem:v31+s21+$0x0], $0xffff  }
0x110: {  	v33 =	vadd.s32 $0x2710, v7;
	[tilespmem:s20+$0xFFFFFFF0] =	vst v22;
	v40 =	vld.idx.msk [tilespmem:v62+s21+$0x0], $0xffff  }
0x111: {  	v41 =	vadd.s32 $0xC350, v2;
	[tilespmem:s20+$0x10] =	vst v23;
	v46 =	vld.idx.msk [tilespmem:v39+s21+$0x0], $0xffff;
	v16 =	vadd.f32 v16, v28  }
0x112: {  	v25 =	vadd.s32 $0x4E20, v14;
	v52 =	vld.idx.msk [tilespmem:v42+s21+$0x0], $0xffff;
	v15 =	vadd.f32 v15, v60  }
0x113: {  	v26 =	vadd.s32 $0xEA60, v13;
	v54 =	vld.idx.msk [tilespmem:v44+s21+$0x0], $0xffff;
	[tilespmem:s20+$0xFFFFFFE0] =	vst v16  }
0x114: {  	v59 =	vadd.s32 $0x2710, v21;
	v18 =	vadd.f32 v19, v18;
	v43 =	vld.idx.msk [tilespmem:v37+s21+$0x0], $0xffff;
	[tilespmem:s20+$0x0] =	vst v15  }
0x115: {  	s22 =	simm.s32 $0x180C0;
	v63 =	vadd.s32 $0x2710, v11;
	v48 =	vld.idx.msk [tilespmem:v33+s21+$0x0], $0xffff  }
0x116: {  	v45 =	vadd.s32 $0x2710, v4;
	[tilespmem:s22+$0x30] =	vst v18;
	v50 =	vld.idx.msk [tilespmem:v41+s21+$0x0], $0xffff  }
0x117: {  	v53 =	vadd.s32 $0x4E20, v12;
	v18 =	vld.idx.msk [tilespmem:v25+s21+$0x0], $0xffff  }
0x118: {  	v55 =	vadd.s32 $0xEA60, v8;
	v17 =	vadd.f32 v24, v61;
	v58 =	vld.idx.msk [tilespmem:v26+s21+$0x0], $0xffff  }
0x119: {  	v47 =	vadd.s32 $0xC350, v0;
	v16 =	vadd.f32 v40, v31;
	v26 =	vld.idx.msk [tilespmem:v59+s21+$0x0], $0xffff  }
0x11a: {  	v38 =	vadd.s32 $0x2710, v9;
	[tilespmem:s20+$0x20] =	vst v17;
	v25 =	vld.idx.msk [tilespmem:v63+s21+$0x0], $0xffff  }
0x11b: {  	v14 =	vadd.s32 $0x7530, v14;
	[tilespmem:s22+$0xFFFFFFD0] =	vst v16;
	v56 =	vld.idx.msk [tilespmem:v45+s21+$0x0], $0xffff  }
0x11c: {  	v13 =	vadd.s32 $0x11170, v13;
	v37 =	vld.idx.msk [tilespmem:v53+s21+$0x0], $0xffff  }
0x11d: {  	v49 =	vadd.s32 $0x4E20, v21;
	v39 =	vld.idx.msk [tilespmem:v55+s21+$0x0], $0xffff;
	v18 =	vadd.f32 v58, v18  }
0x11e: {  	s23 =	simm.s32 $0x188C0;
	v51 =	vadd.s32 $0xEA60, v10;
	v58 =	vld.idx.msk [tilespmem:v47+s21+$0x0], $0xffff  }
0x11f: {  	v57 =	vadd.s32 $0x4E20, v11;
	v20 =	vadd.f32 v36, v26;
	[tilespmem:s23+$0x30] =	vst v18;
	v18 =	vld.idx.msk [tilespmem:v38+s21+$0x0], $0xffff  }
0x120: {  	v59 =	vadd.s32 $0xEA60, v5;
	v14 =	vld.idx.msk [tilespmem:v14+s21+$0x0], $0xffff  }
0x121: {  	v42 =	vadd.s32 $0x4E20, v6;
	v62 =	vadd.f32 v43, v25;
	[tilespmem:s22+$0xFFFFFFC0] =	vst v20;
	v13 =	vld.idx.msk [tilespmem:v13+s21+$0x0], $0xffff  }
0x122: {  	v45 =	vadd.s32 $0xEA60, v1;
	v60 =	vld.idx.msk [tilespmem:v49+s21+$0x0], $0xffff  }
0x123: {  	v12 =	vadd.s32 $0x7530, v12;
	v43 =	vadd.f32 v50, v48;
	v48 =	vadd.f32 v54, v52;
	[tilespmem:s22+$0xFFFFFFE0] =	vst v62;
	v63 =	vld.idx.msk [tilespmem:v51+s21+$0x0], $0xffff  }
0x124: {  	v8 =	vadd.s32 $0x11170, v8;
	v41 =	vld.idx.msk [tilespmem:v57+s21+$0x0], $0xffff  }
0x125: {  	v16 =	vadd.f32 v39, v37;
	v38 =	vadd.s32 $0x4E20, v7;
	[tilespmem:s22+$0x10] =	vst v48;
	v44 =	vld.idx.msk [tilespmem:v59+s21+$0x0], $0xffff  }
0x126: {  	v40 =	vadd.s32 $0xEA60, v2;
	v53 =	vld.idx.msk [tilespmem:v42+s21+$0x0], $0xffff  }
0x127: {  	v61 =	vadd.s32 $0x4E20, v9;
	[tilespmem:s23+$0xFFFFFFD0] =	vst v16;
	v54 =	vld.idx.msk [tilespmem:v45+s21+$0x0], $0xffff  }
0x128: {  	v36 =	vadd.s32 $0xEA60, v3;
	v12 =	vld.idx.msk [tilespmem:v12+s21+$0x0], $0xffff  }
0x129: {  	v47 =	vadd.s32 $0x4E20, v4;
	[tilespmem:s22+$0x0] =	vst v43;
	v8 =	vld.idx.msk [tilespmem:v8+s21+$0x0], $0xffff;
	v15 =	vadd.f32 v46, v18  }
0x12a: {  	v50 =	vadd.s32 $0xEA60, v0;
	v51 =	vld.idx.msk [tilespmem:v38+s21+$0x0], $0xffff  }
0x12b: {  	v21 =	vadd.s32 $0x7530, v21;
	v52 =	vadd.f32 v58, v56;
	v18 =	vld.idx.msk [tilespmem:v40+s21+$0x0], $0xffff;
	[tilespmem:s22+$0xFFFFFFF0] =	vst v15  }
0x12c: {  	v10 =	vadd.s32 $0x11170, v10;
	v46 =	vld.idx.msk [tilespmem:v61+s21+$0x0], $0xffff  }
0x12d: {  	v11 =	vadd.s32 $0x7530, v11;
	[tilespmem:s22+$0x20] =	vst v52;
	v19 =	vadd.f32 v63, v60;
	v49 =	vld.idx.msk [tilespmem:v36+s21+$0x0], $0xffff  }
0x12e: {  	v5 =	vadd.s32 $0x11170, v5;
	v55 =	vld.idx.msk [tilespmem:v47+s21+$0x0], $0xffff  }
0x12f: {  	v7 =	vadd.s32 $0x7530, v7;
	v56 =	vld.idx.msk [tilespmem:v50+s21+$0x0], $0xffff;
	v57 =	vadd.f32 v44, v41;
	[tilespmem:s23+$0xFFFFFFC0] =	vst v19  }
0x130: {  	v9 =	vadd.s32 $0x7530, v9;
	v21 =	vld.idx.msk [tilespmem:v21+s21+$0x0], $0xffff  }
0x131: {  	v3 =	vadd.s32 $0x11170, v3;
	[tilespmem:s23+$0xFFFFFFE0] =	vst v57;
	v10 =	vld.idx.msk [tilespmem:v10+s21+$0x0], $0xffff;
	v59 =	vadd.f32 v18, v51  }
0x132: {  	v6 =	vadd.s32 $0x7530, v6;
	v11 =	vld.idx.msk [tilespmem:v11+s21+$0x0], $0xffff;
	v58 =	vadd.f32 v49, v46  }
0x133: {  	v2 =	vadd.s32 $0x11170, v2;
	v60 =	vadd.s32 $0x11170, v1;
	v1 =	vadd.f32 v13, v14;
	v5 =	vld.idx.msk [tilespmem:v5+s21+$0x0], $0xffff;
	[tilespmem:s23+$0x0] =	vst v59  }
0x134: {  	s24 =	simm.s32 $0x190C0;
	v63 =	vadd.s32 $0x11170, v0;
	v61 =	vadd.s32 $0x7530, v4;
	v4 =	vadd.f32 v54, v53;
	v0 =	vld.idx.msk [tilespmem:v7+s21+$0x0], $0xffff;
	[tilespmem:s23+$0xFFFFFFF0] =	vst v58  }
0x135: {  	[tilespmem:s24+$0x30] =	vst v1;
	v1 =	vadd.f32 v56, v55;
	v9 =	vld.idx.msk [tilespmem:v9+s21+$0x0], $0xffff  }
0x136: {  	[tilespmem:s23+$0x10] =	vst v4;
	v62 =	vld.idx.msk [tilespmem:v3+s21+$0x0], $0xffff  }
0x137: {  	[tilespmem:s23+$0x20] =	vst v1;
	v1 =	vld.idx.msk [tilespmem:v6+s21+$0x0], $0xffff;
	v4 =	vadd.f32 v10, v21  }
0x138: {  	v5 =	vadd.f32 v5, v11;
	v3 =	vld.idx.msk [tilespmem:v2+s21+$0x0], $0xffff  }
0x139: {  	v2 =	vadd.f32 v8, v12;
	[tilespmem:s24+$0xFFFFFFC0] =	vst v4;
	v4 =	vld.idx.msk [tilespmem:v60+s21+$0x0], $0xffff  }
0x13a: {  	[tilespmem:s24+$0xFFFFFFE0] =	vst v5;
	v5 =	vld.idx.msk [tilespmem:v63+s21+$0x0], $0xffff  }
0x13b: {  	s25 =	simm.s32 $0x0;
	s26 =	simm.s32 $0x15140;
	[tilespmem:s24+$0xFFFFFFD0] =	vst v2;
	v2 =	vld.idx.msk [tilespmem:v61+s21+$0x0], $0xffff;
	v6 =	vadd.f32 v62, v9  }
.LBB2_4:
0x13c: {  	v20 =	vld [tilespmem:s26+$0x30];
	s19 =	sadd.s32 $0x80, s19  }
0x13d: {  	v0 =	vadd.f32 v3, v0;
	v31 =	vld [tilespmem:s19+$0x30];
	[tilespmem:s24+$0xFFFFFFF0] =	vst v6  }
0x13e: {  	v3 =	vld [tilespmem:s26+$0xFFFFFFC0]  }
0x13f: {  	s25 =	sadd.s32 $0x8, s25;
	v11 =	vld [tilespmem:s26+$0xFFFFFFD0];
	[tilespmem:s24+$0x0] =	vst v0;
	v0 =	vadd.f32 v4, v1  }
0x140: {  	p0 =	slt.u32 s25, $0x78;
	v1 =	vld [tilespmem:s26+$0xFFFFFFE0]  }
0x141: {  	v12 =	vld [tilespmem:s26+$0xFFFFFFF0];
	v4 =	vadd.s32 $0x9C40, v20;
	[tilespmem:s24+$0x10] =	vst v0;
	v0 =	vadd.f32 v5, v2  }
0x142: {  	v15 =	vld [tilespmem:s26+$0x0]  }
0x143: {  	v14 =	vadd.s32 $0x9C40, v3;
	v35 =	vadd.s32 $0xC350, v3;
	v9 =	vadd.s32 $0xEA60, v3;
	v16 =	vld [tilespmem:s26+$0x10];
	[tilespmem:s24+$0x20] =	vst v0  }
0x144: {  	v17 =	vadd.s32 $0x9C40, v11;
	v34 =	vadd.s32 $0xC350, v11;
	v10 =	vadd.s32 $0xEA60, v11;
	v36 =	vld [tilespmem:s26+$0x20]  }
0x145: {  	v18 =	vadd.s32 $0x9C40, v1;
	v26 =	vadd.s32 $0xC350, v1;
	v8 =	vadd.s32 $0xEA60, v1;
	v13 =	vld.idx.msk [tilespmem:v31+s21+$0x0], $0xffff  }
0x146: {  	v19 =	vadd.s32 $0x9C40, v12;
	v24 =	vadd.s32 $0xC350, v12;
	v7 =	vadd.s32 $0xEA60, v12;
	v23 =	vld.idx.msk [tilespmem:v4+s21+$0x0], $0xffff  }
0x147: {  	v37 =	vld [tilespmem:s19+$0xFFFFFFD0];
	v38 =	vadd.s32 $0x9C40, v15;
	v25 =	vadd.s32 $0xC350, v15;
	v6 =	vadd.s32 $0xEA60, v15  }
0x148: {  	v39 =	vld [tilespmem:s19+$0xFFFFFFE0];
	v40 =	vadd.s32 $0x9C40, v16;
	v22 =	vadd.s32 $0xC350, v16;
	v5 =	vadd.s32 $0xEA60, v16  }
0x149: {  	v41 =	vld [tilespmem:s19+$0xFFFFFFF0];
	v42 =	vadd.s32 $0x9C40, v36;
	v21 =	vadd.s32 $0xC350, v36;
	v4 =	vadd.s32 $0xEA60, v36  }
0x14a: {  	v3 =	vadd.s32 $0x11170, v3;
	v2 =	vadd.s32 $0x11170, v11;
	v11 =	vadd.s32 $0x2710, v31;
	v43 =	vld [tilespmem:s19+$0x0]  }
0x14b: {  	v28 =	vadd.s32 $0xC350, v20;
	v1 =	vadd.s32 $0x11170, v1;
	v0 =	vadd.s32 $0x11170, v12;
	v44 =	vld [tilespmem:s19+$0x10]  }
0x14c: {  	v12 =	vadd.f32 v23, v13;
	v45 =	vadd.s32 $0x2710, v37;
	v29 =	vadd.s32 $0x4E20, v37;
	v46 =	vld [tilespmem:s19+$0x20]  }
0x14d: {  	s20 =	sadd.s32 $0x80, s20;
	v13 =	vadd.s32 $0x7530, v37;
	v47 =	vld [tilespmem:s19+$0xFFFFFFC0];
	v48 =	vadd.s32 $0x2710, v39;
	v32 =	vadd.s32 $0x4E20, v39  }
0x14e: {  	v49 =	vld.idx.msk [tilespmem:v14+s21+$0x0], $0xffff;
	v14 =	vadd.s32 $0x7530, v39;
	v50 =	vadd.s32 $0x2710, v41;
	v33 =	vadd.s32 $0x4E20, v41;
	[tilespmem:s20+$0x30] =	vst v12  }
0x14f: {  	v12 =	vadd.s32 $0x7530, v41;
	v51 =	vadd.s32 $0x2710, v43;
	v30 =	vadd.s32 $0x4E20, v43;
	v52 =	vld.idx.msk [tilespmem:v11+s21+$0x0], $0xffff  }
0x150: {  	v11 =	vadd.s32 $0x7530, v43;
	v53 =	vadd.s32 $0x2710, v44;
	v27 =	vadd.s32 $0x4E20, v44;
	v54 =	vld.idx.msk [tilespmem:v28+s21+$0x0], $0xffff  }
0x151: {  	v15 =	vadd.s32 $0x11170, v15;
	v55 =	vld.idx.msk [tilespmem:v17+s21+$0x0], $0xffff;
	v56 =	vadd.s32 $0x2710, v46;
	v28 =	vadd.s32 $0x4E20, v46  }
0x152: {  	v57 =	vadd.s32 $0x2710, v47;
	v58 =	vadd.s32 $0x4E20, v47;
	v23 =	vadd.s32 $0x7530, v47;
	v59 =	vld.idx.msk [tilespmem:v18+s21+$0x0], $0xffff  }
0x153: {  	v17 =	vadd.s32 $0x7530, v46;
	v18 =	vadd.s32 $0x11170, v16;
	v60 =	vld.idx.msk [tilespmem:v19+s21+$0x0], $0xffff;
	v19 =	vadd.s32 $0x7530, v44  }
0x154: {  	v16 =	vadd.s32 $0x11170, v36;
	v36 =	vadd.s32 $0x4E20, v31;
	v38 =	vld.idx.msk [tilespmem:v38+s21+$0x0], $0xffff  }
0x155: {  	v61 =	vadd.s32 $0xEA60, v20;
	v40 =	vld.idx.msk [tilespmem:v40+s21+$0x0], $0xffff  }
0x156: {  	v52 =	vadd.f32 v54, v52;
	v42 =	vld.idx.msk [tilespmem:v42+s21+$0x0], $0xffff  }
0x157: {  	s22 =	sadd.s32 $0x80, s22;
	v47 =	vld.idx.msk [tilespmem:v47+s21+$0x0], $0xffff  }
0x158: {  	v37 =	vld.idx.msk [tilespmem:v37+s21+$0x0], $0xffff;
	[tilespmem:s22+$0x30] =	vst v52  }
0x159: {  	v36 =	vld.idx.msk [tilespmem:v36+s21+$0x0], $0xffff  }
0x15a: {  	v52 =	vld.idx.msk [tilespmem:v61+s21+$0x0], $0xffff  }
0x15b: {  	v39 =	vld.idx.msk [tilespmem:v39+s21+$0x0], $0xffff  }
0x15c: {  	v41 =	vld.idx.msk [tilespmem:v41+s21+$0x0], $0xffff  }
0x15d: {  	v47 =	vadd.f32 v49, v47;
	v43 =	vld.idx.msk [tilespmem:v43+s21+$0x0], $0xffff  }
0x15e: {  	v31 =	vadd.s32 $0x7530, v31;
	v37 =	vadd.f32 v55, v37;
	v44 =	vld.idx.msk [tilespmem:v44+s21+$0x0], $0xffff  }
0x15f: {  	v20 =	vadd.s32 $0x11170, v20;
	[tilespmem:s20+$0xFFFFFFC0] =	vst v47;
	v46 =	vld.idx.msk [tilespmem:v46+s21+$0x0], $0xffff  }
0x160: {  	v36 =	vadd.f32 v52, v36;
	v47 =	vld.idx.msk [tilespmem:v57+s21+$0x0], $0xffff;
	[tilespmem:s20+$0xFFFFFFD0] =	vst v37  }
0x161: {  	s23 =	sadd.s32 $0x80, s23;
	v37 =	vadd.f32 v59, v39;
	v35 =	vld.idx.msk [tilespmem:v35+s21+$0x0], $0xffff  }
0x162: {  	v41 =	vadd.f32 v60, v41;
	v39 =	vld.idx.msk [tilespmem:v45+s21+$0x0], $0xffff;
	[tilespmem:s23+$0x30] =	vst v36  }
0x163: {  	v36 =	vadd.f32 v38, v43;
	[tilespmem:s20+$0xFFFFFFE0] =	vst v37;
	v31 =	vld.idx.msk [tilespmem:v31+s21+$0x0], $0xffff  }
0x164: {  	v37 =	vadd.f32 v40, v44;
	[tilespmem:s20+$0xFFFFFFF0] =	vst v41;
	v20 =	vld.idx.msk [tilespmem:v20+s21+$0x0], $0xffff  }
0x165: {  	v34 =	vld.idx.msk [tilespmem:v34+s21+$0x0], $0xffff;
	[tilespmem:s20+$0x0] =	vst v36;
	v36 =	vadd.f32 v42, v46  }
0x166: {  	v38 =	vld.idx.msk [tilespmem:v48+s21+$0x0], $0xffff;
	[tilespmem:s20+$0x10] =	vst v37  }
0x167: {  	v35 =	vadd.f32 v35, v47;
	v26 =	vld.idx.msk [tilespmem:v26+s21+$0x0], $0xffff;
	[tilespmem:s20+$0x20] =	vst v36  }
0x168: {  	v36 =	vld.idx.msk [tilespmem:v50+s21+$0x0], $0xffff  }
0x169: {  	[tilespmem:s22+$0xFFFFFFC0] =	vst v35;
	v24 =	vld.idx.msk [tilespmem:v24+s21+$0x0], $0xffff  }
0x16a: {  	v20 =	vadd.f32 v20, v31;
	v35 =	vld.idx.msk [tilespmem:v51+s21+$0x0], $0xffff  }
0x16b: {  	s24 =	sadd.s32 $0x80, s24;
	v31 =	vadd.f32 v34, v39;
	v25 =	vld.idx.msk [tilespmem:v25+s21+$0x0], $0xffff  }
0x16c: {  	v34 =	vld.idx.msk [tilespmem:v53+s21+$0x0], $0xffff;
	[tilespmem:s24+$0x30] =	vst v20  }
0x16d: {  	v20 =	vadd.f32 v26, v38;
	[tilespmem:s22+$0xFFFFFFD0] =	vst v31;
	v22 =	vld.idx.msk [tilespmem:v22+s21+$0x0], $0xffff  }
0x16e: {  	v26 =	vld.idx.msk [tilespmem:v56+s21+$0x0], $0xffff  }
0x16f: {  	[tilespmem:s22+$0xFFFFFFE0] =	vst v20;
	v20 =	vadd.f32 v24, v36;
	v21 =	vld.idx.msk [tilespmem:v21+s21+$0x0], $0xffff  }
0x170: {  	v24 =	vld.idx.msk [tilespmem:v58+s21+$0x0], $0xffff  }
0x171: {  	v9 =	vld.idx.msk [tilespmem:v9+s21+$0x0], $0xffff;
	[tilespmem:s22+$0xFFFFFFF0] =	vst v20;
	v20 =	vadd.f32 v25, v35  }
0x172: {  	v25 =	vld.idx.msk [tilespmem:v29+s21+$0x0], $0xffff  }
0x173: {  	v10 =	vld.idx.msk [tilespmem:v10+s21+$0x0], $0xffff;
	[tilespmem:s22+$0x0] =	vst v20;
	v20 =	vadd.f32 v22, v34  }
0x174: {  	v22 =	vld.idx.msk [tilespmem:v32+s21+$0x0], $0xffff  }
0x175: {  	v8 =	vld.idx.msk [tilespmem:v8+s21+$0x0], $0xffff;
	[tilespmem:s22+$0x10] =	vst v20;
	v20 =	vadd.f32 v21, v26  }
0x176: {  	v21 =	vld.idx.msk [tilespmem:v33+s21+$0x0], $0xffff  }
0x177: {  	v9 =	vadd.f32 v9, v24;
	v7 =	vld.idx.msk [tilespmem:v7+s21+$0x0], $0xffff;
	[tilespmem:s22+$0x20] =	vst v20  }
0x178: {  	v20 =	vld.idx.msk [tilespmem:v30+s21+$0x0], $0xffff  }
0x179: {  	[tilespmem:s23+$0xFFFFFFC0] =	vst v9;
	v9 =	vadd.f32 v10, v25;
	v6 =	vld.idx.msk [tilespmem:v6+s21+$0x0], $0xffff  }
0x17a: {  	v10 =	vld.idx.msk [tilespmem:v27+s21+$0x0], $0xffff  }
0x17b: {  	v8 =	vadd.f32 v8, v22;
	[tilespmem:s23+$0xFFFFFFD0] =	vst v9;
	v5 =	vld.idx.msk [tilespmem:v5+s21+$0x0], $0xffff  }
0x17c: {  	v9 =	vld.idx.msk [tilespmem:v28+s21+$0x0], $0xffff  }
0x17d: {  	v7 =	vadd.f32 v7, v21;
	[tilespmem:s23+$0xFFFFFFE0] =	vst v8;
	v4 =	vld.idx.msk [tilespmem:v4+s21+$0x0], $0xffff  }
0x17e: {  	v8 =	vld.idx.msk [tilespmem:v23+s21+$0x0], $0xffff  }
0x17f: {  	v6 =	vadd.f32 v6, v20;
	v3 =	vld.idx.msk [tilespmem:v3+s21+$0x0], $0xffff;
	[tilespmem:s23+$0xFFFFFFF0] =	vst v7  }
0x180: {  	v7 =	vld.idx.msk [tilespmem:v13+s21+$0x0], $0xffff  }
0x181: {  	v5 =	vadd.f32 v5, v10;
	v2 =	vld.idx.msk [tilespmem:v2+s21+$0x0], $0xffff;
	[tilespmem:s23+$0x0] =	vst v6  }
0x182: {  	v6 =	vld.idx.msk [tilespmem:v14+s21+$0x0], $0xffff  }
0x183: {  	v10 =	vld.idx.msk [tilespmem:v1+s21+$0x0], $0xffff;
	[tilespmem:s23+$0x10] =	vst v5;
	v1 =	vadd.f32 v4, v9  }
0x184: {  	v5 =	vld.idx.msk [tilespmem:v12+s21+$0x0], $0xffff  }
0x185: {  	v3 =	vadd.f32 v3, v8;
	v8 =	vld.idx.msk [tilespmem:v0+s21+$0x0], $0xffff;
	[tilespmem:s23+$0x20] =	vst v1  }
0x186: {  	v0 =	vld.idx.msk [tilespmem:v11+s21+$0x0], $0xffff  }
.Ltmp1:
0x187: {  	v2 =	vadd.f32 v2, v7;
	[tilespmem:s24+$0xFFFFFFC0] =	vst v3;
	v3 =	vld.idx.msk [tilespmem:v15+s21+$0x0], $0xffff;
	(pc) =	sbr.rel @p0 .LBB2_4-.Ltmp1, $4  }
0x188: {  	v1 =	vld.idx.msk [tilespmem:v19+s21+$0x0], $0xffff  }
0x189: {  	v6 =	vadd.f32 v10, v6;
	[tilespmem:s24+$0xFFFFFFD0] =	vst v2;
	v4 =	vld.idx.msk [tilespmem:v18+s21+$0x0], $0xffff  }
0x18a: {  	v2 =	vld.idx.msk [tilespmem:v17+s21+$0x0], $0xffff  }
0x18b: {  	s26 =	sadd.s32 $0x80, s26;
	[tilespmem:s24+$0xFFFFFFE0] =	vst v6;
	v6 =	vadd.f32 v8, v5;
	v5 =	vld.idx.msk [tilespmem:v16+s21+$0x0], $0xffff  }
0x18c: {  	_ =	sdelay $0x1  }
0x18d: {  	v0 =	vadd.f32 v3, v0  }
0x18e: {  	[tilespmem:s24+$0xFFFFFFF0] =	vst v6;
	v1 =	vadd.f32 v4, v1  }
0x18f: {  	[tilespmem:s24+$0x0] =	vst v0;
	v0 =	vadd.f32 v5, v2  }
0x190: {  	[tilespmem:s24+$0x10] =	vst v1  }
0x191: {  	[tilespmem:s24+$0x20] =	vst v0  }
0x192: {  	s20 =	simm.s32 $0x17880;
	s19 =	rddreg [dreg:$0xb]  }
0x193: {  	[hbm4b:s19+s4] =	stream.strided.scatter [tilespmem:s20], [sflag:$0x4], $0x800, s5, s4, $0x38;
	[tilespmem:$0x19880] =	vst v63  }
0x194: {  	s25 =	simm.s32 $0x18080;
	s24 =	rddreg [dreg:$0xc]  }
0x195: {  	[hbm4b:s24+s4] =	stream.strided.scatter [tilespmem:s25], [sflag:$0x4], $0x800, s5, s4, $0x38;
	[tilespmem:$0x19880] =	vst v63  }
0x196: {  	s26 =	simm.s32 $0x18880  }
0x197: {  	[hbm4b:s30+s4] =	stream.strided.scatter [tilespmem:s26], [sflag:$0x4], $0x800, s5, s4, $0x38;
	[tilespmem:$0x19880] =	vst v63  }
0x198: {  	s20 =	simm.s32 $0x19080  }
0x199: {  	[hbm4b:s31+s4] =	stream.strided.scatter [tilespmem:s20], [sflag:$0x4], $0x800, s5, s4, $0x38;
	[tilespmem:$0x19880] =	vst v63  }
0x19a: {  	_ =	swait.ge [sflag:s10], $0x800  }
0x19b: {  	[sflag:s10] =	ssyncset.done $0x0  }
0x19c: {  	[sflag:s10] =	ssyncadd.s32 $0xFFFFF800  }
0x19d: {  	_ =	swait.ge [sflag:s10], $0x800  }
0x19e: {  	[sflag:s10] =	ssyncset.done $0x0  }
0x19f: {  	s23 =	simm.s32 $0x14080;
	s22 =	rddreg [dreg:$0xd];
	[sflag:s10] =	ssyncadd.s32 $0xFFFFF800  }
0x1a0: {  	[tilespmem:s23], [sflag:$0x2] =	stream.strided.gather [hbm4b:s22+s4], $0x800, s5, s4, $0x38;
	[tilespmem:$0x19880] =	vst v63  }
0x1a1: {  	s25 =	simm.s32 $0x15080;
	s24 =	rddreg [dreg:$0xe]  }
0x1a2: {  	[tilespmem:s25], [sflag:$0x2] =	stream.strided.gather [hbm4b:s24+s4], $0x800, s5, s4, $0x38;
	[tilespmem:$0x19880] =	vst v63  }
0x1a3: {  	_ =	swait.ge [sflag:s16], $0x800  }
0x1a4: {  	[sflag:s16] =	ssyncset.done $0x0  }
0x1a5: {  	[sflag:s16] =	ssyncadd.s32 $0xFFFFF800  }
0x1a6: {  	_ =	swait.ge [sflag:s16], $0x800  }
0x1a7: {  	[sflag:s16] =	ssyncset.done $0x0  }
0x1a8: {  	[sflag:s16] =	ssyncadd.s32 $0xFFFFF800  }
0x1a9: {  	_ =	swait.ge [sflag:s16], $0x800  }
0x1aa: {  	[sflag:s16] =	ssyncset.done $0x0  }
0x1ab: {  	[sflag:s16] =	ssyncadd.s32 $0xFFFFF800  }
0x1ac: {  	_ =	swait.ge [sflag:s16], $0x800  }
0x1ad: {  	[sflag:s16] =	ssyncset.done $0x0  }
0x1ae: {  	s26 =	simm.s32 $0x148C0;
	[sflag:s16] =	ssyncadd.s32 $0xFFFFF800  }
0x1af: {  	s19 =	simm.s32 $0x138C0;
	v13 =	vld [tilespmem:s26+$0x30]  }
0x1b0: {  	v14 =	vld [tilespmem:s19+$0x30]  }
0x1b1: {  	v10 =	vld [tilespmem:s26+$0xFFFFFFC0]  }
0x1b2: {  	v8 =	vld [tilespmem:s26+$0xFFFFFFD0]  }
0x1b3: {  	v5 =	vld [tilespmem:s26+$0xFFFFFFE0]  }
0x1b4: {  	v3 =	vld [tilespmem:s26+$0xFFFFFFF0]  }
0x1b5: {  	v2 =	vld [tilespmem:s26+$0x0]  }
0x1b6: {  	v1 =	vld [tilespmem:s26+$0x10]  }
0x1b7: {  	v21 =	vld [tilespmem:s19+$0xFFFFFFC0]  }
0x1b8: {  	v12 =	vld [tilespmem:s19+$0xFFFFFFD0]  }
0x1b9: {  	v11 =	vld [tilespmem:s19+$0xFFFFFFE0]  }
0x1ba: {  	v9 =	vld [tilespmem:s19+$0xFFFFFFF0]  }
0x1bb: {  	v7 =	vld [tilespmem:s19+$0x0]  }
0x1bc: {  	v6 =	vld [tilespmem:s19+$0x10]  }
0x1bd: {  	v0 =	vld [tilespmem:s26+$0x20]  }
0x1be: {  	v15 =	vld.idx.msk [tilespmem:v14+s21+$0x0], $0xffff  }
0x1bf: {  	v57 =	vld.idx.msk [tilespmem:v21+s21+$0x0], $0xffff  }
0x1c0: {  	v4 =	vadd.s32 $0x9C40, v13;
	v27 =	vld.idx.msk [tilespmem:v12+s21+$0x0], $0xffff  }
0x1c1: {  	v28 =	vld.idx.msk [tilespmem:v11+s21+$0x0], $0xffff  }
0x1c2: {  	v17 =	vadd.s32 $0x9C40, v10;
	v30 =	vld.idx.msk [tilespmem:v9+s21+$0x0], $0xffff  }
0x1c3: {  	v20 =	vadd.s32 $0x9C40, v8;
	v60 =	vld.idx.msk [tilespmem:v7+s21+$0x0], $0xffff  }
0x1c4: {  	v22 =	vadd.s32 $0x9C40, v3;
	v32 =	vld.idx.msk [tilespmem:v6+s21+$0x0], $0xffff  }
0x1c5: {  	v23 =	vadd.s32 $0x9C40, v1;
	v16 =	vld.idx.msk [tilespmem:v4+s21+$0x0], $0xffff  }
0x1c6: {  	v24 =	vadd.s32 $0x9C40, v0;
	v4 =	vld [tilespmem:s19+$0x20]  }
0x1c7: {  	v55 =	vadd.s32 $0x9C40, v5;
	v17 =	vld.idx.msk [tilespmem:v17+s21+$0x0], $0xffff  }
0x1c8: {  	v56 =	vadd.s32 $0x9C40, v2;
	v20 =	vld.idx.msk [tilespmem:v20+s21+$0x0], $0xffff  }
0x1c9: {  	v18 =	vadd.s32 $0x2710, v14;
	v22 =	vld.idx.msk [tilespmem:v22+s21+$0x0], $0xffff  }
0x1ca: {  	v19 =	vadd.s32 $0xC350, v13;
	v23 =	vld.idx.msk [tilespmem:v23+s21+$0x0], $0xffff  }
0x1cb: {  	v24 =	vld.idx.msk [tilespmem:v24+s21+$0x0], $0xffff;
	v15 =	vadd.f32 v16, v15  }
0x1cc: {  	s20 =	simm.s32 $0x158C0;
	v29 =	vadd.s32 $0xC350, v10;
	v16 =	vld.idx.msk [tilespmem:v55+s21+$0x0], $0xffff  }
0x1cd: {  	v31 =	vadd.s32 $0x2710, v12;
	[tilespmem:s20+$0x30] =	vst v15;
	v15 =	vld.idx.msk [tilespmem:v56+s21+$0x0], $0xffff  }
0x1ce: {  	v62 =	vadd.s32 $0xC350, v8;
	v17 =	vadd.f32 v17, v57;
	v18 =	vld.idx.msk [tilespmem:v18+s21+$0x0], $0xffff  }
0x1cf: {  	v39 =	vadd.s32 $0xC350, v3;
	v20 =	vadd.f32 v20, v27;
	v19 =	vld.idx.msk [tilespmem:v19+s21+$0x0], $0xffff  }
0x1d0: {  	v42 =	vadd.s32 $0x2710, v6;
	[tilespmem:s20+$0xFFFFFFC0] =	vst v17;
	v61 =	vld.idx.msk [tilespmem:v4+s21+$0x0], $0xffff  }
0x1d1: {  	v44 =	vadd.s32 $0xC350, v1;
	v22 =	vadd.f32 v22, v30;
	[tilespmem:s20+$0xFFFFFFD0] =	vst v20;
	v36 =	vld.idx.msk [tilespmem:v29+s21+$0x0], $0xffff  }
0x1d2: {  	v37 =	vadd.s32 $0xC350, v5;
	v23 =	vadd.f32 v23, v32;
	v31 =	vld.idx.msk [tilespmem:v31+s21+$0x0], $0xffff  }
0x1d3: {  	v33 =	vadd.s32 $0x2710, v7;
	[tilespmem:s20+$0xFFFFFFF0] =	vst v22;
	v40 =	vld.idx.msk [tilespmem:v62+s21+$0x0], $0xffff  }
0x1d4: {  	v41 =	vadd.s32 $0xC350, v2;
	[tilespmem:s20+$0x10] =	vst v23;
	v46 =	vld.idx.msk [tilespmem:v39+s21+$0x0], $0xffff;
	v16 =	vadd.f32 v16, v28  }
0x1d5: {  	v25 =	vadd.s32 $0x4E20, v14;
	v52 =	vld.idx.msk [tilespmem:v42+s21+$0x0], $0xffff;
	v15 =	vadd.f32 v15, v60  }
0x1d6: {  	v26 =	vadd.s32 $0xEA60, v13;
	v54 =	vld.idx.msk [tilespmem:v44+s21+$0x0], $0xffff;
	[tilespmem:s20+$0xFFFFFFE0] =	vst v16  }
0x1d7: {  	v59 =	vadd.s32 $0x2710, v21;
	v18 =	vadd.f32 v19, v18;
	v43 =	vld.idx.msk [tilespmem:v37+s21+$0x0], $0xffff;
	[tilespmem:s20+$0x0] =	vst v15  }
0x1d8: {  	s22 =	simm.s32 $0x160C0;
	v63 =	vadd.s32 $0x2710, v11;
	v48 =	vld.idx.msk [tilespmem:v33+s21+$0x0], $0xffff  }
0x1d9: {  	v45 =	vadd.s32 $0x2710, v4;
	[tilespmem:s22+$0x30] =	vst v18;
	v50 =	vld.idx.msk [tilespmem:v41+s21+$0x0], $0xffff  }
0x1da: {  	v53 =	vadd.s32 $0x4E20, v12;
	v18 =	vld.idx.msk [tilespmem:v25+s21+$0x0], $0xffff  }
0x1db: {  	v55 =	vadd.s32 $0xEA60, v8;
	v17 =	vadd.f32 v24, v61;
	v58 =	vld.idx.msk [tilespmem:v26+s21+$0x0], $0xffff  }
0x1dc: {  	v47 =	vadd.s32 $0xC350, v0;
	v16 =	vadd.f32 v40, v31;
	v26 =	vld.idx.msk [tilespmem:v59+s21+$0x0], $0xffff  }
0x1dd: {  	v38 =	vadd.s32 $0x2710, v9;
	[tilespmem:s20+$0x20] =	vst v17;
	v25 =	vld.idx.msk [tilespmem:v63+s21+$0x0], $0xffff  }
0x1de: {  	v14 =	vadd.s32 $0x7530, v14;
	[tilespmem:s22+$0xFFFFFFD0] =	vst v16;
	v56 =	vld.idx.msk [tilespmem:v45+s21+$0x0], $0xffff  }
0x1df: {  	v13 =	vadd.s32 $0x11170, v13;
	v37 =	vld.idx.msk [tilespmem:v53+s21+$0x0], $0xffff  }
0x1e0: {  	v49 =	vadd.s32 $0x4E20, v21;
	v39 =	vld.idx.msk [tilespmem:v55+s21+$0x0], $0xffff;
	v18 =	vadd.f32 v58, v18  }
0x1e1: {  	s23 =	simm.s32 $0x168C0;
	v51 =	vadd.s32 $0xEA60, v10;
	v58 =	vld.idx.msk [tilespmem:v47+s21+$0x0], $0xffff  }
0x1e2: {  	v57 =	vadd.s32 $0x4E20, v11;
	v20 =	vadd.f32 v36, v26;
	[tilespmem:s23+$0x30] =	vst v18;
	v18 =	vld.idx.msk [tilespmem:v38+s21+$0x0], $0xffff  }
0x1e3: {  	v59 =	vadd.s32 $0xEA60, v5;
	v14 =	vld.idx.msk [tilespmem:v14+s21+$0x0], $0xffff  }
0x1e4: {  	v42 =	vadd.s32 $0x4E20, v6;
	v62 =	vadd.f32 v43, v25;
	[tilespmem:s22+$0xFFFFFFC0] =	vst v20;
	v13 =	vld.idx.msk [tilespmem:v13+s21+$0x0], $0xffff  }
0x1e5: {  	v45 =	vadd.s32 $0xEA60, v1;
	v60 =	vld.idx.msk [tilespmem:v49+s21+$0x0], $0xffff  }
0x1e6: {  	v12 =	vadd.s32 $0x7530, v12;
	v43 =	vadd.f32 v50, v48;
	v48 =	vadd.f32 v54, v52;
	[tilespmem:s22+$0xFFFFFFE0] =	vst v62;
	v63 =	vld.idx.msk [tilespmem:v51+s21+$0x0], $0xffff  }
0x1e7: {  	v8 =	vadd.s32 $0x11170, v8;
	v41 =	vld.idx.msk [tilespmem:v57+s21+$0x0], $0xffff  }
0x1e8: {  	v16 =	vadd.f32 v39, v37;
	v38 =	vadd.s32 $0x4E20, v7;
	[tilespmem:s22+$0x10] =	vst v48;
	v44 =	vld.idx.msk [tilespmem:v59+s21+$0x0], $0xffff  }
0x1e9: {  	v40 =	vadd.s32 $0xEA60, v2;
	v53 =	vld.idx.msk [tilespmem:v42+s21+$0x0], $0xffff  }
0x1ea: {  	v61 =	vadd.s32 $0x4E20, v9;
	[tilespmem:s23+$0xFFFFFFD0] =	vst v16;
	v54 =	vld.idx.msk [tilespmem:v45+s21+$0x0], $0xffff  }
0x1eb: {  	v36 =	vadd.s32 $0xEA60, v3;
	v12 =	vld.idx.msk [tilespmem:v12+s21+$0x0], $0xffff  }
0x1ec: {  	v47 =	vadd.s32 $0x4E20, v4;
	[tilespmem:s22+$0x0] =	vst v43;
	v8 =	vld.idx.msk [tilespmem:v8+s21+$0x0], $0xffff;
	v15 =	vadd.f32 v46, v18  }
0x1ed: {  	v50 =	vadd.s32 $0xEA60, v0;
	v51 =	vld.idx.msk [tilespmem:v38+s21+$0x0], $0xffff  }
0x1ee: {  	v21 =	vadd.s32 $0x7530, v21;
	v52 =	vadd.f32 v58, v56;
	v18 =	vld.idx.msk [tilespmem:v40+s21+$0x0], $0xffff;
	[tilespmem:s22+$0xFFFFFFF0] =	vst v15  }
0x1ef: {  	v10 =	vadd.s32 $0x11170, v10;
	v46 =	vld.idx.msk [tilespmem:v61+s21+$0x0], $0xffff  }
0x1f0: {  	v11 =	vadd.s32 $0x7530, v11;
	[tilespmem:s22+$0x20] =	vst v52;
	v19 =	vadd.f32 v63, v60;
	v49 =	vld.idx.msk [tilespmem:v36+s21+$0x0], $0xffff  }
0x1f1: {  	v5 =	vadd.s32 $0x11170, v5;
	v55 =	vld.idx.msk [tilespmem:v47+s21+$0x0], $0xffff  }
0x1f2: {  	v7 =	vadd.s32 $0x7530, v7;
	v56 =	vld.idx.msk [tilespmem:v50+s21+$0x0], $0xffff;
	v57 =	vadd.f32 v44, v41;
	[tilespmem:s23+$0xFFFFFFC0] =	vst v19  }
0x1f3: {  	v9 =	vadd.s32 $0x7530, v9;
	v21 =	vld.idx.msk [tilespmem:v21+s21+$0x0], $0xffff  }
0x1f4: {  	v3 =	vadd.s32 $0x11170, v3;
	[tilespmem:s23+$0xFFFFFFE0] =	vst v57;
	v10 =	vld.idx.msk [tilespmem:v10+s21+$0x0], $0xffff;
	v59 =	vadd.f32 v18, v51  }
0x1f5: {  	v6 =	vadd.s32 $0x7530, v6;
	v11 =	vld.idx.msk [tilespmem:v11+s21+$0x0], $0xffff;
	v58 =	vadd.f32 v49, v46  }
0x1f6: {  	v2 =	vadd.s32 $0x11170, v2;
	v60 =	vadd.s32 $0x11170, v1;
	v1 =	vadd.f32 v13, v14;
	v5 =	vld.idx.msk [tilespmem:v5+s21+$0x0], $0xffff;
	[tilespmem:s23+$0x0] =	vst v59  }
0x1f7: {  	s24 =	simm.s32 $0x170C0;
	v63 =	vadd.s32 $0x11170, v0;
	v61 =	vadd.s32 $0x7530, v4;
	v4 =	vadd.f32 v54, v53;
	v0 =	vld.idx.msk [tilespmem:v7+s21+$0x0], $0xffff;
	[tilespmem:s23+$0xFFFFFFF0] =	vst v58  }
0x1f8: {  	[tilespmem:s24+$0x30] =	vst v1;
	v1 =	vadd.f32 v56, v55;
	v9 =	vld.idx.msk [tilespmem:v9+s21+$0x0], $0xffff  }
0x1f9: {  	[tilespmem:s23+$0x10] =	vst v4;
	v62 =	vld.idx.msk [tilespmem:v3+s21+$0x0], $0xffff  }
0x1fa: {  	[tilespmem:s23+$0x20] =	vst v1;
	v1 =	vld.idx.msk [tilespmem:v6+s21+$0x0], $0xffff;
	v4 =	vadd.f32 v10, v21  }
0x1fb: {  	v5 =	vadd.f32 v5, v11;
	v3 =	vld.idx.msk [tilespmem:v2+s21+$0x0], $0xffff  }
0x1fc: {  	v2 =	vadd.f32 v8, v12;
	[tilespmem:s24+$0xFFFFFFC0] =	vst v4;
	v4 =	vld.idx.msk [tilespmem:v60+s21+$0x0], $0xffff  }
0x1fd: {  	[tilespmem:s24+$0xFFFFFFE0] =	vst v5;
	v5 =	vld.idx.msk [tilespmem:v63+s21+$0x0], $0xffff  }
0x1fe: {  	s25 =	simm.s32 $0x0;
	s26 =	simm.s32 $0x14940;
	[tilespmem:s24+$0xFFFFFFD0] =	vst v2;
	v2 =	vld.idx.msk [tilespmem:v61+s21+$0x0], $0xffff;
	v6 =	vadd.f32 v62, v9  }
.LBB2_6:
0x1ff: {  	v20 =	vld [tilespmem:s26+$0x30];
	s19 =	sadd.s32 $0x80, s19  }
0x200: {  	v0 =	vadd.f32 v3, v0;
	v31 =	vld [tilespmem:s19+$0x30];
	[tilespmem:s24+$0xFFFFFFF0] =	vst v6  }
0x201: {  	v3 =	vld [tilespmem:s26+$0xFFFFFFC0]  }
0x202: {  	s25 =	sadd.s32 $0x8, s25;
	v11 =	vld [tilespmem:s26+$0xFFFFFFD0];
	[tilespmem:s24+$0x0] =	vst v0;
	v0 =	vadd.f32 v4, v1  }
0x203: {  	p0 =	slt.u32 s25, $0x78;
	v1 =	vld [tilespmem:s26+$0xFFFFFFE0]  }
0x204: {  	v12 =	vld [tilespmem:s26+$0xFFFFFFF0];
	v4 =	vadd.s32 $0x9C40, v20;
	[tilespmem:s24+$0x10] =	vst v0;
	v0 =	vadd.f32 v5, v2  }
0x205: {  	v15 =	vld [tilespmem:s26+$0x0]  }
0x206: {  	v14 =	vadd.s32 $0x9C40, v3;
	v35 =	vadd.s32 $0xC350, v3;
	v9 =	vadd.s32 $0xEA60, v3;
	v16 =	vld [tilespmem:s26+$0x10];
	[tilespmem:s24+$0x20] =	vst v0  }
0x207: {  	v17 =	vadd.s32 $0x9C40, v11;
	v34 =	vadd.s32 $0xC350, v11;
	v10 =	vadd.s32 $0xEA60, v11;
	v36 =	vld [tilespmem:s26+$0x20]  }
0x208: {  	v18 =	vadd.s32 $0x9C40, v1;
	v26 =	vadd.s32 $0xC350, v1;
	v8 =	vadd.s32 $0xEA60, v1;
	v13 =	vld.idx.msk [tilespmem:v31+s21+$0x0], $0xffff  }
0x209: {  	v19 =	vadd.s32 $0x9C40, v12;
	v24 =	vadd.s32 $0xC350, v12;
	v7 =	vadd.s32 $0xEA60, v12;
	v23 =	vld.idx.msk [tilespmem:v4+s21+$0x0], $0xffff  }
0x20a: {  	v37 =	vld [tilespmem:s19+$0xFFFFFFD0];
	v38 =	vadd.s32 $0x9C40, v15;
	v25 =	vadd.s32 $0xC350, v15;
	v6 =	vadd.s32 $0xEA60, v15  }
0x20b: {  	v39 =	vld [tilespmem:s19+$0xFFFFFFE0];
	v40 =	vadd.s32 $0x9C40, v16;
	v22 =	vadd.s32 $0xC350, v16;
	v5 =	vadd.s32 $0xEA60, v16  }
0x20c: {  	v41 =	vld [tilespmem:s19+$0xFFFFFFF0];
	v42 =	vadd.s32 $0x9C40, v36;
	v21 =	vadd.s32 $0xC350, v36;
	v4 =	vadd.s32 $0xEA60, v36  }
0x20d: {  	v3 =	vadd.s32 $0x11170, v3;
	v2 =	vadd.s32 $0x11170, v11;
	v11 =	vadd.s32 $0x2710, v31;
	v43 =	vld [tilespmem:s19+$0x0]  }
0x20e: {  	v28 =	vadd.s32 $0xC350, v20;
	v1 =	vadd.s32 $0x11170, v1;
	v0 =	vadd.s32 $0x11170, v12;
	v44 =	vld [tilespmem:s19+$0x10]  }
0x20f: {  	v12 =	vadd.f32 v23, v13;
	v45 =	vadd.s32 $0x2710, v37;
	v29 =	vadd.s32 $0x4E20, v37;
	v46 =	vld [tilespmem:s19+$0x20]  }
0x210: {  	s20 =	sadd.s32 $0x80, s20;
	v13 =	vadd.s32 $0x7530, v37;
	v47 =	vld [tilespmem:s19+$0xFFFFFFC0];
	v48 =	vadd.s32 $0x2710, v39;
	v32 =	vadd.s32 $0x4E20, v39  }
0x211: {  	v49 =	vld.idx.msk [tilespmem:v14+s21+$0x0], $0xffff;
	v14 =	vadd.s32 $0x7530, v39;
	v50 =	vadd.s32 $0x2710, v41;
	v33 =	vadd.s32 $0x4E20, v41;
	[tilespmem:s20+$0x30] =	vst v12  }
0x212: {  	v12 =	vadd.s32 $0x7530, v41;
	v51 =	vadd.s32 $0x2710, v43;
	v30 =	vadd.s32 $0x4E20, v43;
	v52 =	vld.idx.msk [tilespmem:v11+s21+$0x0], $0xffff  }
0x213: {  	v11 =	vadd.s32 $0x7530, v43;
	v53 =	vadd.s32 $0x2710, v44;
	v27 =	vadd.s32 $0x4E20, v44;
	v54 =	vld.idx.msk [tilespmem:v28+s21+$0x0], $0xffff  }
0x214: {  	v15 =	vadd.s32 $0x11170, v15;
	v55 =	vld.idx.msk [tilespmem:v17+s21+$0x0], $0xffff;
	v56 =	vadd.s32 $0x2710, v46;
	v28 =	vadd.s32 $0x4E20, v46  }
0x215: {  	v57 =	vadd.s32 $0x2710, v47;
	v58 =	vadd.s32 $0x4E20, v47;
	v23 =	vadd.s32 $0x7530, v47;
	v59 =	vld.idx.msk [tilespmem:v18+s21+$0x0], $0xffff  }
0x216: {  	v17 =	vadd.s32 $0x7530, v46;
	v18 =	vadd.s32 $0x11170, v16;
	v60 =	vld.idx.msk [tilespmem:v19+s21+$0x0], $0xffff;
	v19 =	vadd.s32 $0x7530, v44  }
0x217: {  	v16 =	vadd.s32 $0x11170, v36;
	v36 =	vadd.s32 $0x4E20, v31;
	v38 =	vld.idx.msk [tilespmem:v38+s21+$0x0], $0xffff  }
0x218: {  	v61 =	vadd.s32 $0xEA60, v20;
	v40 =	vld.idx.msk [tilespmem:v40+s21+$0x0], $0xffff  }
0x219: {  	v52 =	vadd.f32 v54, v52;
	v42 =	vld.idx.msk [tilespmem:v42+s21+$0x0], $0xffff  }
0x21a: {  	s22 =	sadd.s32 $0x80, s22;
	v47 =	vld.idx.msk [tilespmem:v47+s21+$0x0], $0xffff  }
0x21b: {  	v37 =	vld.idx.msk [tilespmem:v37+s21+$0x0], $0xffff;
	[tilespmem:s22+$0x30] =	vst v52  }
0x21c: {  	v36 =	vld.idx.msk [tilespmem:v36+s21+$0x0], $0xffff  }
0x21d: {  	v52 =	vld.idx.msk [tilespmem:v61+s21+$0x0], $0xffff  }
0x21e: {  	v39 =	vld.idx.msk [tilespmem:v39+s21+$0x0], $0xffff  }
0x21f: {  	v41 =	vld.idx.msk [tilespmem:v41+s21+$0x0], $0xffff  }
0x220: {  	v47 =	vadd.f32 v49, v47;
	v43 =	vld.idx.msk [tilespmem:v43+s21+$0x0], $0xffff  }
0x221: {  	v31 =	vadd.s32 $0x7530, v31;
	v37 =	vadd.f32 v55, v37;
	v44 =	vld.idx.msk [tilespmem:v44+s21+$0x0], $0xffff  }
0x222: {  	v20 =	vadd.s32 $0x11170, v20;
	[tilespmem:s20+$0xFFFFFFC0] =	vst v47;
	v46 =	vld.idx.msk [tilespmem:v46+s21+$0x0], $0xffff  }
0x223: {  	v36 =	vadd.f32 v52, v36;
	v47 =	vld.idx.msk [tilespmem:v57+s21+$0x0], $0xffff;
	[tilespmem:s20+$0xFFFFFFD0] =	vst v37  }
0x224: {  	s23 =	sadd.s32 $0x80, s23;
	v37 =	vadd.f32 v59, v39;
	v35 =	vld.idx.msk [tilespmem:v35+s21+$0x0], $0xffff  }
0x225: {  	v41 =	vadd.f32 v60, v41;
	v39 =	vld.idx.msk [tilespmem:v45+s21+$0x0], $0xffff;
	[tilespmem:s23+$0x30] =	vst v36  }
0x226: {  	v36 =	vadd.f32 v38, v43;
	[tilespmem:s20+$0xFFFFFFE0] =	vst v37;
	v31 =	vld.idx.msk [tilespmem:v31+s21+$0x0], $0xffff  }
0x227: {  	v37 =	vadd.f32 v40, v44;
	[tilespmem:s20+$0xFFFFFFF0] =	vst v41;
	v20 =	vld.idx.msk [tilespmem:v20+s21+$0x0], $0xffff  }
0x228: {  	v34 =	vld.idx.msk [tilespmem:v34+s21+$0x0], $0xffff;
	[tilespmem:s20+$0x0] =	vst v36;
	v36 =	vadd.f32 v42, v46  }
0x229: {  	v38 =	vld.idx.msk [tilespmem:v48+s21+$0x0], $0xffff;
	[tilespmem:s20+$0x10] =	vst v37  }
0x22a: {  	v35 =	vadd.f32 v35, v47;
	v26 =	vld.idx.msk [tilespmem:v26+s21+$0x0], $0xffff;
	[tilespmem:s20+$0x20] =	vst v36  }
0x22b: {  	v36 =	vld.idx.msk [tilespmem:v50+s21+$0x0], $0xffff  }
0x22c: {  	[tilespmem:s22+$0xFFFFFFC0] =	vst v35;
	v24 =	vld.idx.msk [tilespmem:v24+s21+$0x0], $0xffff  }
0x22d: {  	v20 =	vadd.f32 v20, v31;
	v35 =	vld.idx.msk [tilespmem:v51+s21+$0x0], $0xffff  }
0x22e: {  	s24 =	sadd.s32 $0x80, s24;
	v31 =	vadd.f32 v34, v39;
	v25 =	vld.idx.msk [tilespmem:v25+s21+$0x0], $0xffff  }
0x22f: {  	v34 =	vld.idx.msk [tilespmem:v53+s21+$0x0], $0xffff;
	[tilespmem:s24+$0x30] =	vst v20  }
0x230: {  	v20 =	vadd.f32 v26, v38;
	[tilespmem:s22+$0xFFFFFFD0] =	vst v31;
	v22 =	vld.idx.msk [tilespmem:v22+s21+$0x0], $0xffff  }
0x231: {  	v26 =	vld.idx.msk [tilespmem:v56+s21+$0x0], $0xffff  }
0x232: {  	[tilespmem:s22+$0xFFFFFFE0] =	vst v20;
	v20 =	vadd.f32 v24, v36;
	v21 =	vld.idx.msk [tilespmem:v21+s21+$0x0], $0xffff  }
0x233: {  	v24 =	vld.idx.msk [tilespmem:v58+s21+$0x0], $0xffff  }
0x234: {  	v9 =	vld.idx.msk [tilespmem:v9+s21+$0x0], $0xffff;
	[tilespmem:s22+$0xFFFFFFF0] =	vst v20;
	v20 =	vadd.f32 v25, v35  }
0x235: {  	v25 =	vld.idx.msk [tilespmem:v29+s21+$0x0], $0xffff  }
0x236: {  	v10 =	vld.idx.msk [tilespmem:v10+s21+$0x0], $0xffff;
	[tilespmem:s22+$0x0] =	vst v20;
	v20 =	vadd.f32 v22, v34  }
0x237: {  	v22 =	vld.idx.msk [tilespmem:v32+s21+$0x0], $0xffff  }
0x238: {  	v8 =	vld.idx.msk [tilespmem:v8+s21+$0x0], $0xffff;
	[tilespmem:s22+$0x10] =	vst v20;
	v20 =	vadd.f32 v21, v26  }
0x239: {  	v21 =	vld.idx.msk [tilespmem:v33+s21+$0x0], $0xffff  }
0x23a: {  	v9 =	vadd.f32 v9, v24;
	v7 =	vld.idx.msk [tilespmem:v7+s21+$0x0], $0xffff;
	[tilespmem:s22+$0x20] =	vst v20  }
0x23b: {  	v20 =	vld.idx.msk [tilespmem:v30+s21+$0x0], $0xffff  }
0x23c: {  	[tilespmem:s23+$0xFFFFFFC0] =	vst v9;
	v9 =	vadd.f32 v10, v25;
	v6 =	vld.idx.msk [tilespmem:v6+s21+$0x0], $0xffff  }
0x23d: {  	v10 =	vld.idx.msk [tilespmem:v27+s21+$0x0], $0xffff  }
0x23e: {  	v8 =	vadd.f32 v8, v22;
	[tilespmem:s23+$0xFFFFFFD0] =	vst v9;
	v5 =	vld.idx.msk [tilespmem:v5+s21+$0x0], $0xffff  }
0x23f: {  	v9 =	vld.idx.msk [tilespmem:v28+s21+$0x0], $0xffff  }
0x240: {  	v7 =	vadd.f32 v7, v21;
	[tilespmem:s23+$0xFFFFFFE0] =	vst v8;
	v4 =	vld.idx.msk [tilespmem:v4+s21+$0x0], $0xffff  }
0x241: {  	v8 =	vld.idx.msk [tilespmem:v23+s21+$0x0], $0xffff  }
0x242: {  	v6 =	vadd.f32 v6, v20;
	v3 =	vld.idx.msk [tilespmem:v3+s21+$0x0], $0xffff;
	[tilespmem:s23+$0xFFFFFFF0] =	vst v7  }
0x243: {  	v7 =	vld.idx.msk [tilespmem:v13+s21+$0x0], $0xffff  }
0x244: {  	v5 =	vadd.f32 v5, v10;
	v2 =	vld.idx.msk [tilespmem:v2+s21+$0x0], $0xffff;
	[tilespmem:s23+$0x0] =	vst v6  }
0x245: {  	v6 =	vld.idx.msk [tilespmem:v14+s21+$0x0], $0xffff  }
0x246: {  	v10 =	vld.idx.msk [tilespmem:v1+s21+$0x0], $0xffff;
	[tilespmem:s23+$0x10] =	vst v5;
	v1 =	vadd.f32 v4, v9  }
0x247: {  	v5 =	vld.idx.msk [tilespmem:v12+s21+$0x0], $0xffff  }
0x248: {  	v3 =	vadd.f32 v3, v8;
	v8 =	vld.idx.msk [tilespmem:v0+s21+$0x0], $0xffff;
	[tilespmem:s23+$0x20] =	vst v1  }
0x249: {  	v0 =	vld.idx.msk [tilespmem:v11+s21+$0x0], $0xffff  }
.Ltmp2:
0x24a: {  	v2 =	vadd.f32 v2, v7;
	[tilespmem:s24+$0xFFFFFFC0] =	vst v3;
	v3 =	vld.idx.msk [tilespmem:v15+s21+$0x0], $0xffff;
	(pc) =	sbr.rel @p0 .LBB2_6-.Ltmp2, $4  }
0x24b: {  	v1 =	vld.idx.msk [tilespmem:v19+s21+$0x0], $0xffff  }
0x24c: {  	v6 =	vadd.f32 v10, v6;
	[tilespmem:s24+$0xFFFFFFD0] =	vst v2;
	v4 =	vld.idx.msk [tilespmem:v18+s21+$0x0], $0xffff  }
0x24d: {  	v2 =	vld.idx.msk [tilespmem:v17+s21+$0x0], $0xffff  }
0x24e: {  	s26 =	sadd.s32 $0x80, s26;
	[tilespmem:s24+$0xFFFFFFE0] =	vst v6;
	v6 =	vadd.f32 v8, v5;
	v5 =	vld.idx.msk [tilespmem:v16+s21+$0x0], $0xffff  }
0x24f: {  	_ =	sdelay $0x1  }
0x250: {  	v0 =	vadd.f32 v3, v0  }
0x251: {  	[tilespmem:s24+$0xFFFFFFF0] =	vst v6;
	v1 =	vadd.f32 v4, v1  }
0x252: {  	[tilespmem:s24+$0x0] =	vst v0;
	v0 =	vadd.f32 v5, v2  }
0x253: {  	[tilespmem:s24+$0x10] =	vst v1  }
0x254: {  	[tilespmem:s24+$0x20] =	vst v0  }
0x255: {  	s19 =	rddreg [dreg:$0xf]  }
0x256: {  	[hbm4b:s19+s4] =	stream.strided.scatter [tilespmem:s11], [sflag:$0x3], $0x800, s5, s4, $0x38;
	[tilespmem:$0x19880] =	vst v63  }
0x257: {  	s24 =	rddreg [dreg:$0x10]  }
0x258: {  	[hbm4b:s24+s4] =	stream.strided.scatter [tilespmem:s12], [sflag:$0x3], $0x800, s5, s4, $0x38;
	[tilespmem:$0x19880] =	vst v63  }
0x259: {  	_ = 	snop  }
0x25a: {  	[hbm4b:s1+s4] =	stream.strided.scatter [tilespmem:s13], [sflag:$0x3], $0x800, s5, s4, $0x38;
	[tilespmem:$0x19880] =	vst v63  }
0x25b: {  	_ = 	snop  }
0x25c: {  	[hbm4b:s0+s4] =	stream.strided.scatter [tilespmem:s14], [sflag:$0x3], $0x800, s5, s4, $0x38;
	[tilespmem:$0x19880] =	vst v63  }
0x25d: {  	_ =	swait.ge [sflag:s15], $0x800  }
0x25e: {  	[sflag:s15] =	ssyncset.done $0x0  }
0x25f: {  	[sflag:s15] =	ssyncadd.s32 $0xFFFFF800  }
0x260: {  	_ =	swait.ge [sflag:s15], $0x800  }
0x261: {  	[sflag:s15] =	ssyncset.done $0x0  }
0x262: {  	s25 =	rddreg [dreg:$0x11];
	[sflag:s15] =	ssyncadd.s32 $0xFFFFF800  }
0x263: {  	[tilespmem:s7], [sflag:$0x1] =	stream.strided.gather [hbm4b:s25+s4], $0x800, s5, s4, $0x38;
	[tilespmem:$0x19880] =	vst v63  }
0x264: {  	s26 =	rddreg [dreg:$0x12]  }
0x265: {  	[tilespmem:s8], [sflag:$0x1] =	stream.strided.gather [hbm4b:s26+s4], $0x800, s5, s4, $0x38;
	[tilespmem:$0x19880] =	vst v63  }
0x266: {  	_ =	swait.ge [sflag:s17], $0x800  }
0x267: {  	[sflag:s17] =	ssyncset.done $0x0  }
0x268: {  	[sflag:s17] =	ssyncadd.s32 $0xFFFFF800  }
0x269: {  	_ =	swait.ge [sflag:s17], $0x800  }
0x26a: {  	[sflag:s17] =	ssyncset.done $0x0  }
0x26b: {  	[sflag:s17] =	ssyncadd.s32 $0xFFFFF800  }
0x26c: {  	_ =	swait.ge [sflag:s17], $0x800  }
0x26d: {  	[sflag:s17] =	ssyncset.done $0x0  }
0x26e: {  	[sflag:s17] =	ssyncadd.s32 $0xFFFFF800  }
0x26f: {  	_ =	swait.ge [sflag:s17], $0x800  }
0x270: {  	[sflag:s17] =	ssyncset.done $0x0  }
0x271: {  	s20 =	simm.s32 $0x150C0;
	[sflag:s17] =	ssyncadd.s32 $0xFFFFF800  }
0x272: {  	s19 =	simm.s32 $0x140C0;
	v13 =	vld [tilespmem:s20+$0x30]  }
0x273: {  	v14 =	vld [tilespmem:s19+$0x30]  }
0x274: {  	v10 =	vld [tilespmem:s20+$0xFFFFFFC0]  }
0x275: {  	v8 =	vld [tilespmem:s20+$0xFFFFFFD0]  }
0x276: {  	v5 =	vld [tilespmem:s20+$0xFFFFFFE0]  }
0x277: {  	v3 =	vld [tilespmem:s20+$0xFFFFFFF0]  }
0x278: {  	v2 =	vld [tilespmem:s20+$0x0]  }
0x279: {  	v1 =	vld [tilespmem:s20+$0x10]  }
0x27a: {  	v21 =	vld [tilespmem:s19+$0xFFFFFFC0]  }
0x27b: {  	v12 =	vld [tilespmem:s19+$0xFFFFFFD0]  }
0x27c: {  	v11 =	vld [tilespmem:s19+$0xFFFFFFE0]  }
0x27d: {  	v9 =	vld [tilespmem:s19+$0xFFFFFFF0]  }
0x27e: {  	v7 =	vld [tilespmem:s19+$0x0]  }
0x27f: {  	v6 =	vld [tilespmem:s19+$0x10]  }
0x280: {  	v0 =	vld [tilespmem:s20+$0x20]  }
0x281: {  	v15 =	vld.idx.msk [tilespmem:v14+s21+$0x0], $0xffff  }
0x282: {  	v57 =	vld.idx.msk [tilespmem:v21+s21+$0x0], $0xffff  }
0x283: {  	v4 =	vadd.s32 $0x9C40, v13;
	v27 =	vld.idx.msk [tilespmem:v12+s21+$0x0], $0xffff  }
0x284: {  	v28 =	vld.idx.msk [tilespmem:v11+s21+$0x0], $0xffff  }
0x285: {  	v17 =	vadd.s32 $0x9C40, v10;
	v30 =	vld.idx.msk [tilespmem:v9+s21+$0x0], $0xffff  }
0x286: {  	v20 =	vadd.s32 $0x9C40, v8;
	v60 =	vld.idx.msk [tilespmem:v7+s21+$0x0], $0xffff  }
0x287: {  	v22 =	vadd.s32 $0x9C40, v3;
	v32 =	vld.idx.msk [tilespmem:v6+s21+$0x0], $0xffff  }
0x288: {  	v23 =	vadd.s32 $0x9C40, v1;
	v16 =	vld.idx.msk [tilespmem:v4+s21+$0x0], $0xffff  }
0x289: {  	v24 =	vadd.s32 $0x9C40, v0;
	v4 =	vld [tilespmem:s19+$0x20]  }
0x28a: {  	v55 =	vadd.s32 $0x9C40, v5;
	v17 =	vld.idx.msk [tilespmem:v17+s21+$0x0], $0xffff  }
0x28b: {  	v56 =	vadd.s32 $0x9C40, v2;
	v20 =	vld.idx.msk [tilespmem:v20+s21+$0x0], $0xffff  }
0x28c: {  	v18 =	vadd.s32 $0x2710, v14;
	v22 =	vld.idx.msk [tilespmem:v22+s21+$0x0], $0xffff  }
0x28d: {  	v19 =	vadd.s32 $0xC350, v13;
	v23 =	vld.idx.msk [tilespmem:v23+s21+$0x0], $0xffff  }
0x28e: {  	v24 =	vld.idx.msk [tilespmem:v24+s21+$0x0], $0xffff;
	v15 =	vadd.f32 v16, v15  }
0x28f: {  	s20 =	simm.s32 $0x178C0;
	v29 =	vadd.s32 $0xC350, v10;
	v16 =	vld.idx.msk [tilespmem:v55+s21+$0x0], $0xffff  }
0x290: {  	v31 =	vadd.s32 $0x2710, v12;
	[tilespmem:s20+$0x30] =	vst v15;
	v15 =	vld.idx.msk [tilespmem:v56+s21+$0x0], $0xffff  }
0x291: {  	v62 =	vadd.s32 $0xC350, v8;
	v17 =	vadd.f32 v17, v57;
	v18 =	vld.idx.msk [tilespmem:v18+s21+$0x0], $0xffff  }
0x292: {  	v39 =	vadd.s32 $0xC350, v3;
	v20 =	vadd.f32 v20, v27;
	v19 =	vld.idx.msk [tilespmem:v19+s21+$0x0], $0xffff  }
0x293: {  	v42 =	vadd.s32 $0x2710, v6;
	[tilespmem:s20+$0xFFFFFFC0] =	vst v17;
	v61 =	vld.idx.msk [tilespmem:v4+s21+$0x0], $0xffff  }
0x294: {  	v44 =	vadd.s32 $0xC350, v1;
	v22 =	vadd.f32 v22, v30;
	[tilespmem:s20+$0xFFFFFFD0] =	vst v20;
	v36 =	vld.idx.msk [tilespmem:v29+s21+$0x0], $0xffff  }
0x295: {  	v37 =	vadd.s32 $0xC350, v5;
	v23 =	vadd.f32 v23, v32;
	v31 =	vld.idx.msk [tilespmem:v31+s21+$0x0], $0xffff  }
0x296: {  	v33 =	vadd.s32 $0x2710, v7;
	[tilespmem:s20+$0xFFFFFFF0] =	vst v22;
	v40 =	vld.idx.msk [tilespmem:v62+s21+$0x0], $0xffff  }
0x297: {  	v41 =	vadd.s32 $0xC350, v2;
	[tilespmem:s20+$0x10] =	vst v23;
	v46 =	vld.idx.msk [tilespmem:v39+s21+$0x0], $0xffff;
	v16 =	vadd.f32 v16, v28  }
0x298: {  	v25 =	vadd.s32 $0x4E20, v14;
	v52 =	vld.idx.msk [tilespmem:v42+s21+$0x0], $0xffff;
	v15 =	vadd.f32 v15, v60  }
0x299: {  	v26 =	vadd.s32 $0xEA60, v13;
	v54 =	vld.idx.msk [tilespmem:v44+s21+$0x0], $0xffff;
	[tilespmem:s20+$0xFFFFFFE0] =	vst v16  }
0x29a: {  	v59 =	vadd.s32 $0x2710, v21;
	v18 =	vadd.f32 v19, v18;
	v43 =	vld.idx.msk [tilespmem:v37+s21+$0x0], $0xffff;
	[tilespmem:s20+$0x0] =	vst v15  }
0x29b: {  	s22 =	simm.s32 $0x180C0;
	v63 =	vadd.s32 $0x2710, v11;
	v48 =	vld.idx.msk [tilespmem:v33+s21+$0x0], $0xffff  }
0x29c: {  	v45 =	vadd.s32 $0x2710, v4;
	[tilespmem:s22+$0x30] =	vst v18;
	v50 =	vld.idx.msk [tilespmem:v41+s21+$0x0], $0xffff  }
0x29d: {  	v53 =	vadd.s32 $0x4E20, v12;
	v18 =	vld.idx.msk [tilespmem:v25+s21+$0x0], $0xffff  }
0x29e: {  	v55 =	vadd.s32 $0xEA60, v8;
	v17 =	vadd.f32 v24, v61;
	v58 =	vld.idx.msk [tilespmem:v26+s21+$0x0], $0xffff  }
0x29f: {  	v47 =	vadd.s32 $0xC350, v0;
	v16 =	vadd.f32 v40, v31;
	v26 =	vld.idx.msk [tilespmem:v59+s21+$0x0], $0xffff  }
0x2a0: {  	v38 =	vadd.s32 $0x2710, v9;
	[tilespmem:s20+$0x20] =	vst v17;
	v25 =	vld.idx.msk [tilespmem:v63+s21+$0x0], $0xffff  }
0x2a1: {  	v14 =	vadd.s32 $0x7530, v14;
	[tilespmem:s22+$0xFFFFFFD0] =	vst v16;
	v56 =	vld.idx.msk [tilespmem:v45+s21+$0x0], $0xffff  }
0x2a2: {  	v13 =	vadd.s32 $0x11170, v13;
	v37 =	vld.idx.msk [tilespmem:v53+s21+$0x0], $0xffff  }
0x2a3: {  	v49 =	vadd.s32 $0x4E20, v21;
	v39 =	vld.idx.msk [tilespmem:v55+s21+$0x0], $0xffff;
	v18 =	vadd.f32 v58, v18  }
0x2a4: {  	s23 =	simm.s32 $0x188C0;
	v51 =	vadd.s32 $0xEA60, v10;
	v58 =	vld.idx.msk [tilespmem:v47+s21+$0x0], $0xffff  }
0x2a5: {  	v57 =	vadd.s32 $0x4E20, v11;
	v20 =	vadd.f32 v36, v26;
	[tilespmem:s23+$0x30] =	vst v18;
	v18 =	vld.idx.msk [tilespmem:v38+s21+$0x0], $0xffff  }
0x2a6: {  	v59 =	vadd.s32 $0xEA60, v5;
	v14 =	vld.idx.msk [tilespmem:v14+s21+$0x0], $0xffff  }
0x2a7: {  	v42 =	vadd.s32 $0x4E20, v6;
	v62 =	vadd.f32 v43, v25;
	[tilespmem:s22+$0xFFFFFFC0] =	vst v20;
	v13 =	vld.idx.msk [tilespmem:v13+s21+$0x0], $0xffff  }
0x2a8: {  	v45 =	vadd.s32 $0xEA60, v1;
	v60 =	vld.idx.msk [tilespmem:v49+s21+$0x0], $0xffff  }
0x2a9: {  	v12 =	vadd.s32 $0x7530, v12;
	v43 =	vadd.f32 v50, v48;
	v48 =	vadd.f32 v54, v52;
	[tilespmem:s22+$0xFFFFFFE0] =	vst v62;
	v63 =	vld.idx.msk [tilespmem:v51+s21+$0x0], $0xffff  }
0x2aa: {  	v8 =	vadd.s32 $0x11170, v8;
	v41 =	vld.idx.msk [tilespmem:v57+s21+$0x0], $0xffff  }
0x2ab: {  	v16 =	vadd.f32 v39, v37;
	v38 =	vadd.s32 $0x4E20, v7;
	[tilespmem:s22+$0x10] =	vst v48;
	v44 =	vld.idx.msk [tilespmem:v59+s21+$0x0], $0xffff  }
0x2ac: {  	v40 =	vadd.s32 $0xEA60, v2;
	v53 =	vld.idx.msk [tilespmem:v42+s21+$0x0], $0xffff  }
0x2ad: {  	v61 =	vadd.s32 $0x4E20, v9;
	[tilespmem:s23+$0xFFFFFFD0] =	vst v16;
	v54 =	vld.idx.msk [tilespmem:v45+s21+$0x0], $0xffff  }
0x2ae: {  	v36 =	vadd.s32 $0xEA60, v3;
	v12 =	vld.idx.msk [tilespmem:v12+s21+$0x0], $0xffff  }
0x2af: {  	v47 =	vadd.s32 $0x4E20, v4;
	[tilespmem:s22+$0x0] =	vst v43;
	v8 =	vld.idx.msk [tilespmem:v8+s21+$0x0], $0xffff;
	v15 =	vadd.f32 v46, v18  }
0x2b0: {  	v50 =	vadd.s32 $0xEA60, v0;
	v51 =	vld.idx.msk [tilespmem:v38+s21+$0x0], $0xffff  }
0x2b1: {  	v21 =	vadd.s32 $0x7530, v21;
	v52 =	vadd.f32 v58, v56;
	v18 =	vld.idx.msk [tilespmem:v40+s21+$0x0], $0xffff;
	[tilespmem:s22+$0xFFFFFFF0] =	vst v15  }
0x2b2: {  	v10 =	vadd.s32 $0x11170, v10;
	v46 =	vld.idx.msk [tilespmem:v61+s21+$0x0], $0xffff  }
0x2b3: {  	v11 =	vadd.s32 $0x7530, v11;
	[tilespmem:s22+$0x20] =	vst v52;
	v19 =	vadd.f32 v63, v60;
	v49 =	vld.idx.msk [tilespmem:v36+s21+$0x0], $0xffff  }
0x2b4: {  	v5 =	vadd.s32 $0x11170, v5;
	v55 =	vld.idx.msk [tilespmem:v47+s21+$0x0], $0xffff  }
0x2b5: {  	v7 =	vadd.s32 $0x7530, v7;
	v56 =	vld.idx.msk [tilespmem:v50+s21+$0x0], $0xffff;
	v57 =	vadd.f32 v44, v41;
	[tilespmem:s23+$0xFFFFFFC0] =	vst v19  }
0x2b6: {  	v9 =	vadd.s32 $0x7530, v9;
	v21 =	vld.idx.msk [tilespmem:v21+s21+$0x0], $0xffff  }
0x2b7: {  	v3 =	vadd.s32 $0x11170, v3;
	[tilespmem:s23+$0xFFFFFFE0] =	vst v57;
	v10 =	vld.idx.msk [tilespmem:v10+s21+$0x0], $0xffff;
	v59 =	vadd.f32 v18, v51  }
0x2b8: {  	v6 =	vadd.s32 $0x7530, v6;
	v11 =	vld.idx.msk [tilespmem:v11+s21+$0x0], $0xffff;
	v58 =	vadd.f32 v49, v46  }
0x2b9: {  	v2 =	vadd.s32 $0x11170, v2;
	v60 =	vadd.s32 $0x11170, v1;
	v1 =	vadd.f32 v13, v14;
	v5 =	vld.idx.msk [tilespmem:v5+s21+$0x0], $0xffff;
	[tilespmem:s23+$0x0] =	vst v59  }
0x2ba: {  	s24 =	simm.s32 $0x190C0;
	v63 =	vadd.s32 $0x11170, v0;
	v61 =	vadd.s32 $0x7530, v4;
	v4 =	vadd.f32 v54, v53;
	v0 =	vld.idx.msk [tilespmem:v7+s21+$0x0], $0xffff;
	[tilespmem:s23+$0xFFFFFFF0] =	vst v58  }
0x2bb: {  	[tilespmem:s24+$0x30] =	vst v1;
	v1 =	vadd.f32 v56, v55;
	v9 =	vld.idx.msk [tilespmem:v9+s21+$0x0], $0xffff  }
0x2bc: {  	[tilespmem:s23+$0x10] =	vst v4;
	v62 =	vld.idx.msk [tilespmem:v3+s21+$0x0], $0xffff  }
0x2bd: {  	[tilespmem:s23+$0x20] =	vst v1;
	v1 =	vld.idx.msk [tilespmem:v6+s21+$0x0], $0xffff;
	v4 =	vadd.f32 v10, v21  }
0x2be: {  	v5 =	vadd.f32 v5, v11;
	v3 =	vld.idx.msk [tilespmem:v2+s21+$0x0], $0xffff  }
0x2bf: {  	v2 =	vadd.f32 v8, v12;
	[tilespmem:s24+$0xFFFFFFC0] =	vst v4;
	v4 =	vld.idx.msk [tilespmem:v60+s21+$0x0], $0xffff  }
0x2c0: {  	[tilespmem:s24+$0xFFFFFFE0] =	vst v5;
	v5 =	vld.idx.msk [tilespmem:v63+s21+$0x0], $0xffff  }
0x2c1: {  	s25 =	simm.s32 $0x0;
	s26 =	simm.s32 $0x15140;
	[tilespmem:s24+$0xFFFFFFD0] =	vst v2;
	v2 =	vld.idx.msk [tilespmem:v61+s21+$0x0], $0xffff;
	v6 =	vadd.f32 v62, v9  }
.LBB2_8:
0x2c2: {  	v20 =	vld [tilespmem:s26+$0x30];
	s19 =	sadd.s32 $0x80, s19  }
0x2c3: {  	v0 =	vadd.f32 v3, v0;
	v31 =	vld [tilespmem:s19+$0x30];
	[tilespmem:s24+$0xFFFFFFF0] =	vst v6  }
0x2c4: {  	v3 =	vld [tilespmem:s26+$0xFFFFFFC0]  }
0x2c5: {  	s25 =	sadd.s32 $0x8, s25;
	v11 =	vld [tilespmem:s26+$0xFFFFFFD0];
	[tilespmem:s24+$0x0] =	vst v0;
	v0 =	vadd.f32 v4, v1  }
0x2c6: {  	p0 =	slt.u32 s25, $0x78;
	v1 =	vld [tilespmem:s26+$0xFFFFFFE0]  }
0x2c7: {  	v12 =	vld [tilespmem:s26+$0xFFFFFFF0];
	v4 =	vadd.s32 $0x9C40, v20;
	[tilespmem:s24+$0x10] =	vst v0;
	v0 =	vadd.f32 v5, v2  }
0x2c8: {  	v15 =	vld [tilespmem:s26+$0x0]  }
0x2c9: {  	v14 =	vadd.s32 $0x9C40, v3;
	v35 =	vadd.s32 $0xC350, v3;
	v9 =	vadd.s32 $0xEA60, v3;
	v16 =	vld [tilespmem:s26+$0x10];
	[tilespmem:s24+$0x20] =	vst v0  }
0x2ca: {  	v17 =	vadd.s32 $0x9C40, v11;
	v34 =	vadd.s32 $0xC350, v11;
	v10 =	vadd.s32 $0xEA60, v11;
	v36 =	vld [tilespmem:s26+$0x20]  }
0x2cb: {  	v18 =	vadd.s32 $0x9C40, v1;
	v26 =	vadd.s32 $0xC350, v1;
	v8 =	vadd.s32 $0xEA60, v1;
	v13 =	vld.idx.msk [tilespmem:v31+s21+$0x0], $0xffff  }
0x2cc: {  	v19 =	vadd.s32 $0x9C40, v12;
	v24 =	vadd.s32 $0xC350, v12;
	v7 =	vadd.s32 $0xEA60, v12;
	v23 =	vld.idx.msk [tilespmem:v4+s21+$0x0], $0xffff  }
0x2cd: {  	v37 =	vld [tilespmem:s19+$0xFFFFFFD0];
	v38 =	vadd.s32 $0x9C40, v15;
	v25 =	vadd.s32 $0xC350, v15;
	v6 =	vadd.s32 $0xEA60, v15  }
0x2ce: {  	v39 =	vld [tilespmem:s19+$0xFFFFFFE0];
	v40 =	vadd.s32 $0x9C40, v16;
	v22 =	vadd.s32 $0xC350, v16;
	v5 =	vadd.s32 $0xEA60, v16  }
0x2cf: {  	v41 =	vld [tilespmem:s19+$0xFFFFFFF0];
	v42 =	vadd.s32 $0x9C40, v36;
	v21 =	vadd.s32 $0xC350, v36;
	v4 =	vadd.s32 $0xEA60, v36  }
0x2d0: {  	v3 =	vadd.s32 $0x11170, v3;
	v2 =	vadd.s32 $0x11170, v11;
	v11 =	vadd.s32 $0x2710, v31;
	v43 =	vld [tilespmem:s19+$0x0]  }
0x2d1: {  	v28 =	vadd.s32 $0xC350, v20;
	v1 =	vadd.s32 $0x11170, v1;
	v0 =	vadd.s32 $0x11170, v12;
	v44 =	vld [tilespmem:s19+$0x10]  }
0x2d2: {  	v12 =	vadd.f32 v23, v13;
	v45 =	vadd.s32 $0x2710, v37;
	v29 =	vadd.s32 $0x4E20, v37;
	v46 =	vld [tilespmem:s19+$0x20]  }
0x2d3: {  	s20 =	sadd.s32 $0x80, s20;
	v13 =	vadd.s32 $0x7530, v37;
	v47 =	vld [tilespmem:s19+$0xFFFFFFC0];
	v48 =	vadd.s32 $0x2710, v39;
	v32 =	vadd.s32 $0x4E20, v39  }
0x2d4: {  	v49 =	vld.idx.msk [tilespmem:v14+s21+$0x0], $0xffff;
	v14 =	vadd.s32 $0x7530, v39;
	v50 =	vadd.s32 $0x2710, v41;
	v33 =	vadd.s32 $0x4E20, v41;
	[tilespmem:s20+$0x30] =	vst v12  }
0x2d5: {  	v12 =	vadd.s32 $0x7530, v41;
	v51 =	vadd.s32 $0x2710, v43;
	v30 =	vadd.s32 $0x4E20, v43;
	v52 =	vld.idx.msk [tilespmem:v11+s21+$0x0], $0xffff  }
0x2d6: {  	v11 =	vadd.s32 $0x7530, v43;
	v53 =	vadd.s32 $0x2710, v44;
	v27 =	vadd.s32 $0x4E20, v44;
	v54 =	vld.idx.msk [tilespmem:v28+s21+$0x0], $0xffff  }
0x2d7: {  	v15 =	vadd.s32 $0x11170, v15;
	v55 =	vld.idx.msk [tilespmem:v17+s21+$0x0], $0xffff;
	v56 =	vadd.s32 $0x2710, v46;
	v28 =	vadd.s32 $0x4E20, v46  }
0x2d8: {  	v57 =	vadd.s32 $0x2710, v47;
	v58 =	vadd.s32 $0x4E20, v47;
	v23 =	vadd.s32 $0x7530, v47;
	v59 =	vld.idx.msk [tilespmem:v18+s21+$0x0], $0xffff  }
0x2d9: {  	v17 =	vadd.s32 $0x7530, v46;
	v18 =	vadd.s32 $0x11170, v16;
	v60 =	vld.idx.msk [tilespmem:v19+s21+$0x0], $0xffff;
	v19 =	vadd.s32 $0x7530, v44  }
0x2da: {  	v16 =	vadd.s32 $0x11170, v36;
	v36 =	vadd.s32 $0x4E20, v31;
	v38 =	vld.idx.msk [tilespmem:v38+s21+$0x0], $0xffff  }
0x2db: {  	v61 =	vadd.s32 $0xEA60, v20;
	v40 =	vld.idx.msk [tilespmem:v40+s21+$0x0], $0xffff  }
0x2dc: {  	v52 =	vadd.f32 v54, v52;
	v42 =	vld.idx.msk [tilespmem:v42+s21+$0x0], $0xffff  }
0x2dd: {  	s22 =	sadd.s32 $0x80, s22;
	v47 =	vld.idx.msk [tilespmem:v47+s21+$0x0], $0xffff  }
0x2de: {  	v37 =	vld.idx.msk [tilespmem:v37+s21+$0x0], $0xffff;
	[tilespmem:s22+$0x30] =	vst v52  }
0x2df: {  	v36 =	vld.idx.msk [tilespmem:v36+s21+$0x0], $0xffff  }
0x2e0: {  	v52 =	vld.idx.msk [tilespmem:v61+s21+$0x0], $0xffff  }
0x2e1: {  	v39 =	vld.idx.msk [tilespmem:v39+s21+$0x0], $0xffff  }
0x2e2: {  	v41 =	vld.idx.msk [tilespmem:v41+s21+$0x0], $0xffff  }
0x2e3: {  	v47 =	vadd.f32 v49, v47;
	v43 =	vld.idx.msk [tilespmem:v43+s21+$0x0], $0xffff  }
0x2e4: {  	v31 =	vadd.s32 $0x7530, v31;
	v37 =	vadd.f32 v55, v37;
	v44 =	vld.idx.msk [tilespmem:v44+s21+$0x0], $0xffff  }
0x2e5: {  	v20 =	vadd.s32 $0x11170, v20;
	[tilespmem:s20+$0xFFFFFFC0] =	vst v47;
	v46 =	vld.idx.msk [tilespmem:v46+s21+$0x0], $0xffff  }
0x2e6: {  	v36 =	vadd.f32 v52, v36;
	v47 =	vld.idx.msk [tilespmem:v57+s21+$0x0], $0xffff;
	[tilespmem:s20+$0xFFFFFFD0] =	vst v37  }
0x2e7: {  	s23 =	sadd.s32 $0x80, s23;
	v37 =	vadd.f32 v59, v39;
	v35 =	vld.idx.msk [tilespmem:v35+s21+$0x0], $0xffff  }
0x2e8: {  	v41 =	vadd.f32 v60, v41;
	v39 =	vld.idx.msk [tilespmem:v45+s21+$0x0], $0xffff;
	[tilespmem:s23+$0x30] =	vst v36  }
0x2e9: {  	v36 =	vadd.f32 v38, v43;
	[tilespmem:s20+$0xFFFFFFE0] =	vst v37;
	v31 =	vld.idx.msk [tilespmem:v31+s21+$0x0], $0xffff  }
0x2ea: {  	v37 =	vadd.f32 v40, v44;
	[tilespmem:s20+$0xFFFFFFF0] =	vst v41;
	v20 =	vld.idx.msk [tilespmem:v20+s21+$0x0], $0xffff  }
0x2eb: {  	v34 =	vld.idx.msk [tilespmem:v34+s21+$0x0], $0xffff;
	[tilespmem:s20+$0x0] =	vst v36;
	v36 =	vadd.f32 v42, v46  }
0x2ec: {  	v38 =	vld.idx.msk [tilespmem:v48+s21+$0x0], $0xffff;
	[tilespmem:s20+$0x10] =	vst v37  }
0x2ed: {  	v35 =	vadd.f32 v35, v47;
	v26 =	vld.idx.msk [tilespmem:v26+s21+$0x0], $0xffff;
	[tilespmem:s20+$0x20] =	vst v36  }
0x2ee: {  	v36 =	vld.idx.msk [tilespmem:v50+s21+$0x0], $0xffff  }
0x2ef: {  	[tilespmem:s22+$0xFFFFFFC0] =	vst v35;
	v24 =	vld.idx.msk [tilespmem:v24+s21+$0x0], $0xffff  }
0x2f0: {  	v20 =	vadd.f32 v20, v31;
	v35 =	vld.idx.msk [tilespmem:v51+s21+$0x0], $0xffff  }
0x2f1: {  	s24 =	sadd.s32 $0x80, s24;
	v31 =	vadd.f32 v34, v39;
	v25 =	vld.idx.msk [tilespmem:v25+s21+$0x0], $0xffff  }
0x2f2: {  	v34 =	vld.idx.msk [tilespmem:v53+s21+$0x0], $0xffff;
	[tilespmem:s24+$0x30] =	vst v20  }
0x2f3: {  	v20 =	vadd.f32 v26, v38;
	[tilespmem:s22+$0xFFFFFFD0] =	vst v31;
	v22 =	vld.idx.msk [tilespmem:v22+s21+$0x0], $0xffff  }
0x2f4: {  	v26 =	vld.idx.msk [tilespmem:v56+s21+$0x0], $0xffff  }
0x2f5: {  	[tilespmem:s22+$0xFFFFFFE0] =	vst v20;
	v20 =	vadd.f32 v24, v36;
	v21 =	vld.idx.msk [tilespmem:v21+s21+$0x0], $0xffff  }
0x2f6: {  	v24 =	vld.idx.msk [tilespmem:v58+s21+$0x0], $0xffff  }
0x2f7: {  	v9 =	vld.idx.msk [tilespmem:v9+s21+$0x0], $0xffff;
	[tilespmem:s22+$0xFFFFFFF0] =	vst v20;
	v20 =	vadd.f32 v25, v35  }
0x2f8: {  	v25 =	vld.idx.msk [tilespmem:v29+s21+$0x0], $0xffff  }
0x2f9: {  	v10 =	vld.idx.msk [tilespmem:v10+s21+$0x0], $0xffff;
	[tilespmem:s22+$0x0] =	vst v20;
	v20 =	vadd.f32 v22, v34  }
0x2fa: {  	v22 =	vld.idx.msk [tilespmem:v32+s21+$0x0], $0xffff  }
0x2fb: {  	v8 =	vld.idx.msk [tilespmem:v8+s21+$0x0], $0xffff;
	[tilespmem:s22+$0x10] =	vst v20;
	v20 =	vadd.f32 v21, v26  }
0x2fc: {  	v21 =	vld.idx.msk [tilespmem:v33+s21+$0x0], $0xffff  }
0x2fd: {  	v9 =	vadd.f32 v9, v24;
	v7 =	vld.idx.msk [tilespmem:v7+s21+$0x0], $0xffff;
	[tilespmem:s22+$0x20] =	vst v20  }
0x2fe: {  	v20 =	vld.idx.msk [tilespmem:v30+s21+$0x0], $0xffff  }
0x2ff: {  	[tilespmem:s23+$0xFFFFFFC0] =	vst v9;
	v9 =	vadd.f32 v10, v25;
	v6 =	vld.idx.msk [tilespmem:v6+s21+$0x0], $0xffff  }
0x300: {  	v10 =	vld.idx.msk [tilespmem:v27+s21+$0x0], $0xffff  }
0x301: {  	v8 =	vadd.f32 v8, v22;
	[tilespmem:s23+$0xFFFFFFD0] =	vst v9;
	v5 =	vld.idx.msk [tilespmem:v5+s21+$0x0], $0xffff  }
0x302: {  	v9 =	vld.idx.msk [tilespmem:v28+s21+$0x0], $0xffff  }
0x303: {  	v7 =	vadd.f32 v7, v21;
	[tilespmem:s23+$0xFFFFFFE0] =	vst v8;
	v4 =	vld.idx.msk [tilespmem:v4+s21+$0x0], $0xffff  }
0x304: {  	v8 =	vld.idx.msk [tilespmem:v23+s21+$0x0], $0xffff  }
0x305: {  	v6 =	vadd.f32 v6, v20;
	v3 =	vld.idx.msk [tilespmem:v3+s21+$0x0], $0xffff;
	[tilespmem:s23+$0xFFFFFFF0] =	vst v7  }
0x306: {  	v7 =	vld.idx.msk [tilespmem:v13+s21+$0x0], $0xffff  }
0x307: {  	v5 =	vadd.f32 v5, v10;
	v2 =	vld.idx.msk [tilespmem:v2+s21+$0x0], $0xffff;
	[tilespmem:s23+$0x0] =	vst v6  }
0x308: {  	v6 =	vld.idx.msk [tilespmem:v14+s21+$0x0], $0xffff  }
0x309: {  	v10 =	vld.idx.msk [tilespmem:v1+s21+$0x0], $0xffff;
	[tilespmem:s23+$0x10] =	vst v5;
	v1 =	vadd.f32 v4, v9  }
0x30a: {  	v5 =	vld.idx.msk [tilespmem:v12+s21+$0x0], $0xffff  }
0x30b: {  	v3 =	vadd.f32 v3, v8;
	v8 =	vld.idx.msk [tilespmem:v0+s21+$0x0], $0xffff;
	[tilespmem:s23+$0x20] =	vst v1  }
0x30c: {  	v0 =	vld.idx.msk [tilespmem:v11+s21+$0x0], $0xffff  }
.Ltmp3:
0x30d: {  	v2 =	vadd.f32 v2, v7;
	[tilespmem:s24+$0xFFFFFFC0] =	vst v3;
	v3 =	vld.idx.msk [tilespmem:v15+s21+$0x0], $0xffff;
	(pc) =	sbr.rel @p0 .LBB2_8-.Ltmp3, $4  }
0x30e: {  	v1 =	vld.idx.msk [tilespmem:v19+s21+$0x0], $0xffff  }
0x30f: {  	v6 =	vadd.f32 v10, v6;
	[tilespmem:s24+$0xFFFFFFD0] =	vst v2;
	v4 =	vld.idx.msk [tilespmem:v18+s21+$0x0], $0xffff  }
0x310: {  	v2 =	vld.idx.msk [tilespmem:v17+s21+$0x0], $0xffff  }
0x311: {  	s26 =	sadd.s32 $0x80, s26;
	[tilespmem:s24+$0xFFFFFFE0] =	vst v6;
	v6 =	vadd.f32 v8, v5;
	v5 =	vld.idx.msk [tilespmem:v16+s21+$0x0], $0xffff  }
0x312: {  	_ =	sdelay $0x1  }
0x313: {  	v0 =	vadd.f32 v3, v0  }
0x314: {  	[tilespmem:s24+$0xFFFFFFF0] =	vst v6;
	v1 =	vadd.f32 v4, v1  }
0x315: {  	[tilespmem:s24+$0x0] =	vst v0;
	v0 =	vadd.f32 v5, v2  }
0x316: {  	[tilespmem:s24+$0x10] =	vst v1  }
0x317: {  	[tilespmem:s24+$0x20] =	vst v0  }
0x318: {  	s20 =	simm.s32 $0x17880;
	s19 =	rddreg [dreg:$0x13]  }
0x319: {  	[hbm4b:s19+s4] =	stream.strided.scatter [tilespmem:s20], [sflag:$0x4], $0x800, s5, s4, $0x38;
	[tilespmem:$0x19880] =	vst v63  }
0x31a: {  	s23 =	simm.s32 $0x18080;
	s22 =	rddreg [dreg:$0x14]  }
0x31b: {  	[hbm4b:s22+s4] =	stream.strided.scatter [tilespmem:s23], [sflag:$0x4], $0x800, s5, s4, $0x38;
	[tilespmem:$0x19880] =	vst v63  }
0x31c: {  	s24 =	simm.s32 $0x18880  }
0x31d: {  	[hbm4b:s2+s4] =	stream.strided.scatter [tilespmem:s24], [sflag:$0x4], $0x800, s5, s4, $0x38;
	[tilespmem:$0x19880] =	vst v63  }
0x31e: {  	s25 =	simm.s32 $0x19080  }
0x31f: {  	[hbm4b:s3+s4] =	stream.strided.scatter [tilespmem:s25], [sflag:$0x4], $0x800, s5, s4, $0x38;
	[tilespmem:$0x19880] =	vst v63  }
0x320: {  	_ =	swait.ge [sflag:s10], $0x800  }
0x321: {  	[sflag:s10] =	ssyncset.done $0x0  }
0x322: {  	[sflag:s10] =	ssyncadd.s32 $0xFFFFF800  }
0x323: {  	_ =	swait.ge [sflag:s10], $0x800  }
0x324: {  	[sflag:s10] =	ssyncset.done $0x0  }
0x325: {  	[sflag:s10] =	ssyncadd.s32 $0xFFFFF800  }
0x326: {  	_ =	swait.ge [sflag:s16], $0x800  }
0x327: {  	[sflag:s16] =	ssyncset.done $0x0  }
0x328: {  	[sflag:s16] =	ssyncadd.s32 $0xFFFFF800  }
0x329: {  	_ =	swait.ge [sflag:s16], $0x800  }
0x32a: {  	[sflag:s16] =	ssyncset.done $0x0  }
0x32b: {  	[sflag:s16] =	ssyncadd.s32 $0xFFFFF800  }
0x32c: {  	_ =	swait.ge [sflag:s16], $0x800  }
0x32d: {  	[sflag:s16] =	ssyncset.done $0x0  }
0x32e: {  	[sflag:s16] =	ssyncadd.s32 $0xFFFFF800  }
0x32f: {  	_ =	swait.ge [sflag:s16], $0x800  }
0x330: {  	[sflag:s16] =	ssyncset.done $0x0  }
0x331: {  	s26 =	simm.s32 $0x148C0;
	[sflag:s16] =	ssyncadd.s32 $0xFFFFF800  }
0x332: {  	s19 =	simm.s32 $0x138C0;
	v13 =	vld [tilespmem:s26+$0x30]  }
0x333: {  	v14 =	vld [tilespmem:s19+$0x30]  }
0x334: {  	v10 =	vld [tilespmem:s26+$0xFFFFFFC0]  }
0x335: {  	v8 =	vld [tilespmem:s26+$0xFFFFFFD0]  }
0x336: {  	v5 =	vld [tilespmem:s26+$0xFFFFFFE0]  }
0x337: {  	v3 =	vld [tilespmem:s26+$0xFFFFFFF0]  }
0x338: {  	v2 =	vld [tilespmem:s26+$0x0]  }
0x339: {  	v1 =	vld [tilespmem:s26+$0x10]  }
0x33a: {  	v21 =	vld [tilespmem:s19+$0xFFFFFFC0]  }
0x33b: {  	v12 =	vld [tilespmem:s19+$0xFFFFFFD0]  }
0x33c: {  	v11 =	vld [tilespmem:s19+$0xFFFFFFE0]  }
0x33d: {  	v9 =	vld [tilespmem:s19+$0xFFFFFFF0]  }
0x33e: {  	v7 =	vld [tilespmem:s19+$0x0]  }
0x33f: {  	v6 =	vld [tilespmem:s19+$0x10]  }
0x340: {  	v0 =	vld [tilespmem:s26+$0x20]  }
0x341: {  	v15 =	vld.idx.msk [tilespmem:v14+s21+$0x0], $0xffff  }
0x342: {  	v57 =	vld.idx.msk [tilespmem:v21+s21+$0x0], $0xffff  }
0x343: {  	v4 =	vadd.s32 $0x9C40, v13;
	v27 =	vld.idx.msk [tilespmem:v12+s21+$0x0], $0xffff  }
0x344: {  	v28 =	vld.idx.msk [tilespmem:v11+s21+$0x0], $0xffff  }
0x345: {  	v17 =	vadd.s32 $0x9C40, v10;
	v30 =	vld.idx.msk [tilespmem:v9+s21+$0x0], $0xffff  }
0x346: {  	v20 =	vadd.s32 $0x9C40, v8;
	v60 =	vld.idx.msk [tilespmem:v7+s21+$0x0], $0xffff  }
0x347: {  	v22 =	vadd.s32 $0x9C40, v3;
	v32 =	vld.idx.msk [tilespmem:v6+s21+$0x0], $0xffff  }
0x348: {  	v23 =	vadd.s32 $0x9C40, v1;
	v16 =	vld.idx.msk [tilespmem:v4+s21+$0x0], $0xffff  }
0x349: {  	v24 =	vadd.s32 $0x9C40, v0;
	v4 =	vld [tilespmem:s19+$0x20]  }
0x34a: {  	v55 =	vadd.s32 $0x9C40, v5;
	v17 =	vld.idx.msk [tilespmem:v17+s21+$0x0], $0xffff  }
0x34b: {  	v56 =	vadd.s32 $0x9C40, v2;
	v20 =	vld.idx.msk [tilespmem:v20+s21+$0x0], $0xffff  }
0x34c: {  	v18 =	vadd.s32 $0x2710, v14;
	v22 =	vld.idx.msk [tilespmem:v22+s21+$0x0], $0xffff  }
0x34d: {  	v19 =	vadd.s32 $0xC350, v13;
	v23 =	vld.idx.msk [tilespmem:v23+s21+$0x0], $0xffff  }
0x34e: {  	v24 =	vld.idx.msk [tilespmem:v24+s21+$0x0], $0xffff;
	v15 =	vadd.f32 v16, v15  }
0x34f: {  	s20 =	simm.s32 $0x158C0;
	v29 =	vadd.s32 $0xC350, v10;
	v16 =	vld.idx.msk [tilespmem:v55+s21+$0x0], $0xffff  }
0x350: {  	v31 =	vadd.s32 $0x2710, v12;
	[tilespmem:s20+$0x30] =	vst v15;
	v15 =	vld.idx.msk [tilespmem:v56+s21+$0x0], $0xffff  }
0x351: {  	v62 =	vadd.s32 $0xC350, v8;
	v17 =	vadd.f32 v17, v57;
	v18 =	vld.idx.msk [tilespmem:v18+s21+$0x0], $0xffff  }
0x352: {  	v39 =	vadd.s32 $0xC350, v3;
	v20 =	vadd.f32 v20, v27;
	v19 =	vld.idx.msk [tilespmem:v19+s21+$0x0], $0xffff  }
0x353: {  	v42 =	vadd.s32 $0x2710, v6;
	[tilespmem:s20+$0xFFFFFFC0] =	vst v17;
	v61 =	vld.idx.msk [tilespmem:v4+s21+$0x0], $0xffff  }
0x354: {  	v44 =	vadd.s32 $0xC350, v1;
	v22 =	vadd.f32 v22, v30;
	[tilespmem:s20+$0xFFFFFFD0] =	vst v20;
	v36 =	vld.idx.msk [tilespmem:v29+s21+$0x0], $0xffff  }
0x355: {  	v37 =	vadd.s32 $0xC350, v5;
	v23 =	vadd.f32 v23, v32;
	v31 =	vld.idx.msk [tilespmem:v31+s21+$0x0], $0xffff  }
0x356: {  	v33 =	vadd.s32 $0x2710, v7;
	[tilespmem:s20+$0xFFFFFFF0] =	vst v22;
	v40 =	vld.idx.msk [tilespmem:v62+s21+$0x0], $0xffff  }
0x357: {  	v41 =	vadd.s32 $0xC350, v2;
	[tilespmem:s20+$0x10] =	vst v23;
	v46 =	vld.idx.msk [tilespmem:v39+s21+$0x0], $0xffff;
	v16 =	vadd.f32 v16, v28  }
0x358: {  	v25 =	vadd.s32 $0x4E20, v14;
	v52 =	vld.idx.msk [tilespmem:v42+s21+$0x0], $0xffff;
	v15 =	vadd.f32 v15, v60  }
0x359: {  	v26 =	vadd.s32 $0xEA60, v13;
	v54 =	vld.idx.msk [tilespmem:v44+s21+$0x0], $0xffff;
	[tilespmem:s20+$0xFFFFFFE0] =	vst v16  }
0x35a: {  	v59 =	vadd.s32 $0x2710, v21;
	v18 =	vadd.f32 v19, v18;
	v43 =	vld.idx.msk [tilespmem:v37+s21+$0x0], $0xffff;
	[tilespmem:s20+$0x0] =	vst v15  }
0x35b: {  	s22 =	simm.s32 $0x160C0;
	v63 =	vadd.s32 $0x2710, v11;
	v48 =	vld.idx.msk [tilespmem:v33+s21+$0x0], $0xffff  }
0x35c: {  	v45 =	vadd.s32 $0x2710, v4;
	[tilespmem:s22+$0x30] =	vst v18;
	v50 =	vld.idx.msk [tilespmem:v41+s21+$0x0], $0xffff  }
0x35d: {  	v53 =	vadd.s32 $0x4E20, v12;
	v18 =	vld.idx.msk [tilespmem:v25+s21+$0x0], $0xffff  }
0x35e: {  	v55 =	vadd.s32 $0xEA60, v8;
	v17 =	vadd.f32 v24, v61;
	v58 =	vld.idx.msk [tilespmem:v26+s21+$0x0], $0xffff  }
0x35f: {  	v47 =	vadd.s32 $0xC350, v0;
	v16 =	vadd.f32 v40, v31;
	v26 =	vld.idx.msk [tilespmem:v59+s21+$0x0], $0xffff  }
0x360: {  	v38 =	vadd.s32 $0x2710, v9;
	[tilespmem:s20+$0x20] =	vst v17;
	v25 =	vld.idx.msk [tilespmem:v63+s21+$0x0], $0xffff  }
0x361: {  	v14 =	vadd.s32 $0x7530, v14;
	[tilespmem:s22+$0xFFFFFFD0] =	vst v16;
	v56 =	vld.idx.msk [tilespmem:v45+s21+$0x0], $0xffff  }
0x362: {  	v13 =	vadd.s32 $0x11170, v13;
	v37 =	vld.idx.msk [tilespmem:v53+s21+$0x0], $0xffff  }
0x363: {  	v49 =	vadd.s32 $0x4E20, v21;
	v39 =	vld.idx.msk [tilespmem:v55+s21+$0x0], $0xffff;
	v18 =	vadd.f32 v58, v18  }
0x364: {  	s23 =	simm.s32 $0x168C0;
	v51 =	vadd.s32 $0xEA60, v10;
	v58 =	vld.idx.msk [tilespmem:v47+s21+$0x0], $0xffff  }
0x365: {  	v57 =	vadd.s32 $0x4E20, v11;
	v20 =	vadd.f32 v36, v26;
	[tilespmem:s23+$0x30] =	vst v18;
	v18 =	vld.idx.msk [tilespmem:v38+s21+$0x0], $0xffff  }
0x366: {  	v59 =	vadd.s32 $0xEA60, v5;
	v14 =	vld.idx.msk [tilespmem:v14+s21+$0x0], $0xffff  }
0x367: {  	v42 =	vadd.s32 $0x4E20, v6;
	v62 =	vadd.f32 v43, v25;
	[tilespmem:s22+$0xFFFFFFC0] =	vst v20;
	v13 =	vld.idx.msk [tilespmem:v13+s21+$0x0], $0xffff  }
0x368: {  	v45 =	vadd.s32 $0xEA60, v1;
	v60 =	vld.idx.msk [tilespmem:v49+s21+$0x0], $0xffff  }
0x369: {  	v12 =	vadd.s32 $0x7530, v12;
	v43 =	vadd.f32 v50, v48;
	v48 =	vadd.f32 v54, v52;
	[tilespmem:s22+$0xFFFFFFE0] =	vst v62;
	v63 =	vld.idx.msk [tilespmem:v51+s21+$0x0], $0xffff  }
0x36a: {  	v8 =	vadd.s32 $0x11170, v8;
	v41 =	vld.idx.msk [tilespmem:v57+s21+$0x0], $0xffff  }
0x36b: {  	v16 =	vadd.f32 v39, v37;
	v38 =	vadd.s32 $0x4E20, v7;
	[tilespmem:s22+$0x10] =	vst v48;
	v44 =	vld.idx.msk [tilespmem:v59+s21+$0x0], $0xffff  }
0x36c: {  	v40 =	vadd.s32 $0xEA60, v2;
	v53 =	vld.idx.msk [tilespmem:v42+s21+$0x0], $0xffff  }
0x36d: {  	v61 =	vadd.s32 $0x4E20, v9;
	[tilespmem:s23+$0xFFFFFFD0] =	vst v16;
	v54 =	vld.idx.msk [tilespmem:v45+s21+$0x0], $0xffff  }
0x36e: {  	v36 =	vadd.s32 $0xEA60, v3;
	v12 =	vld.idx.msk [tilespmem:v12+s21+$0x0], $0xffff  }
0x36f: {  	v47 =	vadd.s32 $0x4E20, v4;
	[tilespmem:s22+$0x0] =	vst v43;
	v8 =	vld.idx.msk [tilespmem:v8+s21+$0x0], $0xffff;
	v15 =	vadd.f32 v46, v18  }
0x370: {  	v50 =	vadd.s32 $0xEA60, v0;
	v51 =	vld.idx.msk [tilespmem:v38+s21+$0x0], $0xffff  }
0x371: {  	v21 =	vadd.s32 $0x7530, v21;
	v52 =	vadd.f32 v58, v56;
	v18 =	vld.idx.msk [tilespmem:v40+s21+$0x0], $0xffff;
	[tilespmem:s22+$0xFFFFFFF0] =	vst v15  }
0x372: {  	v10 =	vadd.s32 $0x11170, v10;
	v46 =	vld.idx.msk [tilespmem:v61+s21+$0x0], $0xffff  }
0x373: {  	v11 =	vadd.s32 $0x7530, v11;
	[tilespmem:s22+$0x20] =	vst v52;
	v19 =	vadd.f32 v63, v60;
	v49 =	vld.idx.msk [tilespmem:v36+s21+$0x0], $0xffff  }
0x374: {  	v5 =	vadd.s32 $0x11170, v5;
	v55 =	vld.idx.msk [tilespmem:v47+s21+$0x0], $0xffff  }
0x375: {  	v7 =	vadd.s32 $0x7530, v7;
	v56 =	vld.idx.msk [tilespmem:v50+s21+$0x0], $0xffff;
	v57 =	vadd.f32 v44, v41;
	[tilespmem:s23+$0xFFFFFFC0] =	vst v19  }
0x376: {  	v9 =	vadd.s32 $0x7530, v9;
	v21 =	vld.idx.msk [tilespmem:v21+s21+$0x0], $0xffff  }
0x377: {  	v3 =	vadd.s32 $0x11170, v3;
	[tilespmem:s23+$0xFFFFFFE0] =	vst v57;
	v10 =	vld.idx.msk [tilespmem:v10+s21+$0x0], $0xffff;
	v59 =	vadd.f32 v18, v51  }
0x378: {  	v6 =	vadd.s32 $0x7530, v6;
	v11 =	vld.idx.msk [tilespmem:v11+s21+$0x0], $0xffff;
	v58 =	vadd.f32 v49, v46  }
0x379: {  	v2 =	vadd.s32 $0x11170, v2;
	v60 =	vadd.s32 $0x11170, v1;
	v1 =	vadd.f32 v13, v14;
	v5 =	vld.idx.msk [tilespmem:v5+s21+$0x0], $0xffff;
	[tilespmem:s23+$0x0] =	vst v59  }
0x37a: {  	s24 =	simm.s32 $0x170C0;
	v63 =	vadd.s32 $0x11170, v0;
	v61 =	vadd.s32 $0x7530, v4;
	v4 =	vadd.f32 v54, v53;
	v0 =	vld.idx.msk [tilespmem:v7+s21+$0x0], $0xffff;
	[tilespmem:s23+$0xFFFFFFF0] =	vst v58  }
0x37b: {  	[tilespmem:s24+$0x30] =	vst v1;
	v1 =	vadd.f32 v56, v55;
	v9 =	vld.idx.msk [tilespmem:v9+s21+$0x0], $0xffff  }
0x37c: {  	[tilespmem:s23+$0x10] =	vst v4;
	v62 =	vld.idx.msk [tilespmem:v3+s21+$0x0], $0xffff  }
0x37d: {  	[tilespmem:s23+$0x20] =	vst v1;
	v1 =	vld.idx.msk [tilespmem:v6+s21+$0x0], $0xffff;
	v4 =	vadd.f32 v10, v21  }
0x37e: {  	v5 =	vadd.f32 v5, v11;
	v3 =	vld.idx.msk [tilespmem:v2+s21+$0x0], $0xffff  }
0x37f: {  	v2 =	vadd.f32 v8, v12;
	[tilespmem:s24+$0xFFFFFFC0] =	vst v4;
	v4 =	vld.idx.msk [tilespmem:v60+s21+$0x0], $0xffff  }
0x380: {  	[tilespmem:s24+$0xFFFFFFE0] =	vst v5;
	v5 =	vld.idx.msk [tilespmem:v63+s21+$0x0], $0xffff  }
0x381: {  	s25 =	simm.s32 $0x0;
	s26 =	simm.s32 $0x14940;
	[tilespmem:s24+$0xFFFFFFD0] =	vst v2;
	v2 =	vld.idx.msk [tilespmem:v61+s21+$0x0], $0xffff;
	v6 =	vadd.f32 v62, v9  }
.LBB2_10:
0x382: {  	v20 =	vld [tilespmem:s26+$0x30];
	s19 =	sadd.s32 $0x80, s19  }
0x383: {  	v0 =	vadd.f32 v3, v0;
	v31 =	vld [tilespmem:s19+$0x30];
	[tilespmem:s24+$0xFFFFFFF0] =	vst v6  }
0x384: {  	v3 =	vld [tilespmem:s26+$0xFFFFFFC0]  }
0x385: {  	s25 =	sadd.s32 $0x8, s25;
	v11 =	vld [tilespmem:s26+$0xFFFFFFD0];
	[tilespmem:s24+$0x0] =	vst v0;
	v0 =	vadd.f32 v4, v1  }
0x386: {  	p0 =	slt.u32 s25, $0x78;
	v1 =	vld [tilespmem:s26+$0xFFFFFFE0]  }
0x387: {  	v12 =	vld [tilespmem:s26+$0xFFFFFFF0];
	v4 =	vadd.s32 $0x9C40, v20;
	[tilespmem:s24+$0x10] =	vst v0;
	v0 =	vadd.f32 v5, v2  }
0x388: {  	v15 =	vld [tilespmem:s26+$0x0]  }
0x389: {  	v14 =	vadd.s32 $0x9C40, v3;
	v35 =	vadd.s32 $0xC350, v3;
	v9 =	vadd.s32 $0xEA60, v3;
	v16 =	vld [tilespmem:s26+$0x10];
	[tilespmem:s24+$0x20] =	vst v0  }
0x38a: {  	v17 =	vadd.s32 $0x9C40, v11;
	v34 =	vadd.s32 $0xC350, v11;
	v10 =	vadd.s32 $0xEA60, v11;
	v36 =	vld [tilespmem:s26+$0x20]  }
0x38b: {  	v18 =	vadd.s32 $0x9C40, v1;
	v26 =	vadd.s32 $0xC350, v1;
	v8 =	vadd.s32 $0xEA60, v1;
	v13 =	vld.idx.msk [tilespmem:v31+s21+$0x0], $0xffff  }
0x38c: {  	v19 =	vadd.s32 $0x9C40, v12;
	v24 =	vadd.s32 $0xC350, v12;
	v7 =	vadd.s32 $0xEA60, v12;
	v23 =	vld.idx.msk [tilespmem:v4+s21+$0x0], $0xffff  }
0x38d: {  	v37 =	vld [tilespmem:s19+$0xFFFFFFD0];
	v38 =	vadd.s32 $0x9C40, v15;
	v25 =	vadd.s32 $0xC350, v15;
	v6 =	vadd.s32 $0xEA60, v15  }
0x38e: {  	v39 =	vld [tilespmem:s19+$0xFFFFFFE0];
	v40 =	vadd.s32 $0x9C40, v16;
	v22 =	vadd.s32 $0xC350, v16;
	v5 =	vadd.s32 $0xEA60, v16  }
0x38f: {  	v41 =	vld [tilespmem:s19+$0xFFFFFFF0];
	v42 =	vadd.s32 $0x9C40, v36;
	v21 =	vadd.s32 $0xC350, v36;
	v4 =	vadd.s32 $0xEA60, v36  }
0x390: {  	v3 =	vadd.s32 $0x11170, v3;
	v2 =	vadd.s32 $0x11170, v11;
	v11 =	vadd.s32 $0x2710, v31;
	v43 =	vld [tilespmem:s19+$0x0]  }
0x391: {  	v28 =	vadd.s32 $0xC350, v20;
	v1 =	vadd.s32 $0x11170, v1;
	v0 =	vadd.s32 $0x11170, v12;
	v44 =	vld [tilespmem:s19+$0x10]  }
0x392: {  	v12 =	vadd.f32 v23, v13;
	v45 =	vadd.s32 $0x2710, v37;
	v29 =	vadd.s32 $0x4E20, v37;
	v46 =	vld [tilespmem:s19+$0x20]  }
0x393: {  	s20 =	sadd.s32 $0x80, s20;
	v13 =	vadd.s32 $0x7530, v37;
	v47 =	vld [tilespmem:s19+$0xFFFFFFC0];
	v48 =	vadd.s32 $0x2710, v39;
	v32 =	vadd.s32 $0x4E20, v39  }
0x394: {  	v49 =	vld.idx.msk [tilespmem:v14+s21+$0x0], $0xffff;
	v14 =	vadd.s32 $0x7530, v39;
	v50 =	vadd.s32 $0x2710, v41;
	v33 =	vadd.s32 $0x4E20, v41;
	[tilespmem:s20+$0x30] =	vst v12  }
0x395: {  	v12 =	vadd.s32 $0x7530, v41;
	v51 =	vadd.s32 $0x2710, v43;
	v30 =	vadd.s32 $0x4E20, v43;
	v52 =	vld.idx.msk [tilespmem:v11+s21+$0x0], $0xffff  }
0x396: {  	v11 =	vadd.s32 $0x7530, v43;
	v53 =	vadd.s32 $0x2710, v44;
	v27 =	vadd.s32 $0x4E20, v44;
	v54 =	vld.idx.msk [tilespmem:v28+s21+$0x0], $0xffff  }
0x397: {  	v15 =	vadd.s32 $0x11170, v15;
	v55 =	vld.idx.msk [tilespmem:v17+s21+$0x0], $0xffff;
	v56 =	vadd.s32 $0x2710, v46;
	v28 =	vadd.s32 $0x4E20, v46  }
0x398: {  	v57 =	vadd.s32 $0x2710, v47;
	v58 =	vadd.s32 $0x4E20, v47;
	v23 =	vadd.s32 $0x7530, v47;
	v59 =	vld.idx.msk [tilespmem:v18+s21+$0x0], $0xffff  }
0x399: {  	v17 =	vadd.s32 $0x7530, v46;
	v18 =	vadd.s32 $0x11170, v16;
	v60 =	vld.idx.msk [tilespmem:v19+s21+$0x0], $0xffff;
	v19 =	vadd.s32 $0x7530, v44  }
0x39a: {  	v16 =	vadd.s32 $0x11170, v36;
	v36 =	vadd.s32 $0x4E20, v31;
	v38 =	vld.idx.msk [tilespmem:v38+s21+$0x0], $0xffff  }
0x39b: {  	v61 =	vadd.s32 $0xEA60, v20;
	v40 =	vld.idx.msk [tilespmem:v40+s21+$0x0], $0xffff  }
0x39c: {  	v52 =	vadd.f32 v54, v52;
	v42 =	vld.idx.msk [tilespmem:v42+s21+$0x0], $0xffff  }
0x39d: {  	s22 =	sadd.s32 $0x80, s22;
	v47 =	vld.idx.msk [tilespmem:v47+s21+$0x0], $0xffff  }
0x39e: {  	v37 =	vld.idx.msk [tilespmem:v37+s21+$0x0], $0xffff;
	[tilespmem:s22+$0x30] =	vst v52  }
0x39f: {  	v36 =	vld.idx.msk [tilespmem:v36+s21+$0x0], $0xffff  }
0x3a0: {  	v52 =	vld.idx.msk [tilespmem:v61+s21+$0x0], $0xffff  }
0x3a1: {  	v39 =	vld.idx.msk [tilespmem:v39+s21+$0x0], $0xffff  }
0x3a2: {  	v41 =	vld.idx.msk [tilespmem:v41+s21+$0x0], $0xffff  }
0x3a3: {  	v47 =	vadd.f32 v49, v47;
	v43 =	vld.idx.msk [tilespmem:v43+s21+$0x0], $0xffff  }
0x3a4: {  	v31 =	vadd.s32 $0x7530, v31;
	v37 =	vadd.f32 v55, v37;
	v44 =	vld.idx.msk [tilespmem:v44+s21+$0x0], $0xffff  }
0x3a5: {  	v20 =	vadd.s32 $0x11170, v20;
	[tilespmem:s20+$0xFFFFFFC0] =	vst v47;
	v46 =	vld.idx.msk [tilespmem:v46+s21+$0x0], $0xffff  }
0x3a6: {  	v36 =	vadd.f32 v52, v36;
	v47 =	vld.idx.msk [tilespmem:v57+s21+$0x0], $0xffff;
	[tilespmem:s20+$0xFFFFFFD0] =	vst v37  }
0x3a7: {  	s23 =	sadd.s32 $0x80, s23;
	v37 =	vadd.f32 v59, v39;
	v35 =	vld.idx.msk [tilespmem:v35+s21+$0x0], $0xffff  }
0x3a8: {  	v41 =	vadd.f32 v60, v41;
	v39 =	vld.idx.msk [tilespmem:v45+s21+$0x0], $0xffff;
	[tilespmem:s23+$0x30] =	vst v36  }
0x3a9: {  	v36 =	vadd.f32 v38, v43;
	[tilespmem:s20+$0xFFFFFFE0] =	vst v37;
	v31 =	vld.idx.msk [tilespmem:v31+s21+$0x0], $0xffff  }
0x3aa: {  	v37 =	vadd.f32 v40, v44;
	[tilespmem:s20+$0xFFFFFFF0] =	vst v41;
	v20 =	vld.idx.msk [tilespmem:v20+s21+$0x0], $0xffff  }
0x3ab: {  	v34 =	vld.idx.msk [tilespmem:v34+s21+$0x0], $0xffff;
	[tilespmem:s20+$0x0] =	vst v36;
	v36 =	vadd.f32 v42, v46  }
0x3ac: {  	v38 =	vld.idx.msk [tilespmem:v48+s21+$0x0], $0xffff;
	[tilespmem:s20+$0x10] =	vst v37  }
0x3ad: {  	v35 =	vadd.f32 v35, v47;
	v26 =	vld.idx.msk [tilespmem:v26+s21+$0x0], $0xffff;
	[tilespmem:s20+$0x20] =	vst v36  }
0x3ae: {  	v36 =	vld.idx.msk [tilespmem:v50+s21+$0x0], $0xffff  }
0x3af: {  	[tilespmem:s22+$0xFFFFFFC0] =	vst v35;
	v24 =	vld.idx.msk [tilespmem:v24+s21+$0x0], $0xffff  }
0x3b0: {  	v20 =	vadd.f32 v20, v31;
	v35 =	vld.idx.msk [tilespmem:v51+s21+$0x0], $0xffff  }
0x3b1: {  	s24 =	sadd.s32 $0x80, s24;
	v31 =	vadd.f32 v34, v39;
	v25 =	vld.idx.msk [tilespmem:v25+s21+$0x0], $0xffff  }
0x3b2: {  	v34 =	vld.idx.msk [tilespmem:v53+s21+$0x0], $0xffff;
	[tilespmem:s24+$0x30] =	vst v20  }
0x3b3: {  	v20 =	vadd.f32 v26, v38;
	[tilespmem:s22+$0xFFFFFFD0] =	vst v31;
	v22 =	vld.idx.msk [tilespmem:v22+s21+$0x0], $0xffff  }
0x3b4: {  	v26 =	vld.idx.msk [tilespmem:v56+s21+$0x0], $0xffff  }
0x3b5: {  	[tilespmem:s22+$0xFFFFFFE0] =	vst v20;
	v20 =	vadd.f32 v24, v36;
	v21 =	vld.idx.msk [tilespmem:v21+s21+$0x0], $0xffff  }
0x3b6: {  	v24 =	vld.idx.msk [tilespmem:v58+s21+$0x0], $0xffff  }
0x3b7: {  	v9 =	vld.idx.msk [tilespmem:v9+s21+$0x0], $0xffff;
	[tilespmem:s22+$0xFFFFFFF0] =	vst v20;
	v20 =	vadd.f32 v25, v35  }
0x3b8: {  	v25 =	vld.idx.msk [tilespmem:v29+s21+$0x0], $0xffff  }
0x3b9: {  	v10 =	vld.idx.msk [tilespmem:v10+s21+$0x0], $0xffff;
	[tilespmem:s22+$0x0] =	vst v20;
	v20 =	vadd.f32 v22, v34  }
0x3ba: {  	v22 =	vld.idx.msk [tilespmem:v32+s21+$0x0], $0xffff  }
0x3bb: {  	v8 =	vld.idx.msk [tilespmem:v8+s21+$0x0], $0xffff;
	[tilespmem:s22+$0x10] =	vst v20;
	v20 =	vadd.f32 v21, v26  }
0x3bc: {  	v21 =	vld.idx.msk [tilespmem:v33+s21+$0x0], $0xffff  }
0x3bd: {  	v9 =	vadd.f32 v9, v24;
	v7 =	vld.idx.msk [tilespmem:v7+s21+$0x0], $0xffff;
	[tilespmem:s22+$0x20] =	vst v20  }
0x3be: {  	v20 =	vld.idx.msk [tilespmem:v30+s21+$0x0], $0xffff  }
0x3bf: {  	[tilespmem:s23+$0xFFFFFFC0] =	vst v9;
	v9 =	vadd.f32 v10, v25;
	v6 =	vld.idx.msk [tilespmem:v6+s21+$0x0], $0xffff  }
0x3c0: {  	v10 =	vld.idx.msk [tilespmem:v27+s21+$0x0], $0xffff  }
0x3c1: {  	v8 =	vadd.f32 v8, v22;
	[tilespmem:s23+$0xFFFFFFD0] =	vst v9;
	v5 =	vld.idx.msk [tilespmem:v5+s21+$0x0], $0xffff  }
0x3c2: {  	v9 =	vld.idx.msk [tilespmem:v28+s21+$0x0], $0xffff  }
0x3c3: {  	v7 =	vadd.f32 v7, v21;
	[tilespmem:s23+$0xFFFFFFE0] =	vst v8;
	v4 =	vld.idx.msk [tilespmem:v4+s21+$0x0], $0xffff  }
0x3c4: {  	v8 =	vld.idx.msk [tilespmem:v23+s21+$0x0], $0xffff  }
0x3c5: {  	v6 =	vadd.f32 v6, v20;
	v3 =	vld.idx.msk [tilespmem:v3+s21+$0x0], $0xffff;
	[tilespmem:s23+$0xFFFFFFF0] =	vst v7  }
0x3c6: {  	v7 =	vld.idx.msk [tilespmem:v13+s21+$0x0], $0xffff  }
0x3c7: {  	v5 =	vadd.f32 v5, v10;
	v2 =	vld.idx.msk [tilespmem:v2+s21+$0x0], $0xffff;
	[tilespmem:s23+$0x0] =	vst v6  }
0x3c8: {  	v6 =	vld.idx.msk [tilespmem:v14+s21+$0x0], $0xffff  }
0x3c9: {  	v10 =	vld.idx.msk [tilespmem:v1+s21+$0x0], $0xffff;
	[tilespmem:s23+$0x10] =	vst v5;
	v1 =	vadd.f32 v4, v9  }
0x3ca: {  	v5 =	vld.idx.msk [tilespmem:v12+s21+$0x0], $0xffff  }
0x3cb: {  	v3 =	vadd.f32 v3, v8;
	v8 =	vld.idx.msk [tilespmem:v0+s21+$0x0], $0xffff;
	[tilespmem:s23+$0x20] =	vst v1  }
0x3cc: {  	v0 =	vld.idx.msk [tilespmem:v11+s21+$0x0], $0xffff  }
.Ltmp4:
0x3cd: {  	v2 =	vadd.f32 v2, v7;
	[tilespmem:s24+$0xFFFFFFC0] =	vst v3;
	v3 =	vld.idx.msk [tilespmem:v15+s21+$0x0], $0xffff;
	(pc) =	sbr.rel @p0 .LBB2_10-.Ltmp4, $4  }
0x3ce: {  	v1 =	vld.idx.msk [tilespmem:v19+s21+$0x0], $0xffff  }
0x3cf: {  	v6 =	vadd.f32 v10, v6;
	[tilespmem:s24+$0xFFFFFFD0] =	vst v2;
	v4 =	vld.idx.msk [tilespmem:v18+s21+$0x0], $0xffff  }
0x3d0: {  	v2 =	vld.idx.msk [tilespmem:v17+s21+$0x0], $0xffff  }
0x3d1: {  	s26 =	sadd.s32 $0x80, s26;
	[tilespmem:s24+$0xFFFFFFE0] =	vst v6;
	v6 =	vadd.f32 v8, v5;
	v5 =	vld.idx.msk [tilespmem:v16+s21+$0x0], $0xffff  }
0x3d2: {  	_ =	sdelay $0x1  }
0x3d3: {  	v0 =	vadd.f32 v3, v0  }
0x3d4: {  	[tilespmem:s24+$0xFFFFFFF0] =	vst v6;
	v1 =	vadd.f32 v4, v1  }
0x3d5: {  	[tilespmem:s24+$0x0] =	vst v0;
	v63 =	vadd.f32 v5, v2  }
0x3d6: {  	[tilespmem:s24+$0x10] =	vst v1  }
0x3d7: {  	[tilespmem:s24+$0x20] =	vst v63  }
0x3d8: {  	s19 =	rddreg [dreg:$0x15]  }
0x3d9: {  	[hbm4b:s19+s4] =	stream.strided.scatter [tilespmem:s11], [sflag:$0x3], $0x800, s5, s4, $0x38;
	[tilespmem:$0x19880] =	vst v63  }
0x3da: {  	s23 =	rddreg [dreg:$0x16]  }
0x3db: {  	[hbm4b:s23+s4] =	stream.strided.scatter [tilespmem:s12], [sflag:$0x3], $0x800, s5, s4, $0x38;
	[tilespmem:$0x19880] =	vst v63  }
0x3dc: {  	s24 =	rddreg [dreg:$0x18]  }
0x3dd: {  	[hbm4b:s24+s4] =	stream.strided.scatter [tilespmem:s13], [sflag:$0x3], $0x800, s5, s4, $0x38;
	[tilespmem:$0x19880] =	vst v63  }
0x3de: {  	s25 =	rddreg [dreg:$0x19]  }
0x3df: {  	[hbm4b:s25+s4] =	stream.strided.scatter [tilespmem:s14], [sflag:$0x3], $0x800, s5, s4, $0x38;
	[tilespmem:$0x19880] =	vst v63  }
0x3e0: {  	_ =	swait.ge [sflag:s16], $0x800  }
0x3e1: {  	[sflag:s16] =	ssyncset.done $0x0  }
0x3e2: {  	[sflag:s16] =	ssyncadd.s32 $0xFFFFF800  }
0x3e3: {  	_ =	swait.ge [sflag:s16], $0x800  }
0x3e4: {  	[sflag:s16] =	ssyncset.done $0x0  }
0x3e5: {  	[sflag:s16] =	ssyncadd.s32 $0xFFFFF800  }
0x3e6: {  	_ =	swait.ge [sflag:s16], $0x800  }
0x3e7: {  	[sflag:s16] =	ssyncset.done $0x0  }
0x3e8: {  	[sflag:s16] =	ssyncadd.s32 $0xFFFFF800  }
0x3e9: {  	_ =	swait.ge [sflag:s16], $0x800  }
0x3ea: {  	[sflag:s16] =	ssyncset.done $0x0  }
0x3eb: {  	[sflag:s16] =	ssyncadd.s32 $0xFFFFF800  }
0x3ec: {  	_ =	swait.ge [sflag:s17], $0x800  }
0x3ed: {  	[sflag:s17] =	ssyncset.done $0x0  }
0x3ee: {  	[sflag:s17] =	ssyncadd.s32 $0xFFFFF800  }
0x3ef: {  	_ =	swait.ge [sflag:s17], $0x800  }
0x3f0: {  	[sflag:s17] =	ssyncset.done $0x0  }
0x3f1: {  	[sflag:s17] =	ssyncadd.s32 $0xFFFFF800  }
0x3f2: {  	_ =	swait.ge [sflag:s17], $0x800  }
0x3f3: {  	[sflag:s17] =	ssyncset.done $0x0  }
0x3f4: {  	[sflag:s17] =	ssyncadd.s32 $0xFFFFF800  }
0x3f5: {  	_ =	swait.ge [sflag:s17], $0x800  }
0x3f6: {  	s18 =	sadd.s32 $0x1, s18;
	s26 =	rddreg [dreg:$0x1a]  }
0x3f7: {  	p0 =	sne.s32 s18, s26  }
.Ltmp5:
0x3f8: {  	_ = 	snop;
	(pc) =	sbr.rel @p0 .LBB2_1-.Ltmp5, $3  }
0x3f9: {  	_ =	sdelay $0x1  }
0x3fa: {  	[sflag:s17] =	ssyncset.done $0x0  }
0x3fb: {  	[sflag:s17] =	ssyncadd.s32 $0xFFFFF800  }
0x3fc: {  	_ =	sfence.sel $0x180000  }
0x3fd: {  	[bflag:$0x0] =	sbarrier.arrive $0xFFFF  }
0x3fe: {  	_ =	strace $0x90000047  }
0x3ff: {  	s0 =	stileid.u32;
	[bflag:$0x2] =	sbarrier.arrive $0xFFFF  }
0x400: {  	p0 =	sne.s32 s0, $0x0;
	s0 =	rddreg [dreg:$0x3]  }
0x401: {  	s0 =	sadd.s32 @!p0 $0x100000, s0  }
0x402: {  	[sflag:s0] =	ssyncadd.tile.s32 @!p0 $0x1;
	_ =	shalt  }
.Lfunc_end2:
_tile_overlayer_lowered:
.L_overlay_start_2:
0x403: {  	(tag) =	ssettag $0x2  }
0x404: {  	s0 =	rddreg [dreg:$0x0];
	s2 =	stileid.u32  }
0x405: {  	s1 =	rddreg [dreg:$0x1];
	p0 =	sne.s32 s2, $0x0  }
0x406: {  	s3 =	rddreg [dreg:$0x2];
	[bflag:$0x3] =	sbarrier.arrive $0xFFFF;
	s2 =	simm.s32 @!p0 $0x1C05  }
0x407: {  	[timem:s3], [sflag:s2] =	dma.local @!p0 [hbm:s0], s1  }
0x408: {  	s0 =	simm.s32 @!p0 $0x5  }
0x409: {  	_ =	swait.ge @!p0 [sflag:s0], s1  }
0x40a: {  	s1 =	ssub.s32 @!p0 $0x0, s1;
	[sflag:s0] =	ssyncset.done @!p0 $0x0  }
0x40b: {  	[sflag:s0] =	ssyncadd.s32 @!p0 s1  }
0x40c: {  	[bflag:$0x3] =	sbarrier.arrive $0xFFFF  }
0x40d: {  	_ =	shalt  }

</sc_bundles>
